<compile_context>
chip_gen: v7x
topology: tpu7x:2x2x1
jax: 0.10.2.dev20260603
libtpu: 0.0.44.dev20260713+nightly
codegen_flags: <defaults>
</compile_context>

<pallas_src>
import functools

import jax
import jax.numpy as jnp
from jax import lax
from jax.experimental import pallas as pl
from jax.experimental.pallas import tpu as pltpu
from jax.experimental.pallas import tpu_sc as plsc

N = 5000
K = 16
NPAD = 5120
BI = 256
GRID = NPAD // BI
GR = 256
IDX_MASK = 8191
NEG_HALF_INV_SIG4 = -0.5 / (1.5 * 1.5)

NC, NS = 2, 16
NW = NC * NS
BW = NPAD // NW
VECS = BW // 16


def _bitonic_cleanup(v):
    n = len(v)
    d = n // 2
    while d >= 1:
        for i in range(n):
            if (i & d) == 0 and (i | d) < n:
                lo = jnp.minimum(v[i], v[i + d])
                hi = jnp.maximum(v[i], v[i + d])
                v[i], v[i + d] = lo, hi
        d //= 2
    return v


def _merge_full(a, b):
    if len(a) == 1:
        return [jnp.minimum(a[0], b[0]), jnp.maximum(a[0], b[0])]
    ev = _merge_full(a[0::2], b[0::2])
    od = _merge_full(a[1::2], b[1::2])
    res = [ev[0]]
    for i in range(len(ev) - 1):
        res.append(jnp.minimum(od[i], ev[i + 1]))
        res.append(jnp.maximum(od[i], ev[i + 1]))
    res.append(od[-1])
    return res


def _merge_low(a, b):
    m = len(a)
    c = [jnp.minimum(a[i], b[m - 1 - i]) if m - 1 - i < len(b) else a[i]
         for i in range(m)]
    return _bitonic_cleanup(c)


def _topk_body(m1_ref, m2_ref, ch1_ref, ch2t_ref, idx_ref, ch2p_ref):
    x2 = ch2t_ref[0:1, :]
    y2 = ch2t_ref[1:2, :]
    xy2 = x2 * y2
    x2p = m1_ref[0, 0] + m1_ref[0, 1] * y2 + m1_ref[1, 0] * x2 + m1_ref[1, 1] * xy2
    y2p = m2_ref[0, 0] + m2_ref[0, 1] * y2 + m2_ref[1, 0] * x2 + m2_ref[1, 1] * xy2

    @pl.when(pl.program_id(0) == 0)
    def _():
        ch2p_ref[0:1, :] = x2p
        ch2p_ref[1:2, :] = y2p

    lane = lax.broadcasted_iota(jnp.int32, (1, 128), 1)

    def group_body(g, carry):
        r0 = g * GR
        x1 = ch1_ref[pl.ds(r0, GR), 0:1]
        y1 = ch1_ref[pl.ds(r0, GR), 1:2]
        lists = []
        for c in range(NPAD // 128):
            xc = x2p[0:1, c * 128:(c + 1) * 128]
            yc = y2p[0:1, c * 128:(c + 1) * 128]
            dx = x1 - xc
            dy = y1 - yc
            d2 = dx * dx + dy * dy
            ki = lax.bitcast_convert_type(d2, jnp.int32)
            ki = jnp.bitwise_or(jnp.bitwise_and(ki, jnp.int32(-8192)),
                                lane + (c * 128))
            key = lax.bitcast_convert_type(ki, jnp.float32)
            if (c + 1) * 128 > N:
                key = jnp.where(lane + (c * 128) >= N,
                                jnp.float32(jnp.inf), key)
            lists.append([key])
        while len(lists) > 1:
            nxt = []
            for i in range(0, len(lists) - 1, 2):
                a, b = lists[i], lists[i + 1]
                if len(a) + len(b) > K:
                    nxt.append(_merge_low(a, b))
                else:
                    nxt.append(_merge_full(a, b))
            if len(lists) % 2:
                nxt.append(lists[-1])
            lists = nxt
        s = lists[0]
        cols = []
        for r in range(K):
            mn = jnp.min(s[0], axis=1, keepdims=True)
            cols.append(
                jnp.bitwise_and(lax.bitcast_convert_type(mn, jnp.int32),
                                IDX_MASK)
            )
            if r < K - 1:
                won = s[0] == mn
                depth = K - r
                for k in range(depth - 1):
                    s[k] = jnp.where(won, s[k + 1], s[k])
        idx_ref[pl.ds(r0, GR), :] = jnp.concatenate(cols, axis=1)
        return carry

    lax.fori_loop(0, BI // GR, group_body, 0)


_topk_call = pl.pallas_call(
    _topk_body,
    grid=(GRID,),
    in_specs=[
        pl.BlockSpec(memory_space=pltpu.SMEM),
        pl.BlockSpec(memory_space=pltpu.SMEM),
        pl.BlockSpec((BI, 2), lambda i: (i, 0)),
        pl.BlockSpec((2, NPAD), lambda i: (0, 0)),
    ],
    out_specs=[
        pl.BlockSpec((BI, K), lambda i: (i, 0)),
        pl.BlockSpec((2, NPAD), lambda i: (0, 0)),
    ],
    out_shape=[
        jax.ShapeDtypeStruct((NPAD, K), jnp.int32),
        jax.ShapeDtypeStruct((2, NPAD), jnp.float32),
    ],
)


def _sc_body(ch2px_hbm, ch2py_hbm, ch1f_hbm, j_hbm, s_hbm,
             xs_v, ys_v, jv, c1_v, sv, sem):
    wid = lax.axis_index("s") * NC + lax.axis_index("c")
    base = wid * BW
    copies = [
        pltpu.async_copy(ch2px_hbm, xs_v, sem),
        pltpu.async_copy(ch2py_hbm, ys_v, sem),
        pltpu.async_copy(ch1f_hbm.at[pl.ds(2 * base, 2 * BW)], c1_v, sem),
    ]
    copies += [
        pltpu.async_copy(j_hbm.at[pl.ds(a * NPAD + base, BW)],
                         jv.at[pl.ds(a * BW, BW)], sem)
        for a in range(K)
    ]
    for c in copies:
        c.wait()

    lane16 = lax.broadcasted_iota(jnp.int32, (16,), 0)

    def vbody(v, carry):
        off = v * 16
        i2 = (lane16 + off) * 2
        bx = plsc.load_gather(c1_v, [i2])
        by = plsc.load_gather(c1_v, [i2 + 1])
        acc = jnp.zeros((16,), jnp.float32)
        for a in range(K):
            idx = jv[pl.ds(a * BW + off, 16)]
            gx = plsc.load_gather(xs_v, [idx])
            gy = plsc.load_gather(ys_v, [idx])
            dx = bx - gx
            dy = by - gy
            acc = acc + jnp.exp((dx * dx + dy * dy) * NEG_HALF_INV_SIG4)
        sv[pl.ds(off, 16)] = acc * jnp.float32(1.0 / N)
        return carry

    lax.fori_loop(0, VECS, vbody, 0)
    pltpu.sync_copy(sv, s_hbm.at[pl.ds(base, BW)])


@functools.cache
def _get_sc_call():
    return pl.kernel(
        _sc_body,
        out_type=jax.ShapeDtypeStruct((NPAD,), jnp.float32),
        mesh=plsc.VectorSubcoreMesh(
            core_axis_name="c", subcore_axis_name="s", num_cores=NC, num_subcores=NS
        ),
        compiler_params=pltpu.CompilerParams(needs_layout_passes=False),
        scratch_types=[
            pltpu.VMEM((NPAD,), jnp.float32),
            pltpu.VMEM((NPAD,), jnp.float32),
            pltpu.VMEM((K * BW,), jnp.int32),
            pltpu.VMEM((2 * BW,), jnp.float32),
            pltpu.VMEM((BW,), jnp.float32),
            pltpu.SemaphoreType.DMA,
        ],
    )


def _logsum_body(s_ref, o_ref):
    s = s_ref[...]
    col = lax.broadcasted_iota(jnp.int32, (1, NPAD), 1)
    valid = jnp.logical_and(col < N, s != 0.0)
    t = jnp.where(valid, jnp.log(jnp.where(valid, s, 1.0)), 0.0)
    o_ref[0, 0] = -jnp.sum(t)


_logsum_call = pl.pallas_call(
    _logsum_body,
    in_specs=[pl.BlockSpec((1, NPAD), lambda: (0, 0))],
    out_specs=pl.BlockSpec(memory_space=pltpu.SMEM),
    out_shape=jax.ShapeDtypeStruct((1, 1), jnp.float32),
)


def kernel(ch1, ch2, M1, M2):
    pad = ((0, NPAD - N), (0, 0))
    ch1p = jnp.pad(ch1, pad)
    ch2t = jnp.pad(ch2, pad).T
    idx_pad, ch2p_t = _topk_call(M1, M2, ch1p, ch2t)
    j = idx_pad[:N].reshape(K, N)
    jflat = jnp.pad(j, ((0, 0), (0, NPAD - N))).reshape(-1)
    s = _get_sc_call()(ch2p_t[0], ch2p_t[1], ch1p.reshape(-1), jflat)
    out = _logsum_call(s.reshape(1, NPAD))
    return out[0, 0]

# --- scband reference (transcript-rebuilt; emitter-appended) ---
"""Pipeline reference for scband-polynomial-module-54425825575575 (READ-ONLY COPY).

The authoritative reference and input builder live on the scoring server;
editing this copy changes nothing except your own understanding.
"""

import jax, jax.numpy as jnp
import numpy as np

K_NN = 16
TYPICAL_CRLB = 0.15 * 100 / 10  # = 1.5


def polynomial(x, M1, M2):
    # Faithful to Polynomial.call: y = sum over i,j of stack([M1[i,j]*x1**i*x2**j, M2[i,j]*x1**i*x2**j], axis=1)
    y = jnp.zeros_like(x)
    for i in range(2):
        for j in range(2):
            term = jnp.stack([
                M1[i, j] * x[:, 0] ** i * x[:, 1] ** j,
                M2[i, j] * x[:, 0] ** i * x[:, 1] ** j,
            ], axis=1)
            y = y + term
    return y


def knn(ch1, ch2, k):
    N = ch1.shape[0]
    distances = jnp.square(ch1[None, :, :] - ch2[:, None, :])  # [N_j, N_i, 2]
    abs_distances = jnp.sum(distances, axis=2)  # [j, i]
    neg_distances = -jnp.transpose(abs_distances)  # [i, j]
    _, indx = jax.lax.top_k(neg_distances, k)  # [N, k]
    indx_flat = indx.reshape(-1)  # [N*k]
    indx1 = (np.linspace(0, N - 1, N, dtype=int) * np.ones([k, 1], dtype=int)).reshape(-1)  # [N*k], faithful to original reshape order
    gathered = distances[indx_flat, indx1, :]  # gather_nd equivalent -> [N*k, 2]
    return gathered.reshape(k, N, 2)


def kl_divergence(ch1, ch2, k=K_NN):
    N = ch1.shape[0]
    sigma2_j = TYPICAL_CRLB * jnp.ones([k, N, 2], dtype=jnp.float32)
    dist_squared = knn(ch1, ch2, k)
    return 0.5 * jnp.sum(dist_squared / sigma2_j ** 2, axis=2)  # [k, N]


def rel_entropy(ch1, ch2):
    N = ch1.shape[0]
    expDistances = jnp.sum(jnp.exp(-1.0 * kl_divergence(ch1, ch2)) / N, axis=0)  # [N]
    # tf.boolean_mask over nonzero entries, rewritten shape-statically (equivalent math):
    mask = expDistances != 0
    safe = jnp.where(mask, expDistances, 1.0)
    return -1.0 * jnp.sum(jnp.where(mask, jnp.log(safe), 0.0))


def setup_inputs(seed: int = 0):
    key = jax.random.key(seed)
    k1, k2 = jax.random.split(key)
    N = 5000
    ch1 = jax.random.normal(k1, (N, 2), dtype=jnp.float32)
    ch2 = jax.random.normal(k2, (N, 2), dtype=jnp.float32)
    # Learned parameters of Polynomial sublayer (initial values from __init__)
    M1 = jnp.array([[0.0, 0.0], [1.0, 0.0]], dtype=jnp.float32)
    M2 = jnp.array([[0.0, 1.0], [0.0, 0.0]], dtype=jnp.float32)
    return {"ch1": ch1, "ch2": ch2, "M1": M1, "M2": M2}


def reference(ch1, ch2, M1, M2):
    ch2_mapped = polynomial(ch2, M1, M2)
    return rel_entropy(ch1, ch2_mapped)

if __name__ == "__main__":
    import jax
    _d = setup_inputs()
    print(jax.jit(kernel)(*tuple(_d.values())))

</pallas_src>

<mosaic_0001>
#map = affine_map<(d0, d1) -> (0)>
module attributes {stable_mosaic.version = 14 : i64} {
  func.func @_sc_body(%arg0: i32, %arg1: i32, %arg2: memref<5120xf32, #tpu.memory_space<hbm>>, %arg3: memref<5120xf32, #tpu.memory_space<hbm>>, %arg4: memref<10240xf32, #tpu.memory_space<hbm>>, %arg5: memref<81920xi32, #tpu.memory_space<hbm>>, %arg6: memref<5120xf32, #tpu.memory_space<hbm>>, %arg7: memref<5120xf32, #tpu.memory_space<vmem>>, %arg8: memref<5120xf32, #tpu.memory_space<vmem>>, %arg9: memref<2560xi32, #tpu.memory_space<vmem>>, %arg10: memref<320xf32, #tpu.memory_space<vmem>>, %arg11: memref<160xf32, #tpu.memory_space<vmem>>, %arg12: memref<!tpu.dma_semaphore, #tpu.memory_space<semaphore_mem>>) attributes {dimension_semantics = [#tpu.dimension_semantics<core_parallel>, #tpu.dimension_semantics<subcore_parallel>], iteration_bounds = array<i64: 2, 16>, scalar_prefetch = 0 : i64, scratch_operands = 6 : i64, tpu.core_type = #tpu.core_type<sc_vector_subcore>, window_params = [{transform_indices = #map}, {transform_indices = #map}, {transform_indices = #map}, {transform_indices = #map}, {transform_indices = #map}]} {
    %mul3A = arith.constant 2 : i32
    %mul3A_0 = arith.muli %arg1, %mul3A : i32
    %add3A = arith.addi %mul3A_0, %arg0 : i32
    %mul3A_1 = arith.constant 160 : i32
    %mul3A_2 = arith.muli %add3A, %mul3A_1 : i32
    tpu.enqueue_dma source(%arg2 : memref<5120xf32, #tpu.memory_space<hbm>>) target(%arg7 : memref<5120xf32, #tpu.memory_space<vmem>>) target_semaphore(%arg12 : memref<!tpu.dma_semaphore, #tpu.memory_space<semaphore_mem>>)
    tpu.enqueue_dma source(%arg3 : memref<5120xf32, #tpu.memory_space<hbm>>) target(%arg8 : memref<5120xf32, #tpu.memory_space<vmem>>) target_semaphore(%arg12 : memref<!tpu.dma_semaphore, #tpu.memory_space<semaphore_mem>>)
    %mul3A_3 = arith.constant 2 : i32
    %mul3A_4 = arith.muli %mul3A_3, %mul3A_2 : i32
    %dma_start3A = tpu.memref_slice %arg4[%mul3A_4] : memref<10240xf32, #tpu.memory_space<hbm>> -> memref<320xf32, #tpu.memory_space<hbm>>
    %dma_start3A_5 = tpu.memref_slice %arg4[%mul3A_4] : memref<10240xf32, #tpu.memory_space<hbm>> -> memref<320xf32, #tpu.memory_space<hbm>>
    tpu.enqueue_dma source(%dma_start3A_5 : memref<320xf32, #tpu.memory_space<hbm>>) target(%arg10 : memref<320xf32, #tpu.memory_space<vmem>>) target_semaphore(%arg12 : memref<!tpu.dma_semaphore, #tpu.memory_space<semaphore_mem>>)
    %add3A_6 = arith.constant 0 : i32
    %add3A_7 = arith.addi %add3A_6, %mul3A_2 : i32
    %dma_start3A_8 = arith.constant 0 : i32
    %dma_start3A_9 = tpu.memref_slice %arg9[%dma_start3A_8] : memref<2560xi32, #tpu.memory_space<vmem>> -> memref<160xi32, #tpu.memory_space<vmem>>
    %dma_start3A_10 = tpu.memref_slice %arg5[%add3A_7] : memref<81920xi32, #tpu.memory_space<hbm>> -> memref<160xi32, #tpu.memory_space<hbm>>
    %dma_start3A_11 = arith.constant 0 : i32
    %dma_start3A_12 = tpu.memref_slice %arg9[%dma_start3A_11] : memref<2560xi32, #tpu.memory_space<vmem>> -> memref<160xi32, #tpu.memory_space<vmem>>
    %dma_start3A_13 = tpu.memref_slice %arg5[%add3A_7] : memref<81920xi32, #tpu.memory_space<hbm>> -> memref<160xi32, #tpu.memory_space<hbm>>
    tpu.enqueue_dma source(%dma_start3A_13 : memref<160xi32, #tpu.memory_space<hbm>>) target(%dma_start3A_12 : memref<160xi32, #tpu.memory_space<vmem>>) target_semaphore(%arg12 : memref<!tpu.dma_semaphore, #tpu.memory_space<semaphore_mem>>)
    %add3A_14 = arith.constant 5120 : i32
    %add3A_15 = arith.addi %add3A_14, %mul3A_2 : i32
    %dma_start3A_16 = arith.constant 160 : i32
    %dma_start3A_17 = tpu.memref_slice %arg9[%dma_start3A_16] : memref<2560xi32, #tpu.memory_space<vmem>> -> memref<160xi32, #tpu.memory_space<vmem>>
    %dma_start3A_18 = tpu.memref_slice %arg5[%add3A_15] : memref<81920xi32, #tpu.memory_space<hbm>> -> memref<160xi32, #tpu.memory_space<hbm>>
    %dma_start3A_19 = arith.constant 160 : i32
    %dma_start3A_20 = tpu.memref_slice %arg9[%dma_start3A_19] : memref<2560xi32, #tpu.memory_space<vmem>> -> memref<160xi32, #tpu.memory_space<vmem>>
    %dma_start3A_21 = tpu.memref_slice %arg5[%add3A_15] : memref<81920xi32, #tpu.memory_space<hbm>> -> memref<160xi32, #tpu.memory_space<hbm>>
    tpu.enqueue_dma source(%dma_start3A_21 : memref<160xi32, #tpu.memory_space<hbm>>) target(%dma_start3A_20 : memref<160xi32, #tpu.memory_space<vmem>>) target_semaphore(%arg12 : memref<!tpu.dma_semaphore, #tpu.memory_space<semaphore_mem>>)
    %add3A_22 = arith.constant 10240 : i32
    %add3A_23 = arith.addi %add3A_22, %mul3A_2 : i32
    %dma_start3A_24 = arith.constant 320 : i32
    %dma_start3A_25 = tpu.memref_slice %arg9[%dma_start3A_24] : memref<2560xi32, #tpu.memory_space<vmem>> -> memref<160xi32, #tpu.memory_space<vmem>>
    %dma_start3A_26 = tpu.memref_slice %arg5[%add3A_23] : memref<81920xi32, #tpu.memory_space<hbm>> -> memref<160xi32, #tpu.memory_space<hbm>>
    %dma_start3A_27 = arith.constant 320 : i32
    %dma_start3A_28 = tpu.memref_slice %arg9[%dma_start3A_27] : memref<2560xi32, #tpu.memory_space<vmem>> -> memref<160xi32, #tpu.memory_space<vmem>>
    %dma_start3A_29 = tpu.memref_slice %arg5[%add3A_23] : memref<81920xi32, #tpu.memory_space<hbm>> -> memref<160xi32, #tpu.memory_space<hbm>>
    tpu.enqueue_dma source(%dma_start3A_29 : memref<160xi32, #tpu.memory_space<hbm>>) target(%dma_start3A_28 : memref<160xi32, #tpu.memory_space<vmem>>) target_semaphore(%arg12 : memref<!tpu.dma_semaphore, #tpu.memory_space<semaphore_mem>>)
    %add3A_30 = arith.constant 15360 : i32
    %add3A_31 = arith.addi %add3A_30, %mul3A_2 : i32
    %dma_start3A_32 = arith.constant 480 : i32
    %dma_start3A_33 = tpu.memref_slice %arg9[%dma_start3A_32] : memref<2560xi32, #tpu.memory_space<vmem>> -> memref<160xi32, #tpu.memory_space<vmem>>
    %dma_start3A_34 = tpu.memref_slice %arg5[%add3A_31] : memref<81920xi32, #tpu.memory_space<hbm>> -> memref<160xi32, #tpu.memory_space<hbm>>
    %dma_start3A_35 = arith.constant 480 : i32
    %dma_start3A_36 = tpu.memref_slice %arg9[%dma_start3A_35] : memref<2560xi32, #tpu.memory_space<vmem>> -> memref<160xi32, #tpu.memory_space<vmem>>
    %dma_start3A_37 = tpu.memref_slice %arg5[%add3A_31] : memref<81920xi32, #tpu.memory_space<hbm>> -> memref<160xi32, #tpu.memory_space<hbm>>
    tpu.enqueue_dma source(%dma_start3A_37 : memref<160xi32, #tpu.memory_space<hbm>>) target(%dma_start3A_36 : memref<160xi32, #tpu.memory_space<vmem>>) target_semaphore(%arg12 : memref<!tpu.dma_semaphore, #tpu.memory_space<semaphore_mem>>)
    %add3A_38 = arith.constant 20480 : i32
    %add3A_39 = arith.addi %add3A_38, %mul3A_2 : i32
    %dma_start3A_40 = arith.constant 640 : i32
    %dma_start3A_41 = tpu.memref_slice %arg9[%dma_start3A_40] : memref<2560xi32, #tpu.memory_space<vmem>> -> memref<160xi32, #tpu.memory_space<vmem>>
    %dma_start3A_42 = tpu.memref_slice %arg5[%add3A_39] : memref<81920xi32, #tpu.memory_space<hbm>> -> memref<160xi32, #tpu.memory_space<hbm>>
    %dma_start3A_43 = arith.constant 640 : i32
    %dma_start3A_44 = tpu.memref_slice %arg9[%dma_start3A_43] : memref<2560xi32, #tpu.memory_space<vmem>> -> memref<160xi32, #tpu.memory_space<vmem>>
    %dma_start3A_45 = tpu.memref_slice %arg5[%add3A_39] : memref<81920xi32, #tpu.memory_space<hbm>> -> memref<160xi32, #tpu.memory_space<hbm>>
    tpu.enqueue_dma source(%dma_start3A_45 : memref<160xi32, #tpu.memory_space<hbm>>) target(%dma_start3A_44 : memref<160xi32, #tpu.memory_space<vmem>>) target_semaphore(%arg12 : memref<!tpu.dma_semaphore, #tpu.memory_space<semaphore_mem>>)
    %add3A_46 = arith.constant 25600 : i32
    %add3A_47 = arith.addi %add3A_46, %mul3A_2 : i32
    %dma_start3A_48 = arith.constant 800 : i32
    %dma_start3A_49 = tpu.memref_slice %arg9[%dma_start3A_48] : memref<2560xi32, #tpu.memory_space<vmem>> -> memref<160xi32, #tpu.memory_space<vmem>>
    %dma_start3A_50 = tpu.memref_slice %arg5[%add3A_47] : memref<81920xi32, #tpu.memory_space<hbm>> -> memref<160xi32, #tpu.memory_space<hbm>>
    %dma_start3A_51 = arith.constant 800 : i32
    %dma_start3A_52 = tpu.memref_slice %arg9[%dma_start3A_51] : memref<2560xi32, #tpu.memory_space<vmem>> -> memref<160xi32, #tpu.memory_space<vmem>>
    %dma_start3A_53 = tpu.memref_slice %arg5[%add3A_47] : memref<81920xi32, #tpu.memory_space<hbm>> -> memref<160xi32, #tpu.memory_space<hbm>>
    tpu.enqueue_dma source(%dma_start3A_53 : memref<160xi32, #tpu.memory_space<hbm>>) target(%dma_start3A_52 : memref<160xi32, #tpu.memory_space<vmem>>) target_semaphore(%arg12 : memref<!tpu.dma_semaphore, #tpu.memory_space<semaphore_mem>>)
    %add3A_54 = arith.constant 30720 : i32
    %add3A_55 = arith.addi %add3A_54, %mul3A_2 : i32
    %dma_start3A_56 = arith.constant 960 : i32
    %dma_start3A_57 = tpu.memref_slice %arg9[%dma_start3A_56] : memref<2560xi32, #tpu.memory_space<vmem>> -> memref<160xi32, #tpu.memory_space<vmem>>
    %dma_start3A_58 = tpu.memref_slice %arg5[%add3A_55] : memref<81920xi32, #tpu.memory_space<hbm>> -> memref<160xi32, #tpu.memory_space<hbm>>
    %dma_start3A_59 = arith.constant 960 : i32
    %dma_start3A_60 = tpu.memref_slice %arg9[%dma_start3A_59] : memref<2560xi32, #tpu.memory_space<vmem>> -> memref<160xi32, #tpu.memory_space<vmem>>
    %dma_start3A_61 = tpu.memref_slice %arg5[%add3A_55] : memref<81920xi32, #tpu.memory_space<hbm>> -> memref<160xi32, #tpu.memory_space<hbm>>
    tpu.enqueue_dma source(%dma_start3A_61 : memref<160xi32, #tpu.memory_space<hbm>>) target(%dma_start3A_60 : memref<160xi32, #tpu.memory_space<vmem>>) target_semaphore(%arg12 : memref<!tpu.dma_semaphore, #tpu.memory_space<semaphore_mem>>)
    %add3A_62 = arith.constant 35840 : i32
    %add3A_63 = arith.addi %add3A_62, %mul3A_2 : i32
    %dma_start3A_64 = arith.constant 1120 : i32
    %dma_start3A_65 = tpu.memref_slice %arg9[%dma_start3A_64] : memref<2560xi32, #tpu.memory_space<vmem>> -> memref<160xi32, #tpu.memory_space<vmem>>
    %dma_start3A_66 = tpu.memref_slice %arg5[%add3A_63] : memref<81920xi32, #tpu.memory_space<hbm>> -> memref<160xi32, #tpu.memory_space<hbm>>
    %dma_start3A_67 = arith.constant 1120 : i32
    %dma_start3A_68 = tpu.memref_slice %arg9[%dma_start3A_67] : memref<2560xi32, #tpu.memory_space<vmem>> -> memref<160xi32, #tpu.memory_space<vmem>>
    %dma_start3A_69 = tpu.memref_slice %arg5[%add3A_63] : memref<81920xi32, #tpu.memory_space<hbm>> -> memref<160xi32, #tpu.memory_space<hbm>>
    tpu.enqueue_dma source(%dma_start3A_69 : memref<160xi32, #tpu.memory_space<hbm>>) target(%dma_start3A_68 : memref<160xi32, #tpu.memory_space<vmem>>) target_semaphore(%arg12 : memref<!tpu.dma_semaphore, #tpu.memory_space<semaphore_mem>>)
    %add3A_70 = arith.constant 40960 : i32
    %add3A_71 = arith.addi %add3A_70, %mul3A_2 : i32
    %dma_start3A_72 = arith.constant 1280 : i32
    %dma_start3A_73 = tpu.memref_slice %arg9[%dma_start3A_72] : memref<2560xi32, #tpu.memory_space<vmem>> -> memref<160xi32, #tpu.memory_space<vmem>>
    %dma_start3A_74 = tpu.memref_slice %arg5[%add3A_71] : memref<81920xi32, #tpu.memory_space<hbm>> -> memref<160xi32, #tpu.memory_space<hbm>>
    %dma_start3A_75 = arith.constant 1280 : i32
    %dma_start3A_76 = tpu.memref_slice %arg9[%dma_start3A_75] : memref<2560xi32, #tpu.memory_space<vmem>> -> memref<160xi32, #tpu.memory_space<vmem>>
    %dma_start3A_77 = tpu.memref_slice %arg5[%add3A_71] : memref<81920xi32, #tpu.memory_space<hbm>> -> memref<160xi32, #tpu.memory_space<hbm>>
    tpu.enqueue_dma source(%dma_start3A_77 : memref<160xi32, #tpu.memory_space<hbm>>) target(%dma_start3A_76 : memref<160xi32, #tpu.memory_space<vmem>>) target_semaphore(%arg12 : memref<!tpu.dma_semaphore, #tpu.memory_space<semaphore_mem>>)
    %add3A_78 = arith.constant 46080 : i32
    %add3A_79 = arith.addi %add3A_78, %mul3A_2 : i32
    %dma_start3A_80 = arith.constant 1440 : i32
    %dma_start3A_81 = tpu.memref_slice %arg9[%dma_start3A_80] : memref<2560xi32, #tpu.memory_space<vmem>> -> memref<160xi32, #tpu.memory_space<vmem>>
    %dma_start3A_82 = tpu.memref_slice %arg5[%add3A_79] : memref<81920xi32, #tpu.memory_space<hbm>> -> memref<160xi32, #tpu.memory_space<hbm>>
    %dma_start3A_83 = arith.constant 1440 : i32
    %dma_start3A_84 = tpu.memref_slice %arg9[%dma_start3A_83] : memref<2560xi32, #tpu.memory_space<vmem>> -> memref<160xi32, #tpu.memory_space<vmem>>
    %dma_start3A_85 = tpu.memref_slice %arg5[%add3A_79] : memref<81920xi32, #tpu.memory_space<hbm>> -> memref<160xi32, #tpu.memory_space<hbm>>
    tpu.enqueue_dma source(%dma_start3A_85 : memref<160xi32, #tpu.memory_space<hbm>>) target(%dma_start3A_84 : memref<160xi32, #tpu.memory_space<vmem>>) target_semaphore(%arg12 : memref<!tpu.dma_semaphore, #tpu.memory_space<semaphore_mem>>)
    %add3A_86 = arith.constant 51200 : i32
    %add3A_87 = arith.addi %add3A_86, %mul3A_2 : i32
    %dma_start3A_88 = arith.constant 1600 : i32
    %dma_start3A_89 = tpu.memref_slice %arg9[%dma_start3A_88] : memref<2560xi32, #tpu.memory_space<vmem>> -> memref<160xi32, #tpu.memory_space<vmem>>
    %dma_start3A_90 = tpu.memref_slice %arg5[%add3A_87] : memref<81920xi32, #tpu.memory_space<hbm>> -> memref<160xi32, #tpu.memory_space<hbm>>
    %dma_start3A_91 = arith.constant 1600 : i32
    %dma_start3A_92 = tpu.memref_slice %arg9[%dma_start3A_91] : memref<2560xi32, #tpu.memory_space<vmem>> -> memref<160xi32, #tpu.memory_space<vmem>>
    %dma_start3A_93 = tpu.memref_slice %arg5[%add3A_87] : memref<81920xi32, #tpu.memory_space<hbm>> -> memref<160xi32, #tpu.memory_space<hbm>>
    tpu.enqueue_dma source(%dma_start3A_93 : memref<160xi32, #tpu.memory_space<hbm>>) target(%dma_start3A_92 : memref<160xi32, #tpu.memory_space<vmem>>) target_semaphore(%arg12 : memref<!tpu.dma_semaphore, #tpu.memory_space<semaphore_mem>>)
    %add3A_94 = arith.constant 56320 : i32
    %add3A_95 = arith.addi %add3A_94, %mul3A_2 : i32
    %dma_start3A_96 = arith.constant 1760 : i32
    %dma_start3A_97 = tpu.memref_slice %arg9[%dma_start3A_96] : memref<2560xi32, #tpu.memory_space<vmem>> -> memref<160xi32, #tpu.memory_space<vmem>>
    %dma_start3A_98 = tpu.memref_slice %arg5[%add3A_95] : memref<81920xi32, #tpu.memory_space<hbm>> -> memref<160xi32, #tpu.memory_space<hbm>>
    %dma_start3A_99 = arith.constant 1760 : i32
    %dma_start3A_100 = tpu.memref_slice %arg9[%dma_start3A_99] : memref<2560xi32, #tpu.memory_space<vmem>> -> memref<160xi32, #tpu.memory_space<vmem>>
    %dma_start3A_101 = tpu.memref_slice %arg5[%add3A_95] : memref<81920xi32, #tpu.memory_space<hbm>> -> memref<160xi32, #tpu.memory_space<hbm>>
    tpu.enqueue_dma source(%dma_start3A_101 : memref<160xi32, #tpu.memory_space<hbm>>) target(%dma_start3A_100 : memref<160xi32, #tpu.memory_space<vmem>>) target_semaphore(%arg12 : memref<!tpu.dma_semaphore, #tpu.memory_space<semaphore_mem>>)
    %add3A_102 = arith.constant 61440 : i32
    %add3A_103 = arith.addi %add3A_102, %mul3A_2 : i32
    %dma_start3A_104 = arith.constant 1920 : i32
    %dma_start3A_105 = tpu.memref_slice %arg9[%dma_start3A_104] : memref<2560xi32, #tpu.memory_space<vmem>> -> memref<160xi32, #tpu.memory_space<vmem>>
    %dma_start3A_106 = tpu.memref_slice %arg5[%add3A_103] : memref<81920xi32, #tpu.memory_space<hbm>> -> memref<160xi32, #tpu.memory_space<hbm>>
    %dma_start3A_107 = arith.constant 1920 : i32
    %dma_start3A_108 = tpu.memref_slice %arg9[%dma_start3A_107] : memref<2560xi32, #tpu.memory_space<vmem>> -> memref<160xi32, #tpu.memory_space<vmem>>
    %dma_start3A_109 = tpu.memref_slice %arg5[%add3A_103] : memref<81920xi32, #tpu.memory_space<hbm>> -> memref<160xi32, #tpu.memory_space<hbm>>
    tpu.enqueue_dma source(%dma_start3A_109 : memref<160xi32, #tpu.memory_space<hbm>>) target(%dma_start3A_108 : memref<160xi32, #tpu.memory_space<vmem>>) target_semaphore(%arg12 : memref<!tpu.dma_semaphore, #tpu.memory_space<semaphore_mem>>)
    %add3A_110 = arith.constant 66560 : i32
    %add3A_111 = arith.addi %add3A_110, %mul3A_2 : i32
    %dma_start3A_112 = arith.constant 2080 : i32
    %dma_start3A_113 = tpu.memref_slice %arg9[%dma_start3A_112] : memref<2560xi32, #tpu.memory_space<vmem>> -> memref<160xi32, #tpu.memory_space<vmem>>
    %dma_start3A_114 = tpu.memref_slice %arg5[%add3A_111] : memref<81920xi32, #tpu.memory_space<hbm>> -> memref<160xi32, #tpu.memory_space<hbm>>
    %dma_start3A_115 = arith.constant 2080 : i32
    %dma_start3A_116 = tpu.memref_slice %arg9[%dma_start3A_115] : memref<2560xi32, #tpu.memory_space<vmem>> -> memref<160xi32, #tpu.memory_space<vmem>>
    %dma_start3A_117 = tpu.memref_slice %arg5[%add3A_111] : memref<81920xi32, #tpu.memory_space<hbm>> -> memref<160xi32, #tpu.memory_space<hbm>>
    tpu.enqueue_dma source(%dma_start3A_117 : memref<160xi32, #tpu.memory_space<hbm>>) target(%dma_start3A_116 : memref<160xi32, #tpu.memory_space<vmem>>) target_semaphore(%arg12 : memref<!tpu.dma_semaphore, #tpu.memory_space<semaphore_mem>>)
    %add3A_118 = arith.constant 71680 : i32
    %add3A_119 = arith.addi %add3A_118, %mul3A_2 : i32
    %dma_start3A_120 = arith.constant 2240 : i32
    %dma_start3A_121 = tpu.memref_slice %arg9[%dma_start3A_120] : memref<2560xi32, #tpu.memory_space<vmem>> -> memref<160xi32, #tpu.memory_space<vmem>>
    %dma_start3A_122 = tpu.memref_slice %arg5[%add3A_119] : memref<81920xi32, #tpu.memory_space<hbm>> -> memref<160xi32, #tpu.memory_space<hbm>>
    %dma_start3A_123 = arith.constant 2240 : i32
    %dma_start3A_124 = tpu.memref_slice %arg9[%dma_start3A_123] : memref<2560xi32, #tpu.memory_space<vmem>> -> memref<160xi32, #tpu.memory_space<vmem>>
    %dma_start3A_125 = tpu.memref_slice %arg5[%add3A_119] : memref<81920xi32, #tpu.memory_space<hbm>> -> memref<160xi32, #tpu.memory_space<hbm>>
    tpu.enqueue_dma source(%dma_start3A_125 : memref<160xi32, #tpu.memory_space<hbm>>) target(%dma_start3A_124 : memref<160xi32, #tpu.memory_space<vmem>>) target_semaphore(%arg12 : memref<!tpu.dma_semaphore, #tpu.memory_space<semaphore_mem>>)
    %add3A_126 = arith.constant 76800 : i32
    %add3A_127 = arith.addi %add3A_126, %mul3A_2 : i32
    %dma_start3A_128 = arith.constant 2400 : i32
    %dma_start3A_129 = tpu.memref_slice %arg9[%dma_start3A_128] : memref<2560xi32, #tpu.memory_space<vmem>> -> memref<160xi32, #tpu.memory_space<vmem>>
    %dma_start3A_130 = tpu.memref_slice %arg5[%add3A_127] : memref<81920xi32, #tpu.memory_space<hbm>> -> memref<160xi32, #tpu.memory_space<hbm>>
    %dma_start3A_131 = arith.constant 2400 : i32
    %dma_start3A_132 = tpu.memref_slice %arg9[%dma_start3A_131] : memref<2560xi32, #tpu.memory_space<vmem>> -> memref<160xi32, #tpu.memory_space<vmem>>
    %dma_start3A_133 = tpu.memref_slice %arg5[%add3A_127] : memref<81920xi32, #tpu.memory_space<hbm>> -> memref<160xi32, #tpu.memory_space<hbm>>
    tpu.enqueue_dma source(%dma_start3A_133 : memref<160xi32, #tpu.memory_space<hbm>>) target(%dma_start3A_132 : memref<160xi32, #tpu.memory_space<vmem>>) target_semaphore(%arg12 : memref<!tpu.dma_semaphore, #tpu.memory_space<semaphore_mem>>)
    tpu.wait_dma2 semaphore(%arg12 : memref<!tpu.dma_semaphore, #tpu.memory_space<semaphore_mem>>) src(%arg2 : memref<5120xf32, #tpu.memory_space<hbm>>) dst(%arg7 : memref<5120xf32, #tpu.memory_space<vmem>>)
    tpu.wait_dma2 semaphore(%arg12 : memref<!tpu.dma_semaphore, #tpu.memory_space<semaphore_mem>>) src(%arg3 : memref<5120xf32, #tpu.memory_space<hbm>>) dst(%arg8 : memref<5120xf32, #tpu.memory_space<vmem>>)
    %dma_wait3A = tpu.memref_slice %arg4[%mul3A_4] : memref<10240xf32, #tpu.memory_space<hbm>> -> memref<320xf32, #tpu.memory_space<hbm>>
    %dma_wait3A_134 = tpu.memref_slice %arg4[%mul3A_4] : memref<10240xf32, #tpu.memory_space<hbm>> -> memref<320xf32, #tpu.memory_space<hbm>>
    tpu.wait_dma2 semaphore(%arg12 : memref<!tpu.dma_semaphore, #tpu.memory_space<semaphore_mem>>) src(%dma_wait3A_134 : memref<320xf32, #tpu.memory_space<hbm>>) dst(%arg10 : memref<320xf32, #tpu.memory_space<vmem>>)
    %dma_wait3A_135 = arith.constant 0 : i32
    %dma_wait3A_136 = tpu.memref_slice %arg9[%dma_wait3A_135] : memref<2560xi32, #tpu.memory_space<vmem>> -> memref<160xi32, #tpu.memory_space<vmem>>
    %dma_wait3A_137 = tpu.memref_slice %arg5[%add3A_7] : memref<81920xi32, #tpu.memory_space<hbm>> -> memref<160xi32, #tpu.memory_space<hbm>>
    %dma_wait3A_138 = arith.constant 0 : i32
    %dma_wait3A_139 = tpu.memref_slice %arg9[%dma_wait3A_138] : memref<2560xi32, #tpu.memory_space<vmem>> -> memref<160xi32, #tpu.memory_space<vmem>>
    %dma_wait3A_140 = tpu.memref_slice %arg5[%add3A_7] : memref<81920xi32, #tpu.memory_space<hbm>> -> memref<160xi32, #tpu.memory_space<hbm>>
    tpu.wait_dma2 semaphore(%arg12 : memref<!tpu.dma_semaphore, #tpu.memory_space<semaphore_mem>>) src(%dma_wait3A_140 : memref<160xi32, #tpu.memory_space<hbm>>) dst(%dma_wait3A_139 : memref<160xi32, #tpu.memory_space<vmem>>)
    %dma_wait3A_141 = arith.constant 160 : i32
    %dma_wait3A_142 = tpu.memref_slice %arg9[%dma_wait3A_141] : memref<2560xi32, #tpu.memory_space<vmem>> -> memref<160xi32, #tpu.memory_space<vmem>>
    %dma_wait3A_143 = tpu.memref_slice %arg5[%add3A_15] : memref<81920xi32, #tpu.memory_space<hbm>> -> memref<160xi32, #tpu.memory_space<hbm>>
    %dma_wait3A_144 = arith.constant 160 : i32
    %dma_wait3A_145 = tpu.memref_slice %arg9[%dma_wait3A_144] : memref<2560xi32, #tpu.memory_space<vmem>> -> memref<160xi32, #tpu.memory_space<vmem>>
    %dma_wait3A_146 = tpu.memref_slice %arg5[%add3A_15] : memref<81920xi32, #tpu.memory_space<hbm>> -> memref<160xi32, #tpu.memory_space<hbm>>
    tpu.wait_dma2 semaphore(%arg12 : memref<!tpu.dma_semaphore, #tpu.memory_space<semaphore_mem>>) src(%dma_wait3A_146 : memref<160xi32, #tpu.memory_space<hbm>>) dst(%dma_wait3A_145 : memref<160xi32, #tpu.memory_space<vmem>>)
    %dma_wait3A_147 = arith.constant 320 : i32
    %dma_wait3A_148 = tpu.memref_slice %arg9[%dma_wait3A_147] : memref<2560xi32, #tpu.memory_space<vmem>> -> memref<160xi32, #tpu.memory_space<vmem>>
    %dma_wait3A_149 = tpu.memref_slice %arg5[%add3A_23] : memref<81920xi32, #tpu.memory_space<hbm>> -> memref<160xi32, #tpu.memory_space<hbm>>
    %dma_wait3A_150 = arith.constant 320 : i32
    %dma_wait3A_151 = tpu.memref_slice %arg9[%dma_wait3A_150] : memref<2560xi32, #tpu.memory_space<vmem>> -> memref<160xi32, #tpu.memory_space<vmem>>
    %dma_wait3A_152 = tpu.memref_slice %arg5[%add3A_23] : memref<81920xi32, #tpu.memory_space<hbm>> -> memref<160xi32, #tpu.memory_space<hbm>>
    tpu.wait_dma2 semaphore(%arg12 : memref<!tpu.dma_semaphore, #tpu.memory_space<semaphore_mem>>) src(%dma_wait3A_152 : memref<160xi32, #tpu.memory_space<hbm>>) dst(%dma_wait3A_151 : memref<160xi32, #tpu.memory_space<vmem>>)
    %dma_wait3A_153 = arith.constant 480 : i32
    %dma_wait3A_154 = tpu.memref_slice %arg9[%dma_wait3A_153] : memref<2560xi32, #tpu.memory_space<vmem>> -> memref<160xi32, #tpu.memory_space<vmem>>
    %dma_wait3A_155 = tpu.memref_slice %arg5[%add3A_31] : memref<81920xi32, #tpu.memory_space<hbm>> -> memref<160xi32, #tpu.memory_space<hbm>>
    %dma_wait3A_156 = arith.constant 480 : i32
    %dma_wait3A_157 = tpu.memref_slice %arg9[%dma_wait3A_156] : memref<2560xi32, #tpu.memory_space<vmem>> -> memref<160xi32, #tpu.memory_space<vmem>>
    %dma_wait3A_158 = tpu.memref_slice %arg5[%add3A_31] : memref<81920xi32, #tpu.memory_space<hbm>> -> memref<160xi32, #tpu.memory_space<hbm>>
    tpu.wait_dma2 semaphore(%arg12 : memref<!tpu.dma_semaphore, #tpu.memory_space<semaphore_mem>>) src(%dma_wait3A_158 : memref<160xi32, #tpu.memory_space<hbm>>) dst(%dma_wait3A_157 : memref<160xi32, #tpu.memory_space<vmem>>)
    %dma_wait3A_159 = arith.constant 640 : i32
    %dma_wait3A_160 = tpu.memref_slice %arg9[%dma_wait3A_159] : memref<2560xi32, #tpu.memory_space<vmem>> -> memref<160xi32, #tpu.memory_space<vmem>>
    %dma_wait3A_161 = tpu.memref_slice %arg5[%add3A_39] : memref<81920xi32, #tpu.memory_space<hbm>> -> memref<160xi32, #tpu.memory_space<hbm>>
    %dma_wait3A_162 = arith.constant 640 : i32
    %dma_wait3A_163 = tpu.memref_slice %arg9[%dma_wait3A_162] : memref<2560xi32, #tpu.memory_space<vmem>> -> memref<160xi32, #tpu.memory_space<vmem>>
    %dma_wait3A_164 = tpu.memref_slice %arg5[%add3A_39] : memref<81920xi32, #tpu.memory_space<hbm>> -> memref<160xi32, #tpu.memory_space<hbm>>
    tpu.wait_dma2 semaphore(%arg12 : memref<!tpu.dma_semaphore, #tpu.memory_space<semaphore_mem>>) src(%dma_wait3A_164 : memref<160xi32, #tpu.memory_space<hbm>>) dst(%dma_wait3A_163 : memref<160xi32, #tpu.memory_space<vmem>>)
    %dma_wait3A_165 = arith.constant 800 : i32
    %dma_wait3A_166 = tpu.memref_slice %arg9[%dma_wait3A_165] : memref<2560xi32, #tpu.memory_space<vmem>> -> memref<160xi32, #tpu.memory_space<vmem>>
    %dma_wait3A_167 = tpu.memref_slice %arg5[%add3A_47] : memref<81920xi32, #tpu.memory_space<hbm>> -> memref<160xi32, #tpu.memory_space<hbm>>
    %dma_wait3A_168 = arith.constant 800 : i32
    %dma_wait3A_169 = tpu.memref_slice %arg9[%dma_wait3A_168] : memref<2560xi32, #tpu.memory_space<vmem>> -> memref<160xi32, #tpu.memory_space<vmem>>
    %dma_wait3A_170 = tpu.memref_slice %arg5[%add3A_47] : memref<81920xi32, #tpu.memory_space<hbm>> -> memref<160xi32, #tpu.memory_space<hbm>>
    tpu.wait_dma2 semaphore(%arg12 : memref<!tpu.dma_semaphore, #tpu.memory_space<semaphore_mem>>) src(%dma_wait3A_170 : memref<160xi32, #tpu.memory_space<hbm>>) dst(%dma_wait3A_169 : memref<160xi32, #tpu.memory_space<vmem>>)
    %dma_wait3A_171 = arith.constant 960 : i32
    %dma_wait3A_172 = tpu.memref_slice %arg9[%dma_wait3A_171] : memref<2560xi32, #tpu.memory_space<vmem>> -> memref<160xi32, #tpu.memory_space<vmem>>
    %dma_wait3A_173 = tpu.memref_slice %arg5[%add3A_55] : memref<81920xi32, #tpu.memory_space<hbm>> -> memref<160xi32, #tpu.memory_space<hbm>>
    %dma_wait3A_174 = arith.constant 960 : i32
    %dma_wait3A_175 = tpu.memref_slice %arg9[%dma_wait3A_174] : memref<2560xi32, #tpu.memory_space<vmem>> -> memref<160xi32, #tpu.memory_space<vmem>>
    %dma_wait3A_176 = tpu.memref_slice %arg5[%add3A_55] : memref<81920xi32, #tpu.memory_space<hbm>> -> memref<160xi32, #tpu.memory_space<hbm>>
    tpu.wait_dma2 semaphore(%arg12 : memref<!tpu.dma_semaphore, #tpu.memory_space<semaphore_mem>>) src(%dma_wait3A_176 : memref<160xi32, #tpu.memory_space<hbm>>) dst(%dma_wait3A_175 : memref<160xi32, #tpu.memory_space<vmem>>)
    %dma_wait3A_177 = arith.constant 1120 : i32
    %dma_wait3A_178 = tpu.memref_slice %arg9[%dma_wait3A_177] : memref<2560xi32, #tpu.memory_space<vmem>> -> memref<160xi32, #tpu.memory_space<vmem>>
    %dma_wait3A_179 = tpu.memref_slice %arg5[%add3A_63] : memref<81920xi32, #tpu.memory_space<hbm>> -> memref<160xi32, #tpu.memory_space<hbm>>
    %dma_wait3A_180 = arith.constant 1120 : i32
    %dma_wait3A_181 = tpu.memref_slice %arg9[%dma_wait3A_180] : memref<2560xi32, #tpu.memory_space<vmem>> -> memref<160xi32, #tpu.memory_space<vmem>>
    %dma_wait3A_182 = tpu.memref_slice %arg5[%add3A_63] : memref<81920xi32, #tpu.memory_space<hbm>> -> memref<160xi32, #tpu.memory_space<hbm>>
    tpu.wait_dma2 semaphore(%arg12 : memref<!tpu.dma_semaphore, #tpu.memory_space<semaphore_mem>>) src(%dma_wait3A_182 : memref<160xi32, #tpu.memory_space<hbm>>) dst(%dma_wait3A_181 : memref<160xi32, #tpu.memory_space<vmem>>)
    %dma_wait3A_183 = arith.constant 1280 : i32
    %dma_wait3A_184 = tpu.memref_slice %arg9[%dma_wait3A_183] : memref<2560xi32, #tpu.memory_space<vmem>> -> memref<160xi32, #tpu.memory_space<vmem>>
    %dma_wait3A_185 = tpu.memref_slice %arg5[%add3A_71] : memref<81920xi32, #tpu.memory_space<hbm>> -> memref<160xi32, #tpu.memory_space<hbm>>
    %dma_wait3A_186 = arith.constant 1280 : i32
    %dma_wait3A_187 = tpu.memref_slice %arg9[%dma_wait3A_186] : memref<2560xi32, #tpu.memory_space<vmem>> -> memref<160xi32, #tpu.memory_space<vmem>>
    %dma_wait3A_188 = tpu.memref_slice %arg5[%add3A_71] : memref<81920xi32, #tpu.memory_space<hbm>> -> memref<160xi32, #tpu.memory_space<hbm>>
    tpu.wait_dma2 semaphore(%arg12 : memref<!tpu.dma_semaphore, #tpu.memory_space<semaphore_mem>>) src(%dma_wait3A_188 : memref<160xi32, #tpu.memory_space<hbm>>) dst(%dma_wait3A_187 : memref<160xi32, #tpu.memory_space<vmem>>)
    %dma_wait3A_189 = arith.constant 1440 : i32
    %dma_wait3A_190 = tpu.memref_slice %arg9[%dma_wait3A_189] : memref<2560xi32, #tpu.memory_space<vmem>> -> memref<160xi32, #tpu.memory_space<vmem>>
    %dma_wait3A_191 = tpu.memref_slice %arg5[%add3A_79] : memref<81920xi32, #tpu.memory_space<hbm>> -> memref<160xi32, #tpu.memory_space<hbm>>
    %dma_wait3A_192 = arith.constant 1440 : i32
    %dma_wait3A_193 = tpu.memref_slice %arg9[%dma_wait3A_192] : memref<2560xi32, #tpu.memory_space<vmem>> -> memref<160xi32, #tpu.memory_space<vmem>>
    %dma_wait3A_194 = tpu.memref_slice %arg5[%add3A_79] : memref<81920xi32, #tpu.memory_space<hbm>> -> memref<160xi32, #tpu.memory_space<hbm>>
    tpu.wait_dma2 semaphore(%arg12 : memref<!tpu.dma_semaphore, #tpu.memory_space<semaphore_mem>>) src(%dma_wait3A_194 : memref<160xi32, #tpu.memory_space<hbm>>) dst(%dma_wait3A_193 : memref<160xi32, #tpu.memory_space<vmem>>)
    %dma_wait3A_195 = arith.constant 1600 : i32
    %dma_wait3A_196 = tpu.memref_slice %arg9[%dma_wait3A_195] : memref<2560xi32, #tpu.memory_space<vmem>> -> memref<160xi32, #tpu.memory_space<vmem>>
    %dma_wait3A_197 = tpu.memref_slice %arg5[%add3A_87] : memref<81920xi32, #tpu.memory_space<hbm>> -> memref<160xi32, #tpu.memory_space<hbm>>
    %dma_wait3A_198 = arith.constant 1600 : i32
    %dma_wait3A_199 = tpu.memref_slice %arg9[%dma_wait3A_198] : memref<2560xi32, #tpu.memory_space<vmem>> -> memref<160xi32, #tpu.memory_space<vmem>>
    %dma_wait3A_200 = tpu.memref_slice %arg5[%add3A_87] : memref<81920xi32, #tpu.memory_space<hbm>> -> memref<160xi32, #tpu.memory_space<hbm>>
    tpu.wait_dma2 semaphore(%arg12 : memref<!tpu.dma_semaphore, #tpu.memory_space<semaphore_mem>>) src(%dma_wait3A_200 : memref<160xi32, #tpu.memory_space<hbm>>) dst(%dma_wait3A_199 : memref<160xi32, #tpu.memory_space<vmem>>)
    %dma_wait3A_201 = arith.constant 1760 : i32
    %dma_wait3A_202 = tpu.memref_slice %arg9[%dma_wait3A_201] : memref<2560xi32, #tpu.memory_space<vmem>> -> memref<160xi32, #tpu.memory_space<vmem>>
    %dma_wait3A_203 = tpu.memref_slice %arg5[%add3A_95] : memref<81920xi32, #tpu.memory_space<hbm>> -> memref<160xi32, #tpu.memory_space<hbm>>
    %dma_wait3A_204 = arith.constant 1760 : i32
    %dma_wait3A_205 = tpu.memref_slice %arg9[%dma_wait3A_204] : memref<2560xi32, #tpu.memory_space<vmem>> -> memref<160xi32, #tpu.memory_space<vmem>>
    %dma_wait3A_206 = tpu.memref_slice %arg5[%add3A_95] : memref<81920xi32, #tpu.memory_space<hbm>> -> memref<160xi32, #tpu.memory_space<hbm>>
    tpu.wait_dma2 semaphore(%arg12 : memref<!tpu.dma_semaphore, #tpu.memory_space<semaphore_mem>>) src(%dma_wait3A_206 : memref<160xi32, #tpu.memory_space<hbm>>) dst(%dma_wait3A_205 : memref<160xi32, #tpu.memory_space<vmem>>)
    %dma_wait3A_207 = arith.constant 1920 : i32
    %dma_wait3A_208 = tpu.memref_slice %arg9[%dma_wait3A_207] : memref<2560xi32, #tpu.memory_space<vmem>> -> memref<160xi32, #tpu.memory_space<vmem>>
    %dma_wait3A_209 = tpu.memref_slice %arg5[%add3A_103] : memref<81920xi32, #tpu.memory_space<hbm>> -> memref<160xi32, #tpu.memory_space<hbm>>
    %dma_wait3A_210 = arith.constant 1920 : i32
    %dma_wait3A_211 = tpu.memref_slice %arg9[%dma_wait3A_210] : memref<2560xi32, #tpu.memory_space<vmem>> -> memref<160xi32, #tpu.memory_space<vmem>>
    %dma_wait3A_212 = tpu.memref_slice %arg5[%add3A_103] : memref<81920xi32, #tpu.memory_space<hbm>> -> memref<160xi32, #tpu.memory_space<hbm>>
    tpu.wait_dma2 semaphore(%arg12 : memref<!tpu.dma_semaphore, #tpu.memory_space<semaphore_mem>>) src(%dma_wait3A_212 : memref<160xi32, #tpu.memory_space<hbm>>) dst(%dma_wait3A_211 : memref<160xi32, #tpu.memory_space<vmem>>)
    %dma_wait3A_213 = arith.constant 2080 : i32
    %dma_wait3A_214 = tpu.memref_slice %arg9[%dma_wait3A_213] : memref<2560xi32, #tpu.memory_space<vmem>> -> memref<160xi32, #tpu.memory_space<vmem>>
    %dma_wait3A_215 = tpu.memref_slice %arg5[%add3A_111] : memref<81920xi32, #tpu.memory_space<hbm>> -> memref<160xi32, #tpu.memory_space<hbm>>
    %dma_wait3A_216 = arith.constant 2080 : i32
    %dma_wait3A_217 = tpu.memref_slice %arg9[%dma_wait3A_216] : memref<2560xi32, #tpu.memory_space<vmem>> -> memref<160xi32, #tpu.memory_space<vmem>>
    %dma_wait3A_218 = tpu.memref_slice %arg5[%add3A_111] : memref<81920xi32, #tpu.memory_space<hbm>> -> memref<160xi32, #tpu.memory_space<hbm>>
    tpu.wait_dma2 semaphore(%arg12 : memref<!tpu.dma_semaphore, #tpu.memory_space<semaphore_mem>>) src(%dma_wait3A_218 : memref<160xi32, #tpu.memory_space<hbm>>) dst(%dma_wait3A_217 : memref<160xi32, #tpu.memory_space<vmem>>)
    %dma_wait3A_219 = arith.constant 2240 : i32
    %dma_wait3A_220 = tpu.memref_slice %arg9[%dma_wait3A_219] : memref<2560xi32, #tpu.memory_space<vmem>> -> memref<160xi32, #tpu.memory_space<vmem>>
    %dma_wait3A_221 = tpu.memref_slice %arg5[%add3A_119] : memref<81920xi32, #tpu.memory_space<hbm>> -> memref<160xi32, #tpu.memory_space<hbm>>
    %dma_wait3A_222 = arith.constant 2240 : i32
    %dma_wait3A_223 = tpu.memref_slice %arg9[%dma_wait3A_222] : memref<2560xi32, #tpu.memory_space<vmem>> -> memref<160xi32, #tpu.memory_space<vmem>>
    %dma_wait3A_224 = tpu.memref_slice %arg5[%add3A_119] : memref<81920xi32, #tpu.memory_space<hbm>> -> memref<160xi32, #tpu.memory_space<hbm>>
    tpu.wait_dma2 semaphore(%arg12 : memref<!tpu.dma_semaphore, #tpu.memory_space<semaphore_mem>>) src(%dma_wait3A_224 : memref<160xi32, #tpu.memory_space<hbm>>) dst(%dma_wait3A_223 : memref<160xi32, #tpu.memory_space<vmem>>)
    %dma_wait3A_225 = arith.constant 2400 : i32
    %dma_wait3A_226 = tpu.memref_slice %arg9[%dma_wait3A_225] : memref<2560xi32, #tpu.memory_space<vmem>> -> memref<160xi32, #tpu.memory_space<vmem>>
    %dma_wait3A_227 = tpu.memref_slice %arg5[%add3A_127] : memref<81920xi32, #tpu.memory_space<hbm>> -> memref<160xi32, #tpu.memory_space<hbm>>
    %dma_wait3A_228 = arith.constant 2400 : i32
    %dma_wait3A_229 = tpu.memref_slice %arg9[%dma_wait3A_228] : memref<2560xi32, #tpu.memory_space<vmem>> -> memref<160xi32, #tpu.memory_space<vmem>>
    %dma_wait3A_230 = tpu.memref_slice %arg5[%add3A_127] : memref<81920xi32, #tpu.memory_space<hbm>> -> memref<160xi32, #tpu.memory_space<hbm>>
    tpu.wait_dma2 semaphore(%arg12 : memref<!tpu.dma_semaphore, #tpu.memory_space<semaphore_mem>>) src(%dma_wait3A_230 : memref<160xi32, #tpu.memory_space<hbm>>) dst(%dma_wait3A_229 : memref<160xi32, #tpu.memory_space<vmem>>)
    %iota3A = tpu.iota {dimensions = array<i32: 0>} : vector<16xi32>
    %scan3A = arith.constant 0 : i32
    %scan3A_231 = arith.constant 0 : i32
    %scan3A_232 = arith.constant 10 : i32
    %scan3A_233 = arith.addi %scan3A_231, %scan3A_232 : i32
    %scan3A_234 = arith.constant 1 : i32
    scf.for %scan3A_236 = %scan3A_231 to %scan3A_233 step %scan3A_234  : i32 {
      %mul3A_237 = arith.constant 16 : i32
      %mul3A_238 = arith.muli %scan3A_236, %mul3A_237 : i32
      %add3A_239 = vector.broadcast %mul3A_238 : i32 to vector<16xi32>
      %add3A_240 = arith.addi %iota3A, %add3A_239 : vector<16xi32>
      %mul3A_241 = arith.constant 2 : i32
      %mul3A_242 = vector.broadcast %mul3A_241 : i32 to vector<16xi32>
      %mul3A_243 = arith.muli %add3A_240, %mul3A_242 : vector<16xi32>
      %gather3A = tpu.vector_load_idx %arg10[%mul3A_243] : memref<320xf32, #tpu.memory_space<vmem>>[vector<16xi32>], vector<16xf32>,
      %add3A_244 = arith.constant 1 : i32
      %add3A_245 = vector.broadcast %add3A_244 : i32 to vector<16xi32>
      %add3A_246 = arith.addi %mul3A_243, %add3A_245 : vector<16xi32>
      %gather3A_247 = tpu.vector_load_idx %arg10[%add3A_246] : memref<320xf32, #tpu.memory_space<vmem>>[vector<16xi32>], vector<16xf32>,
      %broadcast_in_dim3A = arith.constant 0.000000e+00 : f32
      %broadcast_in_dim3A_248 = vector.broadcast %broadcast_in_dim3A : f32 to vector<16xf32>
      %add3A_249 = arith.constant 0 : i32
      %add3A_250 = arith.addi %add3A_249, %mul3A_238 : i32
      %get3A = arith.index_cast %add3A_250 : i32 to index
      %get3A_251 = tpu.vector_load %arg9[%get3A] {strides = array<i32>} : memref<2560xi32, #tpu.memory_space<vmem>>, vector<16xi32>,
      %gather3A_252 = tpu.vector_load_idx %arg7[%get3A_251] : memref<5120xf32, #tpu.memory_space<vmem>>[vector<16xi32>], vector<16xf32>,
      %gather3A_253 = tpu.vector_load_idx %arg8[%get3A_251] : memref<5120xf32, #tpu.memory_space<vmem>>[vector<16xi32>], vector<16xf32>,
      %sub3A = arith.subf %gather3A, %gather3A_252 : vector<16xf32>
      %sub3A_254 = arith.subf %gather3A_247, %gather3A_253 : vector<16xf32>
      %mul3A_255 = arith.mulf %sub3A, %sub3A : vector<16xf32>
      %mul3A_256 = arith.mulf %sub3A_254, %sub3A_254 : vector<16xf32>
      %add3A_257 = arith.addf %mul3A_255, %mul3A_256 : vector<16xf32>
      %mul3A_258 = arith.constant -0.222222224 : f32
      %mul3A_259 = vector.broadcast %mul3A_258 : f32 to vector<16xf32>
      %mul3A_260 = arith.mulf %add3A_257, %mul3A_259 : vector<16xf32>
      %exp3A = math.exp %mul3A_260 : vector<16xf32>
      %add3A_261 = arith.addf %broadcast_in_dim3A_248, %exp3A : vector<16xf32>
      %add3A_262 = arith.constant 160 : i32
      %add3A_263 = arith.addi %add3A_262, %mul3A_238 : i32
      %get3A_264 = arith.index_cast %add3A_263 : i32 to index
      %get3A_265 = tpu.vector_load %arg9[%get3A_264] {strides = array<i32>} : memref<2560xi32, #tpu.memory_space<vmem>>, vector<16xi32>,
      %gather3A_266 = tpu.vector_load_idx %arg7[%get3A_265] : memref<5120xf32, #tpu.memory_space<vmem>>[vector<16xi32>], vector<16xf32>,
      %gather3A_267 = tpu.vector_load_idx %arg8[%get3A_265] : memref<5120xf32, #tpu.memory_space<vmem>>[vector<16xi32>], vector<16xf32>,
      %sub3A_268 = arith.subf %gather3A, %gather3A_266 : vector<16xf32>
      %sub3A_269 = arith.subf %gather3A_247, %gather3A_267 : vector<16xf32>
      %mul3A_270 = arith.mulf %sub3A_268, %sub3A_268 : vector<16xf32>
      %mul3A_271 = arith.mulf %sub3A_269, %sub3A_269 : vector<16xf32>
      %add3A_272 = arith.addf %mul3A_270, %mul3A_271 : vector<16xf32>
      %mul3A_273 = arith.constant -0.222222224 : f32
      %mul3A_274 = vector.broadcast %mul3A_273 : f32 to vector<16xf32>
      %mul3A_275 = arith.mulf %add3A_272, %mul3A_274 : vector<16xf32>
      %exp3A_276 = math.exp %mul3A_275 : vector<16xf32>
      %add3A_277 = arith.addf %add3A_261, %exp3A_276 : vector<16xf32>
      %add3A_278 = arith.constant 320 : i32
      %add3A_279 = arith.addi %add3A_278, %mul3A_238 : i32
      %get3A_280 = arith.index_cast %add3A_279 : i32 to index
      %get3A_281 = tpu.vector_load %arg9[%get3A_280] {strides = array<i32>} : memref<2560xi32, #tpu.memory_space<vmem>>, vector<16xi32>,
      %gather3A_282 = tpu.vector_load_idx %arg7[%get3A_281] : memref<5120xf32, #tpu.memory_space<vmem>>[vector<16xi32>], vector<16xf32>,
      %gather3A_283 = tpu.vector_load_idx %arg8[%get3A_281] : memref<5120xf32, #tpu.memory_space<vmem>>[vector<16xi32>], vector<16xf32>,
      %sub3A_284 = arith.subf %gather3A, %gather3A_282 : vector<16xf32>
      %sub3A_285 = arith.subf %gather3A_247, %gather3A_283 : vector<16xf32>
      %mul3A_286 = arith.mulf %sub3A_284, %sub3A_284 : vector<16xf32>
      %mul3A_287 = arith.mulf %sub3A_285, %sub3A_285 : vector<16xf32>
      %add3A_288 = arith.addf %mul3A_286, %mul3A_287 : vector<16xf32>
      %mul3A_289 = arith.constant -0.222222224 : f32
      %mul3A_290 = vector.broadcast %mul3A_289 : f32 to vector<16xf32>
      %mul3A_291 = arith.mulf %add3A_288, %mul3A_290 : vector<16xf32>
      %exp3A_292 = math.exp %mul3A_291 : vector<16xf32>
      %add3A_293 = arith.addf %add3A_277, %exp3A_292 : vector<16xf32>
      %add3A_294 = arith.constant 480 : i32
      %add3A_295 = arith.addi %add3A_294, %mul3A_238 : i32
      %get3A_296 = arith.index_cast %add3A_295 : i32 to index
      %get3A_297 = tpu.vector_load %arg9[%get3A_296] {strides = array<i32>} : memref<2560xi32, #tpu.memory_space<vmem>>, vector<16xi32>,
      %gather3A_298 = tpu.vector_load_idx %arg7[%get3A_297] : memref<5120xf32, #tpu.memory_space<vmem>>[vector<16xi32>], vector<16xf32>,
      %gather3A_299 = tpu.vector_load_idx %arg8[%get3A_297] : memref<5120xf32, #tpu.memory_space<vmem>>[vector<16xi32>], vector<16xf32>,
      %sub3A_300 = arith.subf %gather3A, %gather3A_298 : vector<16xf32>
      %sub3A_301 = arith.subf %gather3A_247, %gather3A_299 : vector<16xf32>
      %mul3A_302 = arith.mulf %sub3A_300, %sub3A_300 : vector<16xf32>
      %mul3A_303 = arith.mulf %sub3A_301, %sub3A_301 : vector<16xf32>
      %add3A_304 = arith.addf %mul3A_302, %mul3A_303 : vector<16xf32>
      %mul3A_305 = arith.constant -0.222222224 : f32
      %mul3A_306 = vector.broadcast %mul3A_305 : f32 to vector<16xf32>
      %mul3A_307 = arith.mulf %add3A_304, %mul3A_306 : vector<16xf32>
      %exp3A_308 = math.exp %mul3A_307 : vector<16xf32>
      %add3A_309 = arith.addf %add3A_293, %exp3A_308 : vector<16xf32>
      %add3A_310 = arith.constant 640 : i32
      %add3A_311 = arith.addi %add3A_310, %mul3A_238 : i32
      %get3A_312 = arith.index_cast %add3A_311 : i32 to index
      %get3A_313 = tpu.vector_load %arg9[%get3A_312] {strides = array<i32>} : memref<2560xi32, #tpu.memory_space<vmem>>, vector<16xi32>,
      %gather3A_314 = tpu.vector_load_idx %arg7[%get3A_313] : memref<5120xf32, #tpu.memory_space<vmem>>[vector<16xi32>], vector<16xf32>,
      %gather3A_315 = tpu.vector_load_idx %arg8[%get3A_313] : memref<5120xf32, #tpu.memory_space<vmem>>[vector<16xi32>], vector<16xf32>,
      %sub3A_316 = arith.subf %gather3A, %gather3A_314 : vector<16xf32>
      %sub3A_317 = arith.subf %gather3A_247, %gather3A_315 : vector<16xf32>
      %mul3A_318 = arith.mulf %sub3A_316, %sub3A_316 : vector<16xf32>
      %mul3A_319 = arith.mulf %sub3A_317, %sub3A_317 : vector<16xf32>
      %add3A_320 = arith.addf %mul3A_318, %mul3A_319 : vector<16xf32>
      %mul3A_321 = arith.constant -0.222222224 : f32
      %mul3A_322 = vector.broadcast %mul3A_321 : f32 to vector<16xf32>
      %mul3A_323 = arith.mulf %add3A_320, %mul3A_322 : vector<16xf32>
      %exp3A_324 = math.exp %mul3A_323 : vector<16xf32>
      %add3A_325 = arith.addf %add3A_309, %exp3A_324 : vector<16xf32>
      %add3A_326 = arith.constant 800 : i32
      %add3A_327 = arith.addi %add3A_326, %mul3A_238 : i32
      %get3A_328 = arith.index_cast %add3A_327 : i32 to index
      %get3A_329 = tpu.vector_load %arg9[%get3A_328] {strides = array<i32>} : memref<2560xi32, #tpu.memory_space<vmem>>, vector<16xi32>,
      %gather3A_330 = tpu.vector_load_idx %arg7[%get3A_329] : memref<5120xf32, #tpu.memory_space<vmem>>[vector<16xi32>], vector<16xf32>,
      %gather3A_331 = tpu.vector_load_idx %arg8[%get3A_329] : memref<5120xf32, #tpu.memory_space<vmem>>[vector<16xi32>], vector<16xf32>,
      %sub3A_332 = arith.subf %gather3A, %gather3A_330 : vector<16xf32>
      %sub3A_333 = arith.subf %gather3A_247, %gather3A_331 : vector<16xf32>
      %mul3A_334 = arith.mulf %sub3A_332, %sub3A_332 : vector<16xf32>
      %mul3A_335 = arith.mulf %sub3A_333, %sub3A_333 : vector<16xf32>
      %add3A_336 = arith.addf %mul3A_334, %mul3A_335 : vector<16xf32>
      %mul3A_337 = arith.constant -0.222222224 : f32
      %mul3A_338 = vector.broadcast %mul3A_337 : f32 to vector<16xf32>
      %mul3A_339 = arith.mulf %add3A_336, %mul3A_338 : vector<16xf32>
      %exp3A_340 = math.exp %mul3A_339 : vector<16xf32>
      %add3A_341 = arith.addf %add3A_325, %exp3A_340 : vector<16xf32>
      %add3A_342 = arith.constant 960 : i32
      %add3A_343 = arith.addi %add3A_342, %mul3A_238 : i32
      %get3A_344 = arith.index_cast %add3A_343 : i32 to index
      %get3A_345 = tpu.vector_load %arg9[%get3A_344] {strides = array<i32>} : memref<2560xi32, #tpu.memory_space<vmem>>, vector<16xi32>,
      %gather3A_346 = tpu.vector_load_idx %arg7[%get3A_345] : memref<5120xf32, #tpu.memory_space<vmem>>[vector<16xi32>], vector<16xf32>,
      %gather3A_347 = tpu.vector_load_idx %arg8[%get3A_345] : memref<5120xf32, #tpu.memory_space<vmem>>[vector<16xi32>], vector<16xf32>,
      %sub3A_348 = arith.subf %gather3A, %gather3A_346 : vector<16xf32>
      %sub3A_349 = arith.subf %gather3A_247, %gather3A_347 : vector<16xf32>
      %mul3A_350 = arith.mulf %sub3A_348, %sub3A_348 : vector<16xf32>
      %mul3A_351 = arith.mulf %sub3A_349, %sub3A_349 : vector<16xf32>
      %add3A_352 = arith.addf %mul3A_350, %mul3A_351 : vector<16xf32>
      %mul3A_353 = arith.constant -0.222222224 : f32
      %mul3A_354 = vector.broadcast %mul3A_353 : f32 to vector<16xf32>
      %mul3A_355 = arith.mulf %add3A_352, %mul3A_354 : vector<16xf32>
      %exp3A_356 = math.exp %mul3A_355 : vector<16xf32>
      %add3A_357 = arith.addf %add3A_341, %exp3A_356 : vector<16xf32>
      %add3A_358 = arith.constant 1120 : i32
      %add3A_359 = arith.addi %add3A_358, %mul3A_238 : i32
      %get3A_360 = arith.index_cast %add3A_359 : i32 to index
      %get3A_361 = tpu.vector_load %arg9[%get3A_360] {strides = array<i32>} : memref<2560xi32, #tpu.memory_space<vmem>>, vector<16xi32>,
      %gather3A_362 = tpu.vector_load_idx %arg7[%get3A_361] : memref<5120xf32, #tpu.memory_space<vmem>>[vector<16xi32>], vector<16xf32>,
      %gather3A_363 = tpu.vector_load_idx %arg8[%get3A_361] : memref<5120xf32, #tpu.memory_space<vmem>>[vector<16xi32>], vector<16xf32>,
      %sub3A_364 = arith.subf %gather3A, %gather3A_362 : vector<16xf32>
      %sub3A_365 = arith.subf %gather3A_247, %gather3A_363 : vector<16xf32>
      %mul3A_366 = arith.mulf %sub3A_364, %sub3A_364 : vector<16xf32>
      %mul3A_367 = arith.mulf %sub3A_365, %sub3A_365 : vector<16xf32>
      %add3A_368 = arith.addf %mul3A_366, %mul3A_367 : vector<16xf32>
      %mul3A_369 = arith.constant -0.222222224 : f32
      %mul3A_370 = vector.broadcast %mul3A_369 : f32 to vector<16xf32>
      %mul3A_371 = arith.mulf %add3A_368, %mul3A_370 : vector<16xf32>
      %exp3A_372 = math.exp %mul3A_371 : vector<16xf32>
      %add3A_373 = arith.addf %add3A_357, %exp3A_372 : vector<16xf32>
      %add3A_374 = arith.constant 1280 : i32
      %add3A_375 = arith.addi %add3A_374, %mul3A_238 : i32
      %get3A_376 = arith.index_cast %add3A_375 : i32 to index
      %get3A_377 = tpu.vector_load %arg9[%get3A_376] {strides = array<i32>} : memref<2560xi32, #tpu.memory_space<vmem>>, vector<16xi32>,
      %gather3A_378 = tpu.vector_load_idx %arg7[%get3A_377] : memref<5120xf32, #tpu.memory_space<vmem>>[vector<16xi32>], vector<16xf32>,
      %gather3A_379 = tpu.vector_load_idx %arg8[%get3A_377] : memref<5120xf32, #tpu.memory_space<vmem>>[vector<16xi32>], vector<16xf32>,
      %sub3A_380 = arith.subf %gather3A, %gather3A_378 : vector<16xf32>
      %sub3A_381 = arith.subf %gather3A_247, %gather3A_379 : vector<16xf32>
      %mul3A_382 = arith.mulf %sub3A_380, %sub3A_380 : vector<16xf32>
      %mul3A_383 = arith.mulf %sub3A_381, %sub3A_381 : vector<16xf32>
      %add3A_384 = arith.addf %mul3A_382, %mul3A_383 : vector<16xf32>
      %mul3A_385 = arith.constant -0.222222224 : f32
      %mul3A_386 = vector.broadcast %mul3A_385 : f32 to vector<16xf32>
      %mul3A_387 = arith.mulf %add3A_384, %mul3A_386 : vector<16xf32>
      %exp3A_388 = math.exp %mul3A_387 : vector<16xf32>
      %add3A_389 = arith.addf %add3A_373, %exp3A_388 : vector<16xf32>
      %add3A_390 = arith.constant 1440 : i32
      %add3A_391 = arith.addi %add3A_390, %mul3A_238 : i32
      %get3A_392 = arith.index_cast %add3A_391 : i32 to index
      %get3A_393 = tpu.vector_load %arg9[%get3A_392] {strides = array<i32>} : memref<2560xi32, #tpu.memory_space<vmem>>, vector<16xi32>,
      %gather3A_394 = tpu.vector_load_idx %arg7[%get3A_393] : memref<5120xf32, #tpu.memory_space<vmem>>[vector<16xi32>], vector<16xf32>,
      %gather3A_395 = tpu.vector_load_idx %arg8[%get3A_393] : memref<5120xf32, #tpu.memory_space<vmem>>[vector<16xi32>], vector<16xf32>,
      %sub3A_396 = arith.subf %gather3A, %gather3A_394 : vector<16xf32>
      %sub3A_397 = arith.subf %gather3A_247, %gather3A_395 : vector<16xf32>
      %mul3A_398 = arith.mulf %sub3A_396, %sub3A_396 : vector<16xf32>
      %mul3A_399 = arith.mulf %sub3A_397, %sub3A_397 : vector<16xf32>
      %add3A_400 = arith.addf %mul3A_398, %mul3A_399 : vector<16xf32>
      %mul3A_401 = arith.constant -0.222222224 : f32
      %mul3A_402 = vector.broadcast %mul3A_401 : f32 to vector<16xf32>
      %mul3A_403 = arith.mulf %add3A_400, %mul3A_402 : vector<16xf32>
      %exp3A_404 = math.exp %mul3A_403 : vector<16xf32>
      %add3A_405 = arith.addf %add3A_389, %exp3A_404 : vector<16xf32>
      %add3A_406 = arith.constant 1600 : i32
      %add3A_407 = arith.addi %add3A_406, %mul3A_238 : i32
      %get3A_408 = arith.index_cast %add3A_407 : i32 to index
      %get3A_409 = tpu.vector_load %arg9[%get3A_408] {strides = array<i32>} : memref<2560xi32, #tpu.memory_space<vmem>>, vector<16xi32>,
      %gather3A_410 = tpu.vector_load_idx %arg7[%get3A_409] : memref<5120xf32, #tpu.memory_space<vmem>>[vector<16xi32>], vector<16xf32>,
      %gather3A_411 = tpu.vector_load_idx %arg8[%get3A_409] : memref<5120xf32, #tpu.memory_space<vmem>>[vector<16xi32>], vector<16xf32>,
      %sub3A_412 = arith.subf %gather3A, %gather3A_410 : vector<16xf32>
      %sub3A_413 = arith.subf %gather3A_247, %gather3A_411 : vector<16xf32>
      %mul3A_414 = arith.mulf %sub3A_412, %sub3A_412 : vector<16xf32>
      %mul3A_415 = arith.mulf %sub3A_413, %sub3A_413 : vector<16xf32>
      %add3A_416 = arith.addf %mul3A_414, %mul3A_415 : vector<16xf32>
      %mul3A_417 = arith.constant -0.222222224 : f32
      %mul3A_418 = vector.broadcast %mul3A_417 : f32 to vector<16xf32>
      %mul3A_419 = arith.mulf %add3A_416, %mul3A_418 : vector<16xf32>
      %exp3A_420 = math.exp %mul3A_419 : vector<16xf32>
      %add3A_421 = arith.addf %add3A_405, %exp3A_420 : vector<16xf32>
      %add3A_422 = arith.constant 1760 : i32
      %add3A_423 = arith.addi %add3A_422, %mul3A_238 : i32
      %get3A_424 = arith.index_cast %add3A_423 : i32 to index
      %get3A_425 = tpu.vector_load %arg9[%get3A_424] {strides = array<i32>} : memref<2560xi32, #tpu.memory_space<vmem>>, vector<16xi32>,
      %gather3A_426 = tpu.vector_load_idx %arg7[%get3A_425] : memref<5120xf32, #tpu.memory_space<vmem>>[vector<16xi32>], vector<16xf32>,
      %gather3A_427 = tpu.vector_load_idx %arg8[%get3A_425] : memref<5120xf32, #tpu.memory_space<vmem>>[vector<16xi32>], vector<16xf32>,
      %sub3A_428 = arith.subf %gather3A, %gather3A_426 : vector<16xf32>
      %sub3A_429 = arith.subf %gather3A_247, %gather3A_427 : vector<16xf32>
      %mul3A_430 = arith.mulf %sub3A_428, %sub3A_428 : vector<16xf32>
      %mul3A_431 = arith.mulf %sub3A_429, %sub3A_429 : vector<16xf32>
      %add3A_432 = arith.addf %mul3A_430, %mul3A_431 : vector<16xf32>
      %mul3A_433 = arith.constant -0.222222224 : f32
      %mul3A_434 = vector.broadcast %mul3A_433 : f32 to vector<16xf32>
      %mul3A_435 = arith.mulf %add3A_432, %mul3A_434 : vector<16xf32>
      %exp3A_436 = math.exp %mul3A_435 : vector<16xf32>
      %add3A_437 = arith.addf %add3A_421, %exp3A_436 : vector<16xf32>
      %add3A_438 = arith.constant 1920 : i32
      %add3A_439 = arith.addi %add3A_438, %mul3A_238 : i32
      %get3A_440 = arith.index_cast %add3A_439 : i32 to index
      %get3A_441 = tpu.vector_load %arg9[%get3A_440] {strides = array<i32>} : memref<2560xi32, #tpu.memory_space<vmem>>, vector<16xi32>,
      %gather3A_442 = tpu.vector_load_idx %arg7[%get3A_441] : memref<5120xf32, #tpu.memory_space<vmem>>[vector<16xi32>], vector<16xf32>,
      %gather3A_443 = tpu.vector_load_idx %arg8[%get3A_441] : memref<5120xf32, #tpu.memory_space<vmem>>[vector<16xi32>], vector<16xf32>,
      %sub3A_444 = arith.subf %gather3A, %gather3A_442 : vector<16xf32>
      %sub3A_445 = arith.subf %gather3A_247, %gather3A_443 : vector<16xf32>
      %mul3A_446 = arith.mulf %sub3A_444, %sub3A_444 : vector<16xf32>
      %mul3A_447 = arith.mulf %sub3A_445, %sub3A_445 : vector<16xf32>
      %add3A_448 = arith.addf %mul3A_446, %mul3A_447 : vector<16xf32>
      %mul3A_449 = arith.constant -0.222222224 : f32
      %mul3A_450 = vector.broadcast %mul3A_449 : f32 to vector<16xf32>
      %mul3A_451 = arith.mulf %add3A_448, %mul3A_450 : vector<16xf32>
      %exp3A_452 = math.exp %mul3A_451 : vector<16xf32>
      %add3A_453 = arith.addf %add3A_437, %exp3A_452 : vector<16xf32>
      %add3A_454 = arith.constant 2080 : i32
      %add3A_455 = arith.addi %add3A_454, %mul3A_238 : i32
      %get3A_456 = arith.index_cast %add3A_455 : i32 to index
      %get3A_457 = tpu.vector_load %arg9[%get3A_456] {strides = array<i32>} : memref<2560xi32, #tpu.memory_space<vmem>>, vector<16xi32>,
      %gather3A_458 = tpu.vector_load_idx %arg7[%get3A_457] : memref<5120xf32, #tpu.memory_space<vmem>>[vector<16xi32>], vector<16xf32>,
      %gather3A_459 = tpu.vector_load_idx %arg8[%get3A_457] : memref<5120xf32, #tpu.memory_space<vmem>>[vector<16xi32>], vector<16xf32>,
      %sub3A_460 = arith.subf %gather3A, %gather3A_458 : vector<16xf32>
      %sub3A_461 = arith.subf %gather3A_247, %gather3A_459 : vector<16xf32>
      %mul3A_462 = arith.mulf %sub3A_460, %sub3A_460 : vector<16xf32>
      %mul3A_463 = arith.mulf %sub3A_461, %sub3A_461 : vector<16xf32>
      %add3A_464 = arith.addf %mul3A_462, %mul3A_463 : vector<16xf32>
      %mul3A_465 = arith.constant -0.222222224 : f32
      %mul3A_466 = vector.broadcast %mul3A_465 : f32 to vector<16xf32>
      %mul3A_467 = arith.mulf %add3A_464, %mul3A_466 : vector<16xf32>
      %exp3A_468 = math.exp %mul3A_467 : vector<16xf32>
      %add3A_469 = arith.addf %add3A_453, %exp3A_468 : vector<16xf32>
      %add3A_470 = arith.constant 2240 : i32
      %add3A_471 = arith.addi %add3A_470, %mul3A_238 : i32
      %get3A_472 = arith.index_cast %add3A_471 : i32 to index
      %get3A_473 = tpu.vector_load %arg9[%get3A_472] {strides = array<i32>} : memref<2560xi32, #tpu.memory_space<vmem>>, vector<16xi32>,
      %gather3A_474 = tpu.vector_load_idx %arg7[%get3A_473] : memref<5120xf32, #tpu.memory_space<vmem>>[vector<16xi32>], vector<16xf32>,
      %gather3A_475 = tpu.vector_load_idx %arg8[%get3A_473] : memref<5120xf32, #tpu.memory_space<vmem>>[vector<16xi32>], vector<16xf32>,
      %sub3A_476 = arith.subf %gather3A, %gather3A_474 : vector<16xf32>
      %sub3A_477 = arith.subf %gather3A_247, %gather3A_475 : vector<16xf32>
      %mul3A_478 = arith.mulf %sub3A_476, %sub3A_476 : vector<16xf32>
      %mul3A_479 = arith.mulf %sub3A_477, %sub3A_477 : vector<16xf32>
      %add3A_480 = arith.addf %mul3A_478, %mul3A_479 : vector<16xf32>
      %mul3A_481 = arith.constant -0.222222224 : f32
      %mul3A_482 = vector.broadcast %mul3A_481 : f32 to vector<16xf32>
      %mul3A_483 = arith.mulf %add3A_480, %mul3A_482 : vector<16xf32>
      %exp3A_484 = math.exp %mul3A_483 : vector<16xf32>
      %add3A_485 = arith.addf %add3A_469, %exp3A_484 : vector<16xf32>
      %add3A_486 = arith.constant 2400 : i32
      %add3A_487 = arith.addi %add3A_486, %mul3A_238 : i32
      %get3A_488 = arith.index_cast %add3A_487 : i32 to index
      %get3A_489 = tpu.vector_load %arg9[%get3A_488] {strides = array<i32>} : memref<2560xi32, #tpu.memory_space<vmem>>, vector<16xi32>,
      %gather3A_490 = tpu.vector_load_idx %arg7[%get3A_489] : memref<5120xf32, #tpu.memory_space<vmem>>[vector<16xi32>], vector<16xf32>,
      %gather3A_491 = tpu.vector_load_idx %arg8[%get3A_489] : memref<5120xf32, #tpu.memory_space<vmem>>[vector<16xi32>], vector<16xf32>,
      %sub3A_492 = arith.subf %gather3A, %gather3A_490 : vector<16xf32>
      %sub3A_493 = arith.subf %gather3A_247, %gather3A_491 : vector<16xf32>
      %mul3A_494 = arith.mulf %sub3A_492, %sub3A_492 : vector<16xf32>
      %mul3A_495 = arith.mulf %sub3A_493, %sub3A_493 : vector<16xf32>
      %add3A_496 = arith.addf %mul3A_494, %mul3A_495 : vector<16xf32>
      %mul3A_497 = arith.constant -0.222222224 : f32
      %mul3A_498 = vector.broadcast %mul3A_497 : f32 to vector<16xf32>
      %mul3A_499 = arith.mulf %add3A_496, %mul3A_498 : vector<16xf32>
      %exp3A_500 = math.exp %mul3A_499 : vector<16xf32>
      %add3A_501 = arith.addf %add3A_485, %exp3A_500 : vector<16xf32>
      %mul3A_502 = arith.constant 2.000000e-04 : f32
      %mul3A_503 = vector.broadcast %mul3A_502 : f32 to vector<16xf32>
      %mul3A_504 = arith.mulf %add3A_501, %mul3A_503 : vector<16xf32>
      %swap3A = arith.index_cast %mul3A_238 : i32 to index
      %swap3A_505 = tpu.vector_load %arg11[%swap3A] {strides = array<i32>} : memref<160xf32, #tpu.memory_space<vmem>>, vector<16xf32>,
      tpu.vector_store %arg11[%swap3A], %mul3A_504 {strides = array<i32>} : memref<160xf32, #tpu.memory_space<vmem>>, vector<16xf32>,
    }
    %scan3A_235 = arith.constant 10 : i32
    "tpu.region"() ({
      %run_scoped3A = tpu.sem_alloc : memref<!tpu.dma_semaphore, #tpu.memory_space<semaphore_mem>>
      %dma_start3A_236 = tpu.memref_slice %arg6[%mul3A_2] : memref<5120xf32, #tpu.memory_space<hbm>> -> memref<160xf32, #tpu.memory_space<hbm>>
      %dma_start3A_237 = tpu.memref_slice %arg6[%mul3A_2] : memref<5120xf32, #tpu.memory_space<hbm>> -> memref<160xf32, #tpu.memory_space<hbm>>
      tpu.enqueue_dma source(%arg11 : memref<160xf32, #tpu.memory_space<vmem>>) target(%dma_start3A_237 : memref<160xf32, #tpu.memory_space<hbm>>) target_semaphore(%run_scoped3A : memref<!tpu.dma_semaphore, #tpu.memory_space<semaphore_mem>>)
      %dma_wait3A_238 = tpu.memref_slice %arg6[%mul3A_2] : memref<5120xf32, #tpu.memory_space<hbm>> -> memref<160xf32, #tpu.memory_space<hbm>>
      %dma_wait3A_239 = tpu.memref_slice %arg6[%mul3A_2] : memref<5120xf32, #tpu.memory_space<hbm>> -> memref<160xf32, #tpu.memory_space<hbm>>
      tpu.wait_dma2 semaphore(%run_scoped3A : memref<!tpu.dma_semaphore, #tpu.memory_space<semaphore_mem>>) src(%arg11 : memref<160xf32, #tpu.memory_space<vmem>>) dst(%dma_wait3A_239 : memref<160xf32, #tpu.memory_space<hbm>>)
      tpu.yield
    }) : () -> ()
    return
  }
}

module attributes {stable_mosaic.version = 14 : i64} {
  func.func @_topk_body(%arg0: i32, %arg1: memref<2x2xf32, #tpu.memory_space<smem>>, %arg2: memref<2x2xf32, #tpu.memory_space<smem>>, %arg3: memref<256x2xf32, #tpu.memory_space<vmem>>, %arg4: memref<2x5120xf32, #tpu.memory_space<vmem>>, %arg5: memref<256x16xi32, #tpu.memory_space<vmem>>, %arg6: memref<2x5120xf32, #tpu.memory_space<vmem>>) attributes {dimension_semantics = [#tpu.dimension_semantics<arbitrary>], iteration_bounds = array<i64: 20>, scalar_prefetch = 0 : i64, scratch_operands = 0 : i64, tpu.core_type = #tpu.core_type<tc>, window_params = [{transform_indices = @transform_0, window_bounds = array<i64: 2, 2>}, {transform_indices = @transform_1, window_bounds = array<i64: 2, 2>}, {transform_indices = @transform_2, window_bounds = array<i64: 256, 2>}, {pipeline_mode = #tpu.pipeline_mode<synchronous>, transform_indices = @transform_3, window_bounds = array<i64: 2, 5120>}, {transform_indices = @transform_4, window_bounds = array<i64: 256, 16>}, {pipeline_mode = #tpu.pipeline_mode<synchronous>, transform_indices = @transform_5, window_bounds = array<i64: 2, 5120>}]} {
    %get3A = arith.constant 0 : index
    %get3A_0 = arith.constant 0 : index
    %get3A_1 = vector.load %arg4[%get3A, %get3A_0] : memref<2x5120xf32, #tpu.memory_space<vmem>>, vector<1x5120xf32>
    %get3A_2 = arith.constant 1 : index
    %get3A_3 = arith.constant 0 : index
    %get3A_4 = vector.load %arg4[%get3A_2, %get3A_3] : memref<2x5120xf32, #tpu.memory_space<vmem>>, vector<1x5120xf32>
    %mul3A = arith.mulf %get3A_1, %get3A_4 : vector<1x5120xf32>
    %get3A_5 = arith.constant 0 : index
    %get3A_6 = arith.constant 0 : index
    %get3A_7 = memref.load %arg1[%get3A_5, %get3A_6] : memref<2x2xf32, #tpu.memory_space<smem>>
    %get3A_8 = arith.constant 0 : index
    %get3A_9 = arith.constant 1 : index
    %get3A_10 = memref.load %arg1[%get3A_8, %get3A_9] : memref<2x2xf32, #tpu.memory_space<smem>>
    %mul3A_11 = vector.broadcast %get3A_10 : f32 to vector<1x5120xf32>
    %mul3A_12 = arith.mulf %mul3A_11, %get3A_4 : vector<1x5120xf32>
    %add3A = vector.broadcast %get3A_7 : f32 to vector<1x5120xf32>
    %add3A_13 = arith.addf %add3A, %mul3A_12 : vector<1x5120xf32>
    %get3A_14 = arith.constant 1 : index
    %get3A_15 = arith.constant 0 : index
    %get3A_16 = memref.load %arg1[%get3A_14, %get3A_15] : memref<2x2xf32, #tpu.memory_space<smem>>
    %mul3A_17 = vector.broadcast %get3A_16 : f32 to vector<1x5120xf32>
    %mul3A_18 = arith.mulf %mul3A_17, %get3A_1 : vector<1x5120xf32>
    %add3A_19 = arith.addf %add3A_13, %mul3A_18 : vector<1x5120xf32>
    %get3A_20 = arith.constant 1 : index
    %get3A_21 = arith.constant 1 : index
    %get3A_22 = memref.load %arg1[%get3A_20, %get3A_21] : memref<2x2xf32, #tpu.memory_space<smem>>
    %mul3A_23 = vector.broadcast %get3A_22 : f32 to vector<1x5120xf32>
    %mul3A_24 = arith.mulf %mul3A_23, %mul3A : vector<1x5120xf32>
    %add3A_25 = arith.addf %add3A_19, %mul3A_24 : vector<1x5120xf32>
    %get3A_26 = arith.constant 0 : index
    %get3A_27 = arith.constant 0 : index
    %get3A_28 = memref.load %arg2[%get3A_26, %get3A_27] : memref<2x2xf32, #tpu.memory_space<smem>>
    %get3A_29 = arith.constant 0 : index
    %get3A_30 = arith.constant 1 : index
    %get3A_31 = memref.load %arg2[%get3A_29, %get3A_30] : memref<2x2xf32, #tpu.memory_space<smem>>
    %mul3A_32 = vector.broadcast %get3A_31 : f32 to vector<1x5120xf32>
    %mul3A_33 = arith.mulf %mul3A_32, %get3A_4 : vector<1x5120xf32>
    %add3A_34 = vector.broadcast %get3A_28 : f32 to vector<1x5120xf32>
    %add3A_35 = arith.addf %add3A_34, %mul3A_33 : vector<1x5120xf32>
    %get3A_36 = arith.constant 1 : index
    %get3A_37 = arith.constant 0 : index
    %get3A_38 = memref.load %arg2[%get3A_36, %get3A_37] : memref<2x2xf32, #tpu.memory_space<smem>>
    %mul3A_39 = vector.broadcast %get3A_38 : f32 to vector<1x5120xf32>
    %mul3A_40 = arith.mulf %mul3A_39, %get3A_1 : vector<1x5120xf32>
    %add3A_41 = arith.addf %add3A_35, %mul3A_40 : vector<1x5120xf32>
    %get3A_42 = arith.constant 1 : index
    %get3A_43 = arith.constant 1 : index
    %get3A_44 = memref.load %arg2[%get3A_42, %get3A_43] : memref<2x2xf32, #tpu.memory_space<smem>>
    %mul3A_45 = vector.broadcast %get3A_44 : f32 to vector<1x5120xf32>
    %mul3A_46 = arith.mulf %mul3A_45, %mul3A : vector<1x5120xf32>
    %add3A_47 = arith.addf %add3A_41, %mul3A_46 : vector<1x5120xf32>
    %eq3A = arith.constant 0 : i32
    %eq3A_48 = arith.cmpi eq, %arg0, %eq3A : i32
    %convert_element_type3A = arith.extui %eq3A_48 : i1 to i32
    %cond3A = arith.constant 0 : i32
    %cond3A_49 = arith.cmpi ne, %convert_element_type3A, %cond3A : i32
    scf.if %cond3A_49 {
      %swap3A_1604 = arith.constant 0 : index
      %swap3A_1605 = arith.constant 0 : index
      %swap3A_1606 = vector.load %arg6[%swap3A_1604, %swap3A_1605] : memref<2x5120xf32, #tpu.memory_space<vmem>>, vector<1x5120xf32>
      tpu.vector_store %arg6[%swap3A_1604, %swap3A_1605], %add3A_25 {strides = array<i32>} : memref<2x5120xf32, #tpu.memory_space<vmem>>, vector<1x5120xf32>,
      %swap3A_1607 = arith.constant 1 : index
      %swap3A_1608 = arith.constant 0 : index
      %swap3A_1609 = vector.load %arg6[%swap3A_1607, %swap3A_1608] : memref<2x5120xf32, #tpu.memory_space<vmem>>, vector<1x5120xf32>
      tpu.vector_store %arg6[%swap3A_1607, %swap3A_1608], %add3A_47 {strides = array<i32>} : memref<2x5120xf32, #tpu.memory_space<vmem>>, vector<1x5120xf32>,
    } else {
    }
    %iota3A = tpu.iota {dimensions = array<i32: 1>} : vector<1x128xi32>
    %scan3A = arith.constant 0 : i32
    %mul3A_50 = arith.constant 256 : i32
    %mul3A_51 = arith.muli %scan3A, %mul3A_50 : i32
    %get3A_52 = arith.index_cast %mul3A_51 : i32 to index
    %get3A_53 = arith.constant 0 : index
    %get3A_54 = vector.load %arg3[%get3A_52, %get3A_53] : memref<256x2xf32, #tpu.memory_space<vmem>>, vector<256x1xf32>
    %get3A_55 = arith.index_cast %mul3A_51 : i32 to index
    %get3A_56 = arith.constant 1 : index
    %get3A_57 = vector.load %arg3[%get3A_55, %get3A_56] : memref<256x2xf32, #tpu.memory_space<vmem>>, vector<256x1xf32>
    %slice3A = vector.extract_strided_slice %add3A_25 {offsets = [0, 0], sizes = [1, 128], strides = [1, 1]} : vector<1x5120xf32> to vector<1x128xf32>
    %slice3A_58 = vector.extract_strided_slice %add3A_47 {offsets = [0, 0], sizes = [1, 128], strides = [1, 1]} : vector<1x5120xf32> to vector<1x128xf32>
    %sub3A = vector.broadcast %get3A_54 : vector<256x1xf32> to vector<256x128xf32>
    %sub3A_59 = vector.broadcast %slice3A : vector<1x128xf32> to vector<256x128xf32>
    %sub3A_60 = arith.subf %sub3A, %sub3A_59 : vector<256x128xf32>
    %sub3A_61 = vector.broadcast %get3A_57 : vector<256x1xf32> to vector<256x128xf32>
    %sub3A_62 = vector.broadcast %slice3A_58 : vector<1x128xf32> to vector<256x128xf32>
    %sub3A_63 = arith.subf %sub3A_61, %sub3A_62 : vector<256x128xf32>
    %mul3A_64 = arith.mulf %sub3A_60, %sub3A_60 : vector<256x128xf32>
    %mul3A_65 = arith.mulf %sub3A_63, %sub3A_63 : vector<256x128xf32>
    %add3A_66 = arith.addf %mul3A_64, %mul3A_65 : vector<256x128xf32>
    %bitcast_convert_type3A = tpu.bitcast %add3A_66 : vector<256x128xf32> -> vector<256x128xi32>
    %and3A = arith.constant -8192 : i32
    %and3A_67 = vector.broadcast %and3A : i32 to vector<256x128xi32>
    %and3A_68 = arith.andi %bitcast_convert_type3A, %and3A_67 : vector<256x128xi32>
    %add3A_69 = arith.constant 0 : i32
    %add3A_70 = vector.broadcast %add3A_69 : i32 to vector<1x128xi32>
    %add3A_71 = arith.addi %iota3A, %add3A_70 : vector<1x128xi32>
    %or3A = vector.broadcast %add3A_71 : vector<1x128xi32> to vector<256x128xi32>
    %or3A_72 = arith.ori %and3A_68, %or3A : vector<256x128xi32>
    %bitcast_convert_type3A_73 = tpu.bitcast %or3A_72 : vector<256x128xi32> -> vector<256x128xf32>
    %slice3A_74 = vector.extract_strided_slice %add3A_25 {offsets = [0, 128], sizes = [1, 128], strides = [1, 1]} : vector<1x5120xf32> to vector<1x128xf32>
    %slice3A_75 = vector.extract_strided_slice %add3A_47 {offsets = [0, 128], sizes = [1, 128], strides = [1, 1]} : vector<1x5120xf32> to vector<1x128xf32>
    %sub3A_76 = vector.broadcast %get3A_54 : vector<256x1xf32> to vector<256x128xf32>
    %sub3A_77 = vector.broadcast %slice3A_74 : vector<1x128xf32> to vector<256x128xf32>
    %sub3A_78 = arith.subf %sub3A_76, %sub3A_77 : vector<256x128xf32>
    %sub3A_79 = vector.broadcast %get3A_57 : vector<256x1xf32> to vector<256x128xf32>
    %sub3A_80 = vector.broadcast %slice3A_75 : vector<1x128xf32> to vector<256x128xf32>
    %sub3A_81 = arith.subf %sub3A_79, %sub3A_80 : vector<256x128xf32>
    %mul3A_82 = arith.mulf %sub3A_78, %sub3A_78 : vector<256x128xf32>
    %mul3A_83 = arith.mulf %sub3A_81, %sub3A_81 : vector<256x128xf32>
    %add3A_84 = arith.addf %mul3A_82, %mul3A_83 : vector<256x128xf32>
    %bitcast_convert_type3A_85 = tpu.bitcast %add3A_84 : vector<256x128xf32> -> vector<256x128xi32>
    %and3A_86 = arith.constant -8192 : i32
    %and3A_87 = vector.broadcast %and3A_86 : i32 to vector<256x128xi32>
    %and3A_88 = arith.andi %bitcast_convert_type3A_85, %and3A_87 : vector<256x128xi32>
    %add3A_89 = arith.constant 128 : i32
    %add3A_90 = vector.broadcast %add3A_89 : i32 to vector<1x128xi32>
    %add3A_91 = arith.addi %iota3A, %add3A_90 : vector<1x128xi32>
    %or3A_92 = vector.broadcast %add3A_91 : vector<1x128xi32> to vector<256x128xi32>
    %or3A_93 = arith.ori %and3A_88, %or3A_92 : vector<256x128xi32>
    %bitcast_convert_type3A_94 = tpu.bitcast %or3A_93 : vector<256x128xi32> -> vector<256x128xf32>
    %slice3A_95 = vector.extract_strided_slice %add3A_25 {offsets = [0, 256], sizes = [1, 128], strides = [1, 1]} : vector<1x5120xf32> to vector<1x128xf32>
    %slice3A_96 = vector.extract_strided_slice %add3A_47 {offsets = [0, 256], sizes = [1, 128], strides = [1, 1]} : vector<1x5120xf32> to vector<1x128xf32>
    %sub3A_97 = vector.broadcast %get3A_54 : vector<256x1xf32> to vector<256x128xf32>
    %sub3A_98 = vector.broadcast %slice3A_95 : vector<1x128xf32> to vector<256x128xf32>
    %sub3A_99 = arith.subf %sub3A_97, %sub3A_98 : vector<256x128xf32>
    %sub3A_100 = vector.broadcast %get3A_57 : vector<256x1xf32> to vector<256x128xf32>
    %sub3A_101 = vector.broadcast %slice3A_96 : vector<1x128xf32> to vector<256x128xf32>
    %sub3A_102 = arith.subf %sub3A_100, %sub3A_101 : vector<256x128xf32>
    %mul3A_103 = arith.mulf %sub3A_99, %sub3A_99 : vector<256x128xf32>
    %mul3A_104 = arith.mulf %sub3A_102, %sub3A_102 : vector<256x128xf32>
    %add3A_105 = arith.addf %mul3A_103, %mul3A_104 : vector<256x128xf32>
    %bitcast_convert_type3A_106 = tpu.bitcast %add3A_105 : vector<256x128xf32> -> vector<256x128xi32>
    %and3A_107 = arith.constant -8192 : i32
    %and3A_108 = vector.broadcast %and3A_107 : i32 to vector<256x128xi32>
    %and3A_109 = arith.andi %bitcast_convert_type3A_106, %and3A_108 : vector<256x128xi32>
    %add3A_110 = arith.constant 256 : i32
    %add3A_111 = vector.broadcast %add3A_110 : i32 to vector<1x128xi32>
    %add3A_112 = arith.addi %iota3A, %add3A_111 : vector<1x128xi32>
    %or3A_113 = vector.broadcast %add3A_112 : vector<1x128xi32> to vector<256x128xi32>
    %or3A_114 = arith.ori %and3A_109, %or3A_113 : vector<256x128xi32>
    %bitcast_convert_type3A_115 = tpu.bitcast %or3A_114 : vector<256x128xi32> -> vector<256x128xf32>
    %slice3A_116 = vector.extract_strided_slice %add3A_25 {offsets = [0, 384], sizes = [1, 128], strides = [1, 1]} : vector<1x5120xf32> to vector<1x128xf32>
    %slice3A_117 = vector.extract_strided_slice %add3A_47 {offsets = [0, 384], sizes = [1, 128], strides = [1, 1]} : vector<1x5120xf32> to vector<1x128xf32>
    %sub3A_118 = vector.broadcast %get3A_54 : vector<256x1xf32> to vector<256x128xf32>
    %sub3A_119 = vector.broadcast %slice3A_116 : vector<1x128xf32> to vector<256x128xf32>
    %sub3A_120 = arith.subf %sub3A_118, %sub3A_119 : vector<256x128xf32>
    %sub3A_121 = vector.broadcast %get3A_57 : vector<256x1xf32> to vector<256x128xf32>
    %sub3A_122 = vector.broadcast %slice3A_117 : vector<1x128xf32> to vector<256x128xf32>
    %sub3A_123 = arith.subf %sub3A_121, %sub3A_122 : vector<256x128xf32>
    %mul3A_124 = arith.mulf %sub3A_120, %sub3A_120 : vector<256x128xf32>
    %mul3A_125 = arith.mulf %sub3A_123, %sub3A_123 : vector<256x128xf32>
    %add3A_126 = arith.addf %mul3A_124, %mul3A_125 : vector<256x128xf32>
    %bitcast_convert_type3A_127 = tpu.bitcast %add3A_126 : vector<256x128xf32> -> vector<256x128xi32>
    %and3A_128 = arith.constant -8192 : i32
    %and3A_129 = vector.broadcast %and3A_128 : i32 to vector<256x128xi32>
    %and3A_130 = arith.andi %bitcast_convert_type3A_127, %and3A_129 : vector<256x128xi32>
    %add3A_131 = arith.constant 384 : i32
    %add3A_132 = vector.broadcast %add3A_131 : i32 to vector<1x128xi32>
    %add3A_133 = arith.addi %iota3A, %add3A_132 : vector<1x128xi32>
    %or3A_134 = vector.broadcast %add3A_133 : vector<1x128xi32> to vector<256x128xi32>
    %or3A_135 = arith.ori %and3A_130, %or3A_134 : vector<256x128xi32>
    %bitcast_convert_type3A_136 = tpu.bitcast %or3A_135 : vector<256x128xi32> -> vector<256x128xf32>
    %slice3A_137 = vector.extract_strided_slice %add3A_25 {offsets = [0, 512], sizes = [1, 128], strides = [1, 1]} : vector<1x5120xf32> to vector<1x128xf32>
    %slice3A_138 = vector.extract_strided_slice %add3A_47 {offsets = [0, 512], sizes = [1, 128], strides = [1, 1]} : vector<1x5120xf32> to vector<1x128xf32>
    %sub3A_139 = vector.broadcast %get3A_54 : vector<256x1xf32> to vector<256x128xf32>
    %sub3A_140 = vector.broadcast %slice3A_137 : vector<1x128xf32> to vector<256x128xf32>
    %sub3A_141 = arith.subf %sub3A_139, %sub3A_140 : vector<256x128xf32>
    %sub3A_142 = vector.broadcast %get3A_57 : vector<256x1xf32> to vector<256x128xf32>
    %sub3A_143 = vector.broadcast %slice3A_138 : vector<1x128xf32> to vector<256x128xf32>
    %sub3A_144 = arith.subf %sub3A_142, %sub3A_143 : vector<256x128xf32>
    %mul3A_145 = arith.mulf %sub3A_141, %sub3A_141 : vector<256x128xf32>
    %mul3A_146 = arith.mulf %sub3A_144, %sub3A_144 : vector<256x128xf32>
    %add3A_147 = arith.addf %mul3A_145, %mul3A_146 : vector<256x128xf32>
    %bitcast_convert_type3A_148 = tpu.bitcast %add3A_147 : vector<256x128xf32> -> vector<256x128xi32>
    %and3A_149 = arith.constant -8192 : i32
    %and3A_150 = vector.broadcast %and3A_149 : i32 to vector<256x128xi32>
    %and3A_151 = arith.andi %bitcast_convert_type3A_148, %and3A_150 : vector<256x128xi32>
    %add3A_152 = arith.constant 512 : i32
    %add3A_153 = vector.broadcast %add3A_152 : i32 to vector<1x128xi32>
    %add3A_154 = arith.addi %iota3A, %add3A_153 : vector<1x128xi32>
    %or3A_155 = vector.broadcast %add3A_154 : vector<1x128xi32> to vector<256x128xi32>
    %or3A_156 = arith.ori %and3A_151, %or3A_155 : vector<256x128xi32>
    %bitcast_convert_type3A_157 = tpu.bitcast %or3A_156 : vector<256x128xi32> -> vector<256x128xf32>
    %slice3A_158 = vector.extract_strided_slice %add3A_25 {offsets = [0, 640], sizes = [1, 128], strides = [1, 1]} : vector<1x5120xf32> to vector<1x128xf32>
    %slice3A_159 = vector.extract_strided_slice %add3A_47 {offsets = [0, 640], sizes = [1, 128], strides = [1, 1]} : vector<1x5120xf32> to vector<1x128xf32>
    %sub3A_160 = vector.broadcast %get3A_54 : vector<256x1xf32> to vector<256x128xf32>
    %sub3A_161 = vector.broadcast %slice3A_158 : vector<1x128xf32> to vector<256x128xf32>
    %sub3A_162 = arith.subf %sub3A_160, %sub3A_161 : vector<256x128xf32>
    %sub3A_163 = vector.broadcast %get3A_57 : vector<256x1xf32> to vector<256x128xf32>
    %sub3A_164 = vector.broadcast %slice3A_159 : vector<1x128xf32> to vector<256x128xf32>
    %sub3A_165 = arith.subf %sub3A_163, %sub3A_164 : vector<256x128xf32>
    %mul3A_166 = arith.mulf %sub3A_162, %sub3A_162 : vector<256x128xf32>
    %mul3A_167 = arith.mulf %sub3A_165, %sub3A_165 : vector<256x128xf32>
    %add3A_168 = arith.addf %mul3A_166, %mul3A_167 : vector<256x128xf32>
    %bitcast_convert_type3A_169 = tpu.bitcast %add3A_168 : vector<256x128xf32> -> vector<256x128xi32>
    %and3A_170 = arith.constant -8192 : i32
    %and3A_171 = vector.broadcast %and3A_170 : i32 to vector<256x128xi32>
    %and3A_172 = arith.andi %bitcast_convert_type3A_169, %and3A_171 : vector<256x128xi32>
    %add3A_173 = arith.constant 640 : i32
    %add3A_174 = vector.broadcast %add3A_173 : i32 to vector<1x128xi32>
    %add3A_175 = arith.addi %iota3A, %add3A_174 : vector<1x128xi32>
    %or3A_176 = vector.broadcast %add3A_175 : vector<1x128xi32> to vector<256x128xi32>
    %or3A_177 = arith.ori %and3A_172, %or3A_176 : vector<256x128xi32>
    %bitcast_convert_type3A_178 = tpu.bitcast %or3A_177 : vector<256x128xi32> -> vector<256x128xf32>
    %slice3A_179 = vector.extract_strided_slice %add3A_25 {offsets = [0, 768], sizes = [1, 128], strides = [1, 1]} : vector<1x5120xf32> to vector<1x128xf32>
    %slice3A_180 = vector.extract_strided_slice %add3A_47 {offsets = [0, 768], sizes = [1, 128], strides = [1, 1]} : vector<1x5120xf32> to vector<1x128xf32>
    %sub3A_181 = vector.broadcast %get3A_54 : vector<256x1xf32> to vector<256x128xf32>
    %sub3A_182 = vector.broadcast %slice3A_179 : vector<1x128xf32> to vector<256x128xf32>
    %sub3A_183 = arith.subf %sub3A_181, %sub3A_182 : vector<256x128xf32>
    %sub3A_184 = vector.broadcast %get3A_57 : vector<256x1xf32> to vector<256x128xf32>
    %sub3A_185 = vector.broadcast %slice3A_180 : vector<1x128xf32> to vector<256x128xf32>
    %sub3A_186 = arith.subf %sub3A_184, %sub3A_185 : vector<256x128xf32>
    %mul3A_187 = arith.mulf %sub3A_183, %sub3A_183 : vector<256x128xf32>
    %mul3A_188 = arith.mulf %sub3A_186, %sub3A_186 : vector<256x128xf32>
    %add3A_189 = arith.addf %mul3A_187, %mul3A_188 : vector<256x128xf32>
    %bitcast_convert_type3A_190 = tpu.bitcast %add3A_189 : vector<256x128xf32> -> vector<256x128xi32>
    %and3A_191 = arith.constant -8192 : i32
    %and3A_192 = vector.broadcast %and3A_191 : i32 to vector<256x128xi32>
    %and3A_193 = arith.andi %bitcast_convert_type3A_190, %and3A_192 : vector<256x128xi32>
    %add3A_194 = arith.constant 768 : i32
    %add3A_195 = vector.broadcast %add3A_194 : i32 to vector<1x128xi32>
    %add3A_196 = arith.addi %iota3A, %add3A_195 : vector<1x128xi32>
    %or3A_197 = vector.broadcast %add3A_196 : vector<1x128xi32> to vector<256x128xi32>
    %or3A_198 = arith.ori %and3A_193, %or3A_197 : vector<256x128xi32>
    %bitcast_convert_type3A_199 = tpu.bitcast %or3A_198 : vector<256x128xi32> -> vector<256x128xf32>
    %slice3A_200 = vector.extract_strided_slice %add3A_25 {offsets = [0, 896], sizes = [1, 128], strides = [1, 1]} : vector<1x5120xf32> to vector<1x128xf32>
    %slice3A_201 = vector.extract_strided_slice %add3A_47 {offsets = [0, 896], sizes = [1, 128], strides = [1, 1]} : vector<1x5120xf32> to vector<1x128xf32>
    %sub3A_202 = vector.broadcast %get3A_54 : vector<256x1xf32> to vector<256x128xf32>
    %sub3A_203 = vector.broadcast %slice3A_200 : vector<1x128xf32> to vector<256x128xf32>
    %sub3A_204 = arith.subf %sub3A_202, %sub3A_203 : vector<256x128xf32>
    %sub3A_205 = vector.broadcast %get3A_57 : vector<256x1xf32> to vector<256x128xf32>
    %sub3A_206 = vector.broadcast %slice3A_201 : vector<1x128xf32> to vector<256x128xf32>
    %sub3A_207 = arith.subf %sub3A_205, %sub3A_206 : vector<256x128xf32>
    %mul3A_208 = arith.mulf %sub3A_204, %sub3A_204 : vector<256x128xf32>
    %mul3A_209 = arith.mulf %sub3A_207, %sub3A_207 : vector<256x128xf32>
    %add3A_210 = arith.addf %mul3A_208, %mul3A_209 : vector<256x128xf32>
    %bitcast_convert_type3A_211 = tpu.bitcast %add3A_210 : vector<256x128xf32> -> vector<256x128xi32>
    %and3A_212 = arith.constant -8192 : i32
    %and3A_213 = vector.broadcast %and3A_212 : i32 to vector<256x128xi32>
    %and3A_214 = arith.andi %bitcast_convert_type3A_211, %and3A_213 : vector<256x128xi32>
    %add3A_215 = arith.constant 896 : i32
    %add3A_216 = vector.broadcast %add3A_215 : i32 to vector<1x128xi32>
    %add3A_217 = arith.addi %iota3A, %add3A_216 : vector<1x128xi32>
    %or3A_218 = vector.broadcast %add3A_217 : vector<1x128xi32> to vector<256x128xi32>
    %or3A_219 = arith.ori %and3A_214, %or3A_218 : vector<256x128xi32>
    %bitcast_convert_type3A_220 = tpu.bitcast %or3A_219 : vector<256x128xi32> -> vector<256x128xf32>
    %slice3A_221 = vector.extract_strided_slice %add3A_25 {offsets = [0, 1024], sizes = [1, 128], strides = [1, 1]} : vector<1x5120xf32> to vector<1x128xf32>
    %slice3A_222 = vector.extract_strided_slice %add3A_47 {offsets = [0, 1024], sizes = [1, 128], strides = [1, 1]} : vector<1x5120xf32> to vector<1x128xf32>
    %sub3A_223 = vector.broadcast %get3A_54 : vector<256x1xf32> to vector<256x128xf32>
    %sub3A_224 = vector.broadcast %slice3A_221 : vector<1x128xf32> to vector<256x128xf32>
    %sub3A_225 = arith.subf %sub3A_223, %sub3A_224 : vector<256x128xf32>
    %sub3A_226 = vector.broadcast %get3A_57 : vector<256x1xf32> to vector<256x128xf32>
    %sub3A_227 = vector.broadcast %slice3A_222 : vector<1x128xf32> to vector<256x128xf32>
    %sub3A_228 = arith.subf %sub3A_226, %sub3A_227 : vector<256x128xf32>
    %mul3A_229 = arith.mulf %sub3A_225, %sub3A_225 : vector<256x128xf32>
    %mul3A_230 = arith.mulf %sub3A_228, %sub3A_228 : vector<256x128xf32>
    %add3A_231 = arith.addf %mul3A_229, %mul3A_230 : vector<256x128xf32>
    %bitcast_convert_type3A_232 = tpu.bitcast %add3A_231 : vector<256x128xf32> -> vector<256x128xi32>
    %and3A_233 = arith.constant -8192 : i32
    %and3A_234 = vector.broadcast %and3A_233 : i32 to vector<256x128xi32>
    %and3A_235 = arith.andi %bitcast_convert_type3A_232, %and3A_234 : vector<256x128xi32>
    %add3A_236 = arith.constant 1024 : i32
    %add3A_237 = vector.broadcast %add3A_236 : i32 to vector<1x128xi32>
    %add3A_238 = arith.addi %iota3A, %add3A_237 : vector<1x128xi32>
    %or3A_239 = vector.broadcast %add3A_238 : vector<1x128xi32> to vector<256x128xi32>
    %or3A_240 = arith.ori %and3A_235, %or3A_239 : vector<256x128xi32>
    %bitcast_convert_type3A_241 = tpu.bitcast %or3A_240 : vector<256x128xi32> -> vector<256x128xf32>
    %slice3A_242 = vector.extract_strided_slice %add3A_25 {offsets = [0, 1152], sizes = [1, 128], strides = [1, 1]} : vector<1x5120xf32> to vector<1x128xf32>
    %slice3A_243 = vector.extract_strided_slice %add3A_47 {offsets = [0, 1152], sizes = [1, 128], strides = [1, 1]} : vector<1x5120xf32> to vector<1x128xf32>
    %sub3A_244 = vector.broadcast %get3A_54 : vector<256x1xf32> to vector<256x128xf32>
    %sub3A_245 = vector.broadcast %slice3A_242 : vector<1x128xf32> to vector<256x128xf32>
    %sub3A_246 = arith.subf %sub3A_244, %sub3A_245 : vector<256x128xf32>
    %sub3A_247 = vector.broadcast %get3A_57 : vector<256x1xf32> to vector<256x128xf32>
    %sub3A_248 = vector.broadcast %slice3A_243 : vector<1x128xf32> to vector<256x128xf32>
    %sub3A_249 = arith.subf %sub3A_247, %sub3A_248 : vector<256x128xf32>
    %mul3A_250 = arith.mulf %sub3A_246, %sub3A_246 : vector<256x128xf32>
    %mul3A_251 = arith.mulf %sub3A_249, %sub3A_249 : vector<256x128xf32>
    %add3A_252 = arith.addf %mul3A_250, %mul3A_251 : vector<256x128xf32>
    %bitcast_convert_type3A_253 = tpu.bitcast %add3A_252 : vector<256x128xf32> -> vector<256x128xi32>
    %and3A_254 = arith.constant -8192 : i32
    %and3A_255 = vector.broadcast %and3A_254 : i32 to vector<256x128xi32>
    %and3A_256 = arith.andi %bitcast_convert_type3A_253, %and3A_255 : vector<256x128xi32>
    %add3A_257 = arith.constant 1152 : i32
    %add3A_258 = vector.broadcast %add3A_257 : i32 to vector<1x128xi32>
    %add3A_259 = arith.addi %iota3A, %add3A_258 : vector<1x128xi32>
    %or3A_260 = vector.broadcast %add3A_259 : vector<1x128xi32> to vector<256x128xi32>
    %or3A_261 = arith.ori %and3A_256, %or3A_260 : vector<256x128xi32>
    %bitcast_convert_type3A_262 = tpu.bitcast %or3A_261 : vector<256x128xi32> -> vector<256x128xf32>
    %slice3A_263 = vector.extract_strided_slice %add3A_25 {offsets = [0, 1280], sizes = [1, 128], strides = [1, 1]} : vector<1x5120xf32> to vector<1x128xf32>
    %slice3A_264 = vector.extract_strided_slice %add3A_47 {offsets = [0, 1280], sizes = [1, 128], strides = [1, 1]} : vector<1x5120xf32> to vector<1x128xf32>
    %sub3A_265 = vector.broadcast %get3A_54 : vector<256x1xf32> to vector<256x128xf32>
    %sub3A_266 = vector.broadcast %slice3A_263 : vector<1x128xf32> to vector<256x128xf32>
    %sub3A_267 = arith.subf %sub3A_265, %sub3A_266 : vector<256x128xf32>
    %sub3A_268 = vector.broadcast %get3A_57 : vector<256x1xf32> to vector<256x128xf32>
    %sub3A_269 = vector.broadcast %slice3A_264 : vector<1x128xf32> to vector<256x128xf32>
    %sub3A_270 = arith.subf %sub3A_268, %sub3A_269 : vector<256x128xf32>
    %mul3A_271 = arith.mulf %sub3A_267, %sub3A_267 : vector<256x128xf32>
    %mul3A_272 = arith.mulf %sub3A_270, %sub3A_270 : vector<256x128xf32>
    %add3A_273 = arith.addf %mul3A_271, %mul3A_272 : vector<256x128xf32>
    %bitcast_convert_type3A_274 = tpu.bitcast %add3A_273 : vector<256x128xf32> -> vector<256x128xi32>
    %and3A_275 = arith.constant -8192 : i32
    %and3A_276 = vector.broadcast %and3A_275 : i32 to vector<256x128xi32>
    %and3A_277 = arith.andi %bitcast_convert_type3A_274, %and3A_276 : vector<256x128xi32>
    %add3A_278 = arith.constant 1280 : i32
    %add3A_279 = vector.broadcast %add3A_278 : i32 to vector<1x128xi32>
    %add3A_280 = arith.addi %iota3A, %add3A_279 : vector<1x128xi32>
    %or3A_281 = vector.broadcast %add3A_280 : vector<1x128xi32> to vector<256x128xi32>
    %or3A_282 = arith.ori %and3A_277, %or3A_281 : vector<256x128xi32>
    %bitcast_convert_type3A_283 = tpu.bitcast %or3A_282 : vector<256x128xi32> -> vector<256x128xf32>
    %slice3A_284 = vector.extract_strided_slice %add3A_25 {offsets = [0, 1408], sizes = [1, 128], strides = [1, 1]} : vector<1x5120xf32> to vector<1x128xf32>
    %slice3A_285 = vector.extract_strided_slice %add3A_47 {offsets = [0, 1408], sizes = [1, 128], strides = [1, 1]} : vector<1x5120xf32> to vector<1x128xf32>
    %sub3A_286 = vector.broadcast %get3A_54 : vector<256x1xf32> to vector<256x128xf32>
    %sub3A_287 = vector.broadcast %slice3A_284 : vector<1x128xf32> to vector<256x128xf32>
    %sub3A_288 = arith.subf %sub3A_286, %sub3A_287 : vector<256x128xf32>
    %sub3A_289 = vector.broadcast %get3A_57 : vector<256x1xf32> to vector<256x128xf32>
    %sub3A_290 = vector.broadcast %slice3A_285 : vector<1x128xf32> to vector<256x128xf32>
    %sub3A_291 = arith.subf %sub3A_289, %sub3A_290 : vector<256x128xf32>
    %mul3A_292 = arith.mulf %sub3A_288, %sub3A_288 : vector<256x128xf32>
    %mul3A_293 = arith.mulf %sub3A_291, %sub3A_291 : vector<256x128xf32>
    %add3A_294 = arith.addf %mul3A_292, %mul3A_293 : vector<256x128xf32>
    %bitcast_convert_type3A_295 = tpu.bitcast %add3A_294 : vector<256x128xf32> -> vector<256x128xi32>
    %and3A_296 = arith.constant -8192 : i32
    %and3A_297 = vector.broadcast %and3A_296 : i32 to vector<256x128xi32>
    %and3A_298 = arith.andi %bitcast_convert_type3A_295, %and3A_297 : vector<256x128xi32>
    %add3A_299 = arith.constant 1408 : i32
    %add3A_300 = vector.broadcast %add3A_299 : i32 to vector<1x128xi32>
    %add3A_301 = arith.addi %iota3A, %add3A_300 : vector<1x128xi32>
    %or3A_302 = vector.broadcast %add3A_301 : vector<1x128xi32> to vector<256x128xi32>
    %or3A_303 = arith.ori %and3A_298, %or3A_302 : vector<256x128xi32>
    %bitcast_convert_type3A_304 = tpu.bitcast %or3A_303 : vector<256x128xi32> -> vector<256x128xf32>
    %slice3A_305 = vector.extract_strided_slice %add3A_25 {offsets = [0, 1536], sizes = [1, 128], strides = [1, 1]} : vector<1x5120xf32> to vector<1x128xf32>
    %slice3A_306 = vector.extract_strided_slice %add3A_47 {offsets = [0, 1536], sizes = [1, 128], strides = [1, 1]} : vector<1x5120xf32> to vector<1x128xf32>
    %sub3A_307 = vector.broadcast %get3A_54 : vector<256x1xf32> to vector<256x128xf32>
    %sub3A_308 = vector.broadcast %slice3A_305 : vector<1x128xf32> to vector<256x128xf32>
    %sub3A_309 = arith.subf %sub3A_307, %sub3A_308 : vector<256x128xf32>
    %sub3A_310 = vector.broadcast %get3A_57 : vector<256x1xf32> to vector<256x128xf32>
    %sub3A_311 = vector.broadcast %slice3A_306 : vector<1x128xf32> to vector<256x128xf32>
    %sub3A_312 = arith.subf %sub3A_310, %sub3A_311 : vector<256x128xf32>
    %mul3A_313 = arith.mulf %sub3A_309, %sub3A_309 : vector<256x128xf32>
    %mul3A_314 = arith.mulf %sub3A_312, %sub3A_312 : vector<256x128xf32>
    %add3A_315 = arith.addf %mul3A_313, %mul3A_314 : vector<256x128xf32>
    %bitcast_convert_type3A_316 = tpu.bitcast %add3A_315 : vector<256x128xf32> -> vector<256x128xi32>
    %and3A_317 = arith.constant -8192 : i32
    %and3A_318 = vector.broadcast %and3A_317 : i32 to vector<256x128xi32>
    %and3A_319 = arith.andi %bitcast_convert_type3A_316, %and3A_318 : vector<256x128xi32>
    %add3A_320 = arith.constant 1536 : i32
    %add3A_321 = vector.broadcast %add3A_320 : i32 to vector<1x128xi32>
    %add3A_322 = arith.addi %iota3A, %add3A_321 : vector<1x128xi32>
    %or3A_323 = vector.broadcast %add3A_322 : vector<1x128xi32> to vector<256x128xi32>
    %or3A_324 = arith.ori %and3A_319, %or3A_323 : vector<256x128xi32>
    %bitcast_convert_type3A_325 = tpu.bitcast %or3A_324 : vector<256x128xi32> -> vector<256x128xf32>
    %slice3A_326 = vector.extract_strided_slice %add3A_25 {offsets = [0, 1664], sizes = [1, 128], strides = [1, 1]} : vector<1x5120xf32> to vector<1x128xf32>
    %slice3A_327 = vector.extract_strided_slice %add3A_47 {offsets = [0, 1664], sizes = [1, 128], strides = [1, 1]} : vector<1x5120xf32> to vector<1x128xf32>
    %sub3A_328 = vector.broadcast %get3A_54 : vector<256x1xf32> to vector<256x128xf32>
    %sub3A_329 = vector.broadcast %slice3A_326 : vector<1x128xf32> to vector<256x128xf32>
    %sub3A_330 = arith.subf %sub3A_328, %sub3A_329 : vector<256x128xf32>
    %sub3A_331 = vector.broadcast %get3A_57 : vector<256x1xf32> to vector<256x128xf32>
    %sub3A_332 = vector.broadcast %slice3A_327 : vector<1x128xf32> to vector<256x128xf32>
    %sub3A_333 = arith.subf %sub3A_331, %sub3A_332 : vector<256x128xf32>
    %mul3A_334 = arith.mulf %sub3A_330, %sub3A_330 : vector<256x128xf32>
    %mul3A_335 = arith.mulf %sub3A_333, %sub3A_333 : vector<256x128xf32>
    %add3A_336 = arith.addf %mul3A_334, %mul3A_335 : vector<256x128xf32>
    %bitcast_convert_type3A_337 = tpu.bitcast %add3A_336 : vector<256x128xf32> -> vector<256x128xi32>
    %and3A_338 = arith.constant -8192 : i32
    %and3A_339 = vector.broadcast %and3A_338 : i32 to vector<256x128xi32>
    %and3A_340 = arith.andi %bitcast_convert_type3A_337, %and3A_339 : vector<256x128xi32>
    %add3A_341 = arith.constant 1664 : i32
    %add3A_342 = vector.broadcast %add3A_341 : i32 to vector<1x128xi32>
    %add3A_343 = arith.addi %iota3A, %add3A_342 : vector<1x128xi32>
    %or3A_344 = vector.broadcast %add3A_343 : vector<1x128xi32> to vector<256x128xi32>
    %or3A_345 = arith.ori %and3A_340, %or3A_344 : vector<256x128xi32>
    %bitcast_convert_type3A_346 = tpu.bitcast %or3A_345 : vector<256x128xi32> -> vector<256x128xf32>
    %slice3A_347 = vector.extract_strided_slice %add3A_25 {offsets = [0, 1792], sizes = [1, 128], strides = [1, 1]} : vector<1x5120xf32> to vector<1x128xf32>
    %slice3A_348 = vector.extract_strided_slice %add3A_47 {offsets = [0, 1792], sizes = [1, 128], strides = [1, 1]} : vector<1x5120xf32> to vector<1x128xf32>
    %sub3A_349 = vector.broadcast %get3A_54 : vector<256x1xf32> to vector<256x128xf32>
    %sub3A_350 = vector.broadcast %slice3A_347 : vector<1x128xf32> to vector<256x128xf32>
    %sub3A_351 = arith.subf %sub3A_349, %sub3A_350 : vector<256x128xf32>
    %sub3A_352 = vector.broadcast %get3A_57 : vector<256x1xf32> to vector<256x128xf32>
    %sub3A_353 = vector.broadcast %slice3A_348 : vector<1x128xf32> to vector<256x128xf32>
    %sub3A_354 = arith.subf %sub3A_352, %sub3A_353 : vector<256x128xf32>
    %mul3A_355 = arith.mulf %sub3A_351, %sub3A_351 : vector<256x128xf32>
    %mul3A_356 = arith.mulf %sub3A_354, %sub3A_354 : vector<256x128xf32>
    %add3A_357 = arith.addf %mul3A_355, %mul3A_356 : vector<256x128xf32>
    %bitcast_convert_type3A_358 = tpu.bitcast %add3A_357 : vector<256x128xf32> -> vector<256x128xi32>
    %and3A_359 = arith.constant -8192 : i32
    %and3A_360 = vector.broadcast %and3A_359 : i32 to vector<256x128xi32>
    %and3A_361 = arith.andi %bitcast_convert_type3A_358, %and3A_360 : vector<256x128xi32>
    %add3A_362 = arith.constant 1792 : i32
    %add3A_363 = vector.broadcast %add3A_362 : i32 to vector<1x128xi32>
    %add3A_364 = arith.addi %iota3A, %add3A_363 : vector<1x128xi32>
    %or3A_365 = vector.broadcast %add3A_364 : vector<1x128xi32> to vector<256x128xi32>
    %or3A_366 = arith.ori %and3A_361, %or3A_365 : vector<256x128xi32>
    %bitcast_convert_type3A_367 = tpu.bitcast %or3A_366 : vector<256x128xi32> -> vector<256x128xf32>
    %slice3A_368 = vector.extract_strided_slice %add3A_25 {offsets = [0, 1920], sizes = [1, 128], strides = [1, 1]} : vector<1x5120xf32> to vector<1x128xf32>
    %slice3A_369 = vector.extract_strided_slice %add3A_47 {offsets = [0, 1920], sizes = [1, 128], strides = [1, 1]} : vector<1x5120xf32> to vector<1x128xf32>
    %sub3A_370 = vector.broadcast %get3A_54 : vector<256x1xf32> to vector<256x128xf32>
    %sub3A_371 = vector.broadcast %slice3A_368 : vector<1x128xf32> to vector<256x128xf32>
    %sub3A_372 = arith.subf %sub3A_370, %sub3A_371 : vector<256x128xf32>
    %sub3A_373 = vector.broadcast %get3A_57 : vector<256x1xf32> to vector<256x128xf32>
    %sub3A_374 = vector.broadcast %slice3A_369 : vector<1x128xf32> to vector<256x128xf32>
    %sub3A_375 = arith.subf %sub3A_373, %sub3A_374 : vector<256x128xf32>
    %mul3A_376 = arith.mulf %sub3A_372, %sub3A_372 : vector<256x128xf32>
    %mul3A_377 = arith.mulf %sub3A_375, %sub3A_375 : vector<256x128xf32>
    %add3A_378 = arith.addf %mul3A_376, %mul3A_377 : vector<256x128xf32>
    %bitcast_convert_type3A_379 = tpu.bitcast %add3A_378 : vector<256x128xf32> -> vector<256x128xi32>
    %and3A_380 = arith.constant -8192 : i32
    %and3A_381 = vector.broadcast %and3A_380 : i32 to vector<256x128xi32>
    %and3A_382 = arith.andi %bitcast_convert_type3A_379, %and3A_381 : vector<256x128xi32>
    %add3A_383 = arith.constant 1920 : i32
    %add3A_384 = vector.broadcast %add3A_383 : i32 to vector<1x128xi32>
    %add3A_385 = arith.addi %iota3A, %add3A_384 : vector<1x128xi32>
    %or3A_386 = vector.broadcast %add3A_385 : vector<1x128xi32> to vector<256x128xi32>
    %or3A_387 = arith.ori %and3A_382, %or3A_386 : vector<256x128xi32>
    %bitcast_convert_type3A_388 = tpu.bitcast %or3A_387 : vector<256x128xi32> -> vector<256x128xf32>
    %slice3A_389 = vector.extract_strided_slice %add3A_25 {offsets = [0, 2048], sizes = [1, 128], strides = [1, 1]} : vector<1x5120xf32> to vector<1x128xf32>
    %slice3A_390 = vector.extract_strided_slice %add3A_47 {offsets = [0, 2048], sizes = [1, 128], strides = [1, 1]} : vector<1x5120xf32> to vector<1x128xf32>
    %sub3A_391 = vector.broadcast %get3A_54 : vector<256x1xf32> to vector<256x128xf32>
    %sub3A_392 = vector.broadcast %slice3A_389 : vector<1x128xf32> to vector<256x128xf32>
    %sub3A_393 = arith.subf %sub3A_391, %sub3A_392 : vector<256x128xf32>
    %sub3A_394 = vector.broadcast %get3A_57 : vector<256x1xf32> to vector<256x128xf32>
    %sub3A_395 = vector.broadcast %slice3A_390 : vector<1x128xf32> to vector<256x128xf32>
    %sub3A_396 = arith.subf %sub3A_394, %sub3A_395 : vector<256x128xf32>
    %mul3A_397 = arith.mulf %sub3A_393, %sub3A_393 : vector<256x128xf32>
    %mul3A_398 = arith.mulf %sub3A_396, %sub3A_396 : vector<256x128xf32>
    %add3A_399 = arith.addf %mul3A_397, %mul3A_398 : vector<256x128xf32>
    %bitcast_convert_type3A_400 = tpu.bitcast %add3A_399 : vector<256x128xf32> -> vector<256x128xi32>
    %and3A_401 = arith.constant -8192 : i32
    %and3A_402 = vector.broadcast %and3A_401 : i32 to vector<256x128xi32>
    %and3A_403 = arith.andi %bitcast_convert_type3A_400, %and3A_402 : vector<256x128xi32>
    %add3A_404 = arith.constant 2048 : i32
    %add3A_405 = vector.broadcast %add3A_404 : i32 to vector<1x128xi32>
    %add3A_406 = arith.addi %iota3A, %add3A_405 : vector<1x128xi32>
    %or3A_407 = vector.broadcast %add3A_406 : vector<1x128xi32> to vector<256x128xi32>
    %or3A_408 = arith.ori %and3A_403, %or3A_407 : vector<256x128xi32>
    %bitcast_convert_type3A_409 = tpu.bitcast %or3A_408 : vector<256x128xi32> -> vector<256x128xf32>
    %slice3A_410 = vector.extract_strided_slice %add3A_25 {offsets = [0, 2176], sizes = [1, 128], strides = [1, 1]} : vector<1x5120xf32> to vector<1x128xf32>
    %slice3A_411 = vector.extract_strided_slice %add3A_47 {offsets = [0, 2176], sizes = [1, 128], strides = [1, 1]} : vector<1x5120xf32> to vector<1x128xf32>
    %sub3A_412 = vector.broadcast %get3A_54 : vector<256x1xf32> to vector<256x128xf32>
    %sub3A_413 = vector.broadcast %slice3A_410 : vector<1x128xf32> to vector<256x128xf32>
    %sub3A_414 = arith.subf %sub3A_412, %sub3A_413 : vector<256x128xf32>
    %sub3A_415 = vector.broadcast %get3A_57 : vector<256x1xf32> to vector<256x128xf32>
    %sub3A_416 = vector.broadcast %slice3A_411 : vector<1x128xf32> to vector<256x128xf32>
    %sub3A_417 = arith.subf %sub3A_415, %sub3A_416 : vector<256x128xf32>
    %mul3A_418 = arith.mulf %sub3A_414, %sub3A_414 : vector<256x128xf32>
    %mul3A_419 = arith.mulf %sub3A_417, %sub3A_417 : vector<256x128xf32>
    %add3A_420 = arith.addf %mul3A_418, %mul3A_419 : vector<256x128xf32>
    %bitcast_convert_type3A_421 = tpu.bitcast %add3A_420 : vector<256x128xf32> -> vector<256x128xi32>
    %and3A_422 = arith.constant -8192 : i32
    %and3A_423 = vector.broadcast %and3A_422 : i32 to vector<256x128xi32>
    %and3A_424 = arith.andi %bitcast_convert_type3A_421, %and3A_423 : vector<256x128xi32>
    %add3A_425 = arith.constant 2176 : i32
    %add3A_426 = vector.broadcast %add3A_425 : i32 to vector<1x128xi32>
    %add3A_427 = arith.addi %iota3A, %add3A_426 : vector<1x128xi32>
    %or3A_428 = vector.broadcast %add3A_427 : vector<1x128xi32> to vector<256x128xi32>
    %or3A_429 = arith.ori %and3A_424, %or3A_428 : vector<256x128xi32>
    %bitcast_convert_type3A_430 = tpu.bitcast %or3A_429 : vector<256x128xi32> -> vector<256x128xf32>
    %slice3A_431 = vector.extract_strided_slice %add3A_25 {offsets = [0, 2304], sizes = [1, 128], strides = [1, 1]} : vector<1x5120xf32> to vector<1x128xf32>
    %slice3A_432 = vector.extract_strided_slice %add3A_47 {offsets = [0, 2304], sizes = [1, 128], strides = [1, 1]} : vector<1x5120xf32> to vector<1x128xf32>
    %sub3A_433 = vector.broadcast %get3A_54 : vector<256x1xf32> to vector<256x128xf32>
    %sub3A_434 = vector.broadcast %slice3A_431 : vector<1x128xf32> to vector<256x128xf32>
    %sub3A_435 = arith.subf %sub3A_433, %sub3A_434 : vector<256x128xf32>
    %sub3A_436 = vector.broadcast %get3A_57 : vector<256x1xf32> to vector<256x128xf32>
    %sub3A_437 = vector.broadcast %slice3A_432 : vector<1x128xf32> to vector<256x128xf32>
    %sub3A_438 = arith.subf %sub3A_436, %sub3A_437 : vector<256x128xf32>
    %mul3A_439 = arith.mulf %sub3A_435, %sub3A_435 : vector<256x128xf32>
    %mul3A_440 = arith.mulf %sub3A_438, %sub3A_438 : vector<256x128xf32>
    %add3A_441 = arith.addf %mul3A_439, %mul3A_440 : vector<256x128xf32>
    %bitcast_convert_type3A_442 = tpu.bitcast %add3A_441 : vector<256x128xf32> -> vector<256x128xi32>
    %and3A_443 = arith.constant -8192 : i32
    %and3A_444 = vector.broadcast %and3A_443 : i32 to vector<256x128xi32>
    %and3A_445 = arith.andi %bitcast_convert_type3A_442, %and3A_444 : vector<256x128xi32>
    %add3A_446 = arith.constant 2304 : i32
    %add3A_447 = vector.broadcast %add3A_446 : i32 to vector<1x128xi32>
    %add3A_448 = arith.addi %iota3A, %add3A_447 : vector<1x128xi32>
    %or3A_449 = vector.broadcast %add3A_448 : vector<1x128xi32> to vector<256x128xi32>
    %or3A_450 = arith.ori %and3A_445, %or3A_449 : vector<256x128xi32>
    %bitcast_convert_type3A_451 = tpu.bitcast %or3A_450 : vector<256x128xi32> -> vector<256x128xf32>
    %slice3A_452 = vector.extract_strided_slice %add3A_25 {offsets = [0, 2432], sizes = [1, 128], strides = [1, 1]} : vector<1x5120xf32> to vector<1x128xf32>
    %slice3A_453 = vector.extract_strided_slice %add3A_47 {offsets = [0, 2432], sizes = [1, 128], strides = [1, 1]} : vector<1x5120xf32> to vector<1x128xf32>
    %sub3A_454 = vector.broadcast %get3A_54 : vector<256x1xf32> to vector<256x128xf32>
    %sub3A_455 = vector.broadcast %slice3A_452 : vector<1x128xf32> to vector<256x128xf32>
    %sub3A_456 = arith.subf %sub3A_454, %sub3A_455 : vector<256x128xf32>
    %sub3A_457 = vector.broadcast %get3A_57 : vector<256x1xf32> to vector<256x128xf32>
    %sub3A_458 = vector.broadcast %slice3A_453 : vector<1x128xf32> to vector<256x128xf32>
    %sub3A_459 = arith.subf %sub3A_457, %sub3A_458 : vector<256x128xf32>
    %mul3A_460 = arith.mulf %sub3A_456, %sub3A_456 : vector<256x128xf32>
    %mul3A_461 = arith.mulf %sub3A_459, %sub3A_459 : vector<256x128xf32>
    %add3A_462 = arith.addf %mul3A_460, %mul3A_461 : vector<256x128xf32>
    %bitcast_convert_type3A_463 = tpu.bitcast %add3A_462 : vector<256x128xf32> -> vector<256x128xi32>
    %and3A_464 = arith.constant -8192 : i32
    %and3A_465 = vector.broadcast %and3A_464 : i32 to vector<256x128xi32>
    %and3A_466 = arith.andi %bitcast_convert_type3A_463, %and3A_465 : vector<256x128xi32>
    %add3A_467 = arith.constant 2432 : i32
    %add3A_468 = vector.broadcast %add3A_467 : i32 to vector<1x128xi32>
    %add3A_469 = arith.addi %iota3A, %add3A_468 : vector<1x128xi32>
    %or3A_470 = vector.broadcast %add3A_469 : vector<1x128xi32> to vector<256x128xi32>
    %or3A_471 = arith.ori %and3A_466, %or3A_470 : vector<256x128xi32>
    %bitcast_convert_type3A_472 = tpu.bitcast %or3A_471 : vector<256x128xi32> -> vector<256x128xf32>
    %slice3A_473 = vector.extract_strided_slice %add3A_25 {offsets = [0, 2560], sizes = [1, 128], strides = [1, 1]} : vector<1x5120xf32> to vector<1x128xf32>
    %slice3A_474 = vector.extract_strided_slice %add3A_47 {offsets = [0, 2560], sizes = [1, 128], strides = [1, 1]} : vector<1x5120xf32> to vector<1x128xf32>
    %sub3A_475 = vector.broadcast %get3A_54 : vector<256x1xf32> to vector<256x128xf32>
    %sub3A_476 = vector.broadcast %slice3A_473 : vector<1x128xf32> to vector<256x128xf32>
    %sub3A_477 = arith.subf %sub3A_475, %sub3A_476 : vector<256x128xf32>
    %sub3A_478 = vector.broadcast %get3A_57 : vector<256x1xf32> to vector<256x128xf32>
    %sub3A_479 = vector.broadcast %slice3A_474 : vector<1x128xf32> to vector<256x128xf32>
    %sub3A_480 = arith.subf %sub3A_478, %sub3A_479 : vector<256x128xf32>
    %mul3A_481 = arith.mulf %sub3A_477, %sub3A_477 : vector<256x128xf32>
    %mul3A_482 = arith.mulf %sub3A_480, %sub3A_480 : vector<256x128xf32>
    %add3A_483 = arith.addf %mul3A_481, %mul3A_482 : vector<256x128xf32>
    %bitcast_convert_type3A_484 = tpu.bitcast %add3A_483 : vector<256x128xf32> -> vector<256x128xi32>
    %and3A_485 = arith.constant -8192 : i32
    %and3A_486 = vector.broadcast %and3A_485 : i32 to vector<256x128xi32>
    %and3A_487 = arith.andi %bitcast_convert_type3A_484, %and3A_486 : vector<256x128xi32>
    %add3A_488 = arith.constant 2560 : i32
    %add3A_489 = vector.broadcast %add3A_488 : i32 to vector<1x128xi32>
    %add3A_490 = arith.addi %iota3A, %add3A_489 : vector<1x128xi32>
    %or3A_491 = vector.broadcast %add3A_490 : vector<1x128xi32> to vector<256x128xi32>
    %or3A_492 = arith.ori %and3A_487, %or3A_491 : vector<256x128xi32>
    %bitcast_convert_type3A_493 = tpu.bitcast %or3A_492 : vector<256x128xi32> -> vector<256x128xf32>
    %slice3A_494 = vector.extract_strided_slice %add3A_25 {offsets = [0, 2688], sizes = [1, 128], strides = [1, 1]} : vector<1x5120xf32> to vector<1x128xf32>
    %slice3A_495 = vector.extract_strided_slice %add3A_47 {offsets = [0, 2688], sizes = [1, 128], strides = [1, 1]} : vector<1x5120xf32> to vector<1x128xf32>
    %sub3A_496 = vector.broadcast %get3A_54 : vector<256x1xf32> to vector<256x128xf32>
    %sub3A_497 = vector.broadcast %slice3A_494 : vector<1x128xf32> to vector<256x128xf32>
    %sub3A_498 = arith.subf %sub3A_496, %sub3A_497 : vector<256x128xf32>
    %sub3A_499 = vector.broadcast %get3A_57 : vector<256x1xf32> to vector<256x128xf32>
    %sub3A_500 = vector.broadcast %slice3A_495 : vector<1x128xf32> to vector<256x128xf32>
    %sub3A_501 = arith.subf %sub3A_499, %sub3A_500 : vector<256x128xf32>
    %mul3A_502 = arith.mulf %sub3A_498, %sub3A_498 : vector<256x128xf32>
    %mul3A_503 = arith.mulf %sub3A_501, %sub3A_501 : vector<256x128xf32>
    %add3A_504 = arith.addf %mul3A_502, %mul3A_503 : vector<256x128xf32>
    %bitcast_convert_type3A_505 = tpu.bitcast %add3A_504 : vector<256x128xf32> -> vector<256x128xi32>
    %and3A_506 = arith.constant -8192 : i32
    %and3A_507 = vector.broadcast %and3A_506 : i32 to vector<256x128xi32>
    %and3A_508 = arith.andi %bitcast_convert_type3A_505, %and3A_507 : vector<256x128xi32>
    %add3A_509 = arith.constant 2688 : i32
    %add3A_510 = vector.broadcast %add3A_509 : i32 to vector<1x128xi32>
    %add3A_511 = arith.addi %iota3A, %add3A_510 : vector<1x128xi32>
    %or3A_512 = vector.broadcast %add3A_511 : vector<1x128xi32> to vector<256x128xi32>
    %or3A_513 = arith.ori %and3A_508, %or3A_512 : vector<256x128xi32>
    %bitcast_convert_type3A_514 = tpu.bitcast %or3A_513 : vector<256x128xi32> -> vector<256x128xf32>
    %slice3A_515 = vector.extract_strided_slice %add3A_25 {offsets = [0, 2816], sizes = [1, 128], strides = [1, 1]} : vector<1x5120xf32> to vector<1x128xf32>
    %slice3A_516 = vector.extract_strided_slice %add3A_47 {offsets = [0, 2816], sizes = [1, 128], strides = [1, 1]} : vector<1x5120xf32> to vector<1x128xf32>
    %sub3A_517 = vector.broadcast %get3A_54 : vector<256x1xf32> to vector<256x128xf32>
    %sub3A_518 = vector.broadcast %slice3A_515 : vector<1x128xf32> to vector<256x128xf32>
    %sub3A_519 = arith.subf %sub3A_517, %sub3A_518 : vector<256x128xf32>
    %sub3A_520 = vector.broadcast %get3A_57 : vector<256x1xf32> to vector<256x128xf32>
    %sub3A_521 = vector.broadcast %slice3A_516 : vector<1x128xf32> to vector<256x128xf32>
    %sub3A_522 = arith.subf %sub3A_520, %sub3A_521 : vector<256x128xf32>
    %mul3A_523 = arith.mulf %sub3A_519, %sub3A_519 : vector<256x128xf32>
    %mul3A_524 = arith.mulf %sub3A_522, %sub3A_522 : vector<256x128xf32>
    %add3A_525 = arith.addf %mul3A_523, %mul3A_524 : vector<256x128xf32>
    %bitcast_convert_type3A_526 = tpu.bitcast %add3A_525 : vector<256x128xf32> -> vector<256x128xi32>
    %and3A_527 = arith.constant -8192 : i32
    %and3A_528 = vector.broadcast %and3A_527 : i32 to vector<256x128xi32>
    %and3A_529 = arith.andi %bitcast_convert_type3A_526, %and3A_528 : vector<256x128xi32>
    %add3A_530 = arith.constant 2816 : i32
    %add3A_531 = vector.broadcast %add3A_530 : i32 to vector<1x128xi32>
    %add3A_532 = arith.addi %iota3A, %add3A_531 : vector<1x128xi32>
    %or3A_533 = vector.broadcast %add3A_532 : vector<1x128xi32> to vector<256x128xi32>
    %or3A_534 = arith.ori %and3A_529, %or3A_533 : vector<256x128xi32>
    %bitcast_convert_type3A_535 = tpu.bitcast %or3A_534 : vector<256x128xi32> -> vector<256x128xf32>
    %slice3A_536 = vector.extract_strided_slice %add3A_25 {offsets = [0, 2944], sizes = [1, 128], strides = [1, 1]} : vector<1x5120xf32> to vector<1x128xf32>
    %slice3A_537 = vector.extract_strided_slice %add3A_47 {offsets = [0, 2944], sizes = [1, 128], strides = [1, 1]} : vector<1x5120xf32> to vector<1x128xf32>
    %sub3A_538 = vector.broadcast %get3A_54 : vector<256x1xf32> to vector<256x128xf32>
    %sub3A_539 = vector.broadcast %slice3A_536 : vector<1x128xf32> to vector<256x128xf32>
    %sub3A_540 = arith.subf %sub3A_538, %sub3A_539 : vector<256x128xf32>
    %sub3A_541 = vector.broadcast %get3A_57 : vector<256x1xf32> to vector<256x128xf32>
    %sub3A_542 = vector.broadcast %slice3A_537 : vector<1x128xf32> to vector<256x128xf32>
    %sub3A_543 = arith.subf %sub3A_541, %sub3A_542 : vector<256x128xf32>
    %mul3A_544 = arith.mulf %sub3A_540, %sub3A_540 : vector<256x128xf32>
    %mul3A_545 = arith.mulf %sub3A_543, %sub3A_543 : vector<256x128xf32>
    %add3A_546 = arith.addf %mul3A_544, %mul3A_545 : vector<256x128xf32>
    %bitcast_convert_type3A_547 = tpu.bitcast %add3A_546 : vector<256x128xf32> -> vector<256x128xi32>
    %and3A_548 = arith.constant -8192 : i32
    %and3A_549 = vector.broadcast %and3A_548 : i32 to vector<256x128xi32>
    %and3A_550 = arith.andi %bitcast_convert_type3A_547, %and3A_549 : vector<256x128xi32>
    %add3A_551 = arith.constant 2944 : i32
    %add3A_552 = vector.broadcast %add3A_551 : i32 to vector<1x128xi32>
    %add3A_553 = arith.addi %iota3A, %add3A_552 : vector<1x128xi32>
    %or3A_554 = vector.broadcast %add3A_553 : vector<1x128xi32> to vector<256x128xi32>
    %or3A_555 = arith.ori %and3A_550, %or3A_554 : vector<256x128xi32>
    %bitcast_convert_type3A_556 = tpu.bitcast %or3A_555 : vector<256x128xi32> -> vector<256x128xf32>
    %slice3A_557 = vector.extract_strided_slice %add3A_25 {offsets = [0, 3072], sizes = [1, 128], strides = [1, 1]} : vector<1x5120xf32> to vector<1x128xf32>
    %slice3A_558 = vector.extract_strided_slice %add3A_47 {offsets = [0, 3072], sizes = [1, 128], strides = [1, 1]} : vector<1x5120xf32> to vector<1x128xf32>
    %sub3A_559 = vector.broadcast %get3A_54 : vector<256x1xf32> to vector<256x128xf32>
    %sub3A_560 = vector.broadcast %slice3A_557 : vector<1x128xf32> to vector<256x128xf32>
    %sub3A_561 = arith.subf %sub3A_559, %sub3A_560 : vector<256x128xf32>
    %sub3A_562 = vector.broadcast %get3A_57 : vector<256x1xf32> to vector<256x128xf32>
    %sub3A_563 = vector.broadcast %slice3A_558 : vector<1x128xf32> to vector<256x128xf32>
    %sub3A_564 = arith.subf %sub3A_562, %sub3A_563 : vector<256x128xf32>
    %mul3A_565 = arith.mulf %sub3A_561, %sub3A_561 : vector<256x128xf32>
    %mul3A_566 = arith.mulf %sub3A_564, %sub3A_564 : vector<256x128xf32>
    %add3A_567 = arith.addf %mul3A_565, %mul3A_566 : vector<256x128xf32>
    %bitcast_convert_type3A_568 = tpu.bitcast %add3A_567 : vector<256x128xf32> -> vector<256x128xi32>
    %and3A_569 = arith.constant -8192 : i32
    %and3A_570 = vector.broadcast %and3A_569 : i32 to vector<256x128xi32>
    %and3A_571 = arith.andi %bitcast_convert_type3A_568, %and3A_570 : vector<256x128xi32>
    %add3A_572 = arith.constant 3072 : i32
    %add3A_573 = vector.broadcast %add3A_572 : i32 to vector<1x128xi32>
    %add3A_574 = arith.addi %iota3A, %add3A_573 : vector<1x128xi32>
    %or3A_575 = vector.broadcast %add3A_574 : vector<1x128xi32> to vector<256x128xi32>
    %or3A_576 = arith.ori %and3A_571, %or3A_575 : vector<256x128xi32>
    %bitcast_convert_type3A_577 = tpu.bitcast %or3A_576 : vector<256x128xi32> -> vector<256x128xf32>
    %slice3A_578 = vector.extract_strided_slice %add3A_25 {offsets = [0, 3200], sizes = [1, 128], strides = [1, 1]} : vector<1x5120xf32> to vector<1x128xf32>
    %slice3A_579 = vector.extract_strided_slice %add3A_47 {offsets = [0, 3200], sizes = [1, 128], strides = [1, 1]} : vector<1x5120xf32> to vector<1x128xf32>
    %sub3A_580 = vector.broadcast %get3A_54 : vector<256x1xf32> to vector<256x128xf32>
    %sub3A_581 = vector.broadcast %slice3A_578 : vector<1x128xf32> to vector<256x128xf32>
    %sub3A_582 = arith.subf %sub3A_580, %sub3A_581 : vector<256x128xf32>
    %sub3A_583 = vector.broadcast %get3A_57 : vector<256x1xf32> to vector<256x128xf32>
    %sub3A_584 = vector.broadcast %slice3A_579 : vector<1x128xf32> to vector<256x128xf32>
    %sub3A_585 = arith.subf %sub3A_583, %sub3A_584 : vector<256x128xf32>
    %mul3A_586 = arith.mulf %sub3A_582, %sub3A_582 : vector<256x128xf32>
    %mul3A_587 = arith.mulf %sub3A_585, %sub3A_585 : vector<256x128xf32>
    %add3A_588 = arith.addf %mul3A_586, %mul3A_587 : vector<256x128xf32>
    %bitcast_convert_type3A_589 = tpu.bitcast %add3A_588 : vector<256x128xf32> -> vector<256x128xi32>
    %and3A_590 = arith.constant -8192 : i32
    %and3A_591 = vector.broadcast %and3A_590 : i32 to vector<256x128xi32>
    %and3A_592 = arith.andi %bitcast_convert_type3A_589, %and3A_591 : vector<256x128xi32>
    %add3A_593 = arith.constant 3200 : i32
    %add3A_594 = vector.broadcast %add3A_593 : i32 to vector<1x128xi32>
    %add3A_595 = arith.addi %iota3A, %add3A_594 : vector<1x128xi32>
    %or3A_596 = vector.broadcast %add3A_595 : vector<1x128xi32> to vector<256x128xi32>
    %or3A_597 = arith.ori %and3A_592, %or3A_596 : vector<256x128xi32>
    %bitcast_convert_type3A_598 = tpu.bitcast %or3A_597 : vector<256x128xi32> -> vector<256x128xf32>
    %slice3A_599 = vector.extract_strided_slice %add3A_25 {offsets = [0, 3328], sizes = [1, 128], strides = [1, 1]} : vector<1x5120xf32> to vector<1x128xf32>
    %slice3A_600 = vector.extract_strided_slice %add3A_47 {offsets = [0, 3328], sizes = [1, 128], strides = [1, 1]} : vector<1x5120xf32> to vector<1x128xf32>
    %sub3A_601 = vector.broadcast %get3A_54 : vector<256x1xf32> to vector<256x128xf32>
    %sub3A_602 = vector.broadcast %slice3A_599 : vector<1x128xf32> to vector<256x128xf32>
    %sub3A_603 = arith.subf %sub3A_601, %sub3A_602 : vector<256x128xf32>
    %sub3A_604 = vector.broadcast %get3A_57 : vector<256x1xf32> to vector<256x128xf32>
    %sub3A_605 = vector.broadcast %slice3A_600 : vector<1x128xf32> to vector<256x128xf32>
    %sub3A_606 = arith.subf %sub3A_604, %sub3A_605 : vector<256x128xf32>
    %mul3A_607 = arith.mulf %sub3A_603, %sub3A_603 : vector<256x128xf32>
    %mul3A_608 = arith.mulf %sub3A_606, %sub3A_606 : vector<256x128xf32>
    %add3A_609 = arith.addf %mul3A_607, %mul3A_608 : vector<256x128xf32>
    %bitcast_convert_type3A_610 = tpu.bitcast %add3A_609 : vector<256x128xf32> -> vector<256x128xi32>
    %and3A_611 = arith.constant -8192 : i32
    %and3A_612 = vector.broadcast %and3A_611 : i32 to vector<256x128xi32>
    %and3A_613 = arith.andi %bitcast_convert_type3A_610, %and3A_612 : vector<256x128xi32>
    %add3A_614 = arith.constant 3328 : i32
    %add3A_615 = vector.broadcast %add3A_614 : i32 to vector<1x128xi32>
    %add3A_616 = arith.addi %iota3A, %add3A_615 : vector<1x128xi32>
    %or3A_617 = vector.broadcast %add3A_616 : vector<1x128xi32> to vector<256x128xi32>
    %or3A_618 = arith.ori %and3A_613, %or3A_617 : vector<256x128xi32>
    %bitcast_convert_type3A_619 = tpu.bitcast %or3A_618 : vector<256x128xi32> -> vector<256x128xf32>
    %slice3A_620 = vector.extract_strided_slice %add3A_25 {offsets = [0, 3456], sizes = [1, 128], strides = [1, 1]} : vector<1x5120xf32> to vector<1x128xf32>
    %slice3A_621 = vector.extract_strided_slice %add3A_47 {offsets = [0, 3456], sizes = [1, 128], strides = [1, 1]} : vector<1x5120xf32> to vector<1x128xf32>
    %sub3A_622 = vector.broadcast %get3A_54 : vector<256x1xf32> to vector<256x128xf32>
    %sub3A_623 = vector.broadcast %slice3A_620 : vector<1x128xf32> to vector<256x128xf32>
    %sub3A_624 = arith.subf %sub3A_622, %sub3A_623 : vector<256x128xf32>
    %sub3A_625 = vector.broadcast %get3A_57 : vector<256x1xf32> to vector<256x128xf32>
    %sub3A_626 = vector.broadcast %slice3A_621 : vector<1x128xf32> to vector<256x128xf32>
    %sub3A_627 = arith.subf %sub3A_625, %sub3A_626 : vector<256x128xf32>
    %mul3A_628 = arith.mulf %sub3A_624, %sub3A_624 : vector<256x128xf32>
    %mul3A_629 = arith.mulf %sub3A_627, %sub3A_627 : vector<256x128xf32>
    %add3A_630 = arith.addf %mul3A_628, %mul3A_629 : vector<256x128xf32>
    %bitcast_convert_type3A_631 = tpu.bitcast %add3A_630 : vector<256x128xf32> -> vector<256x128xi32>
    %and3A_632 = arith.constant -8192 : i32
    %and3A_633 = vector.broadcast %and3A_632 : i32 to vector<256x128xi32>
    %and3A_634 = arith.andi %bitcast_convert_type3A_631, %and3A_633 : vector<256x128xi32>
    %add3A_635 = arith.constant 3456 : i32
    %add3A_636 = vector.broadcast %add3A_635 : i32 to vector<1x128xi32>
    %add3A_637 = arith.addi %iota3A, %add3A_636 : vector<1x128xi32>
    %or3A_638 = vector.broadcast %add3A_637 : vector<1x128xi32> to vector<256x128xi32>
    %or3A_639 = arith.ori %and3A_634, %or3A_638 : vector<256x128xi32>
    %bitcast_convert_type3A_640 = tpu.bitcast %or3A_639 : vector<256x128xi32> -> vector<256x128xf32>
    %slice3A_641 = vector.extract_strided_slice %add3A_25 {offsets = [0, 3584], sizes = [1, 128], strides = [1, 1]} : vector<1x5120xf32> to vector<1x128xf32>
    %slice3A_642 = vector.extract_strided_slice %add3A_47 {offsets = [0, 3584], sizes = [1, 128], strides = [1, 1]} : vector<1x5120xf32> to vector<1x128xf32>
    %sub3A_643 = vector.broadcast %get3A_54 : vector<256x1xf32> to vector<256x128xf32>
    %sub3A_644 = vector.broadcast %slice3A_641 : vector<1x128xf32> to vector<256x128xf32>
    %sub3A_645 = arith.subf %sub3A_643, %sub3A_644 : vector<256x128xf32>
    %sub3A_646 = vector.broadcast %get3A_57 : vector<256x1xf32> to vector<256x128xf32>
    %sub3A_647 = vector.broadcast %slice3A_642 : vector<1x128xf32> to vector<256x128xf32>
    %sub3A_648 = arith.subf %sub3A_646, %sub3A_647 : vector<256x128xf32>
    %mul3A_649 = arith.mulf %sub3A_645, %sub3A_645 : vector<256x128xf32>
    %mul3A_650 = arith.mulf %sub3A_648, %sub3A_648 : vector<256x128xf32>
    %add3A_651 = arith.addf %mul3A_649, %mul3A_650 : vector<256x128xf32>
    %bitcast_convert_type3A_652 = tpu.bitcast %add3A_651 : vector<256x128xf32> -> vector<256x128xi32>
    %and3A_653 = arith.constant -8192 : i32
    %and3A_654 = vector.broadcast %and3A_653 : i32 to vector<256x128xi32>
    %and3A_655 = arith.andi %bitcast_convert_type3A_652, %and3A_654 : vector<256x128xi32>
    %add3A_656 = arith.constant 3584 : i32
    %add3A_657 = vector.broadcast %add3A_656 : i32 to vector<1x128xi32>
    %add3A_658 = arith.addi %iota3A, %add3A_657 : vector<1x128xi32>
    %or3A_659 = vector.broadcast %add3A_658 : vector<1x128xi32> to vector<256x128xi32>
    %or3A_660 = arith.ori %and3A_655, %or3A_659 : vector<256x128xi32>
    %bitcast_convert_type3A_661 = tpu.bitcast %or3A_660 : vector<256x128xi32> -> vector<256x128xf32>
    %slice3A_662 = vector.extract_strided_slice %add3A_25 {offsets = [0, 3712], sizes = [1, 128], strides = [1, 1]} : vector<1x5120xf32> to vector<1x128xf32>
    %slice3A_663 = vector.extract_strided_slice %add3A_47 {offsets = [0, 3712], sizes = [1, 128], strides = [1, 1]} : vector<1x5120xf32> to vector<1x128xf32>
    %sub3A_664 = vector.broadcast %get3A_54 : vector<256x1xf32> to vector<256x128xf32>
    %sub3A_665 = vector.broadcast %slice3A_662 : vector<1x128xf32> to vector<256x128xf32>
    %sub3A_666 = arith.subf %sub3A_664, %sub3A_665 : vector<256x128xf32>
    %sub3A_667 = vector.broadcast %get3A_57 : vector<256x1xf32> to vector<256x128xf32>
    %sub3A_668 = vector.broadcast %slice3A_663 : vector<1x128xf32> to vector<256x128xf32>
    %sub3A_669 = arith.subf %sub3A_667, %sub3A_668 : vector<256x128xf32>
    %mul3A_670 = arith.mulf %sub3A_666, %sub3A_666 : vector<256x128xf32>
    %mul3A_671 = arith.mulf %sub3A_669, %sub3A_669 : vector<256x128xf32>
    %add3A_672 = arith.addf %mul3A_670, %mul3A_671 : vector<256x128xf32>
    %bitcast_convert_type3A_673 = tpu.bitcast %add3A_672 : vector<256x128xf32> -> vector<256x128xi32>
    %and3A_674 = arith.constant -8192 : i32
    %and3A_675 = vector.broadcast %and3A_674 : i32 to vector<256x128xi32>
    %and3A_676 = arith.andi %bitcast_convert_type3A_673, %and3A_675 : vector<256x128xi32>
    %add3A_677 = arith.constant 3712 : i32
    %add3A_678 = vector.broadcast %add3A_677 : i32 to vector<1x128xi32>
    %add3A_679 = arith.addi %iota3A, %add3A_678 : vector<1x128xi32>
    %or3A_680 = vector.broadcast %add3A_679 : vector<1x128xi32> to vector<256x128xi32>
    %or3A_681 = arith.ori %and3A_676, %or3A_680 : vector<256x128xi32>
    %bitcast_convert_type3A_682 = tpu.bitcast %or3A_681 : vector<256x128xi32> -> vector<256x128xf32>
    %slice3A_683 = vector.extract_strided_slice %add3A_25 {offsets = [0, 3840], sizes = [1, 128], strides = [1, 1]} : vector<1x5120xf32> to vector<1x128xf32>
    %slice3A_684 = vector.extract_strided_slice %add3A_47 {offsets = [0, 3840], sizes = [1, 128], strides = [1, 1]} : vector<1x5120xf32> to vector<1x128xf32>
    %sub3A_685 = vector.broadcast %get3A_54 : vector<256x1xf32> to vector<256x128xf32>
    %sub3A_686 = vector.broadcast %slice3A_683 : vector<1x128xf32> to vector<256x128xf32>
    %sub3A_687 = arith.subf %sub3A_685, %sub3A_686 : vector<256x128xf32>
    %sub3A_688 = vector.broadcast %get3A_57 : vector<256x1xf32> to vector<256x128xf32>
    %sub3A_689 = vector.broadcast %slice3A_684 : vector<1x128xf32> to vector<256x128xf32>
    %sub3A_690 = arith.subf %sub3A_688, %sub3A_689 : vector<256x128xf32>
    %mul3A_691 = arith.mulf %sub3A_687, %sub3A_687 : vector<256x128xf32>
    %mul3A_692 = arith.mulf %sub3A_690, %sub3A_690 : vector<256x128xf32>
    %add3A_693 = arith.addf %mul3A_691, %mul3A_692 : vector<256x128xf32>
    %bitcast_convert_type3A_694 = tpu.bitcast %add3A_693 : vector<256x128xf32> -> vector<256x128xi32>
    %and3A_695 = arith.constant -8192 : i32
    %and3A_696 = vector.broadcast %and3A_695 : i32 to vector<256x128xi32>
    %and3A_697 = arith.andi %bitcast_convert_type3A_694, %and3A_696 : vector<256x128xi32>
    %add3A_698 = arith.constant 3840 : i32
    %add3A_699 = vector.broadcast %add3A_698 : i32 to vector<1x128xi32>
    %add3A_700 = arith.addi %iota3A, %add3A_699 : vector<1x128xi32>
    %or3A_701 = vector.broadcast %add3A_700 : vector<1x128xi32> to vector<256x128xi32>
    %or3A_702 = arith.ori %and3A_697, %or3A_701 : vector<256x128xi32>
    %bitcast_convert_type3A_703 = tpu.bitcast %or3A_702 : vector<256x128xi32> -> vector<256x128xf32>
    %slice3A_704 = vector.extract_strided_slice %add3A_25 {offsets = [0, 3968], sizes = [1, 128], strides = [1, 1]} : vector<1x5120xf32> to vector<1x128xf32>
    %slice3A_705 = vector.extract_strided_slice %add3A_47 {offsets = [0, 3968], sizes = [1, 128], strides = [1, 1]} : vector<1x5120xf32> to vector<1x128xf32>
    %sub3A_706 = vector.broadcast %get3A_54 : vector<256x1xf32> to vector<256x128xf32>
    %sub3A_707 = vector.broadcast %slice3A_704 : vector<1x128xf32> to vector<256x128xf32>
    %sub3A_708 = arith.subf %sub3A_706, %sub3A_707 : vector<256x128xf32>
    %sub3A_709 = vector.broadcast %get3A_57 : vector<256x1xf32> to vector<256x128xf32>
    %sub3A_710 = vector.broadcast %slice3A_705 : vector<1x128xf32> to vector<256x128xf32>
    %sub3A_711 = arith.subf %sub3A_709, %sub3A_710 : vector<256x128xf32>
    %mul3A_712 = arith.mulf %sub3A_708, %sub3A_708 : vector<256x128xf32>
    %mul3A_713 = arith.mulf %sub3A_711, %sub3A_711 : vector<256x128xf32>
    %add3A_714 = arith.addf %mul3A_712, %mul3A_713 : vector<256x128xf32>
    %bitcast_convert_type3A_715 = tpu.bitcast %add3A_714 : vector<256x128xf32> -> vector<256x128xi32>
    %and3A_716 = arith.constant -8192 : i32
    %and3A_717 = vector.broadcast %and3A_716 : i32 to vector<256x128xi32>
    %and3A_718 = arith.andi %bitcast_convert_type3A_715, %and3A_717 : vector<256x128xi32>
    %add3A_719 = arith.constant 3968 : i32
    %add3A_720 = vector.broadcast %add3A_719 : i32 to vector<1x128xi32>
    %add3A_721 = arith.addi %iota3A, %add3A_720 : vector<1x128xi32>
    %or3A_722 = vector.broadcast %add3A_721 : vector<1x128xi32> to vector<256x128xi32>
    %or3A_723 = arith.ori %and3A_718, %or3A_722 : vector<256x128xi32>
    %bitcast_convert_type3A_724 = tpu.bitcast %or3A_723 : vector<256x128xi32> -> vector<256x128xf32>
    %slice3A_725 = vector.extract_strided_slice %add3A_25 {offsets = [0, 4096], sizes = [1, 128], strides = [1, 1]} : vector<1x5120xf32> to vector<1x128xf32>
    %slice3A_726 = vector.extract_strided_slice %add3A_47 {offsets = [0, 4096], sizes = [1, 128], strides = [1, 1]} : vector<1x5120xf32> to vector<1x128xf32>
    %sub3A_727 = vector.broadcast %get3A_54 : vector<256x1xf32> to vector<256x128xf32>
    %sub3A_728 = vector.broadcast %slice3A_725 : vector<1x128xf32> to vector<256x128xf32>
    %sub3A_729 = arith.subf %sub3A_727, %sub3A_728 : vector<256x128xf32>
    %sub3A_730 = vector.broadcast %get3A_57 : vector<256x1xf32> to vector<256x128xf32>
    %sub3A_731 = vector.broadcast %slice3A_726 : vector<1x128xf32> to vector<256x128xf32>
    %sub3A_732 = arith.subf %sub3A_730, %sub3A_731 : vector<256x128xf32>
    %mul3A_733 = arith.mulf %sub3A_729, %sub3A_729 : vector<256x128xf32>
    %mul3A_734 = arith.mulf %sub3A_732, %sub3A_732 : vector<256x128xf32>
    %add3A_735 = arith.addf %mul3A_733, %mul3A_734 : vector<256x128xf32>
    %bitcast_convert_type3A_736 = tpu.bitcast %add3A_735 : vector<256x128xf32> -> vector<256x128xi32>
    %and3A_737 = arith.constant -8192 : i32
    %and3A_738 = vector.broadcast %and3A_737 : i32 to vector<256x128xi32>
    %and3A_739 = arith.andi %bitcast_convert_type3A_736, %and3A_738 : vector<256x128xi32>
    %add3A_740 = arith.constant 4096 : i32
    %add3A_741 = vector.broadcast %add3A_740 : i32 to vector<1x128xi32>
    %add3A_742 = arith.addi %iota3A, %add3A_741 : vector<1x128xi32>
    %or3A_743 = vector.broadcast %add3A_742 : vector<1x128xi32> to vector<256x128xi32>
    %or3A_744 = arith.ori %and3A_739, %or3A_743 : vector<256x128xi32>
    %bitcast_convert_type3A_745 = tpu.bitcast %or3A_744 : vector<256x128xi32> -> vector<256x128xf32>
    %slice3A_746 = vector.extract_strided_slice %add3A_25 {offsets = [0, 4224], sizes = [1, 128], strides = [1, 1]} : vector<1x5120xf32> to vector<1x128xf32>
    %slice3A_747 = vector.extract_strided_slice %add3A_47 {offsets = [0, 4224], sizes = [1, 128], strides = [1, 1]} : vector<1x5120xf32> to vector<1x128xf32>
    %sub3A_748 = vector.broadcast %get3A_54 : vector<256x1xf32> to vector<256x128xf32>
    %sub3A_749 = vector.broadcast %slice3A_746 : vector<1x128xf32> to vector<256x128xf32>
    %sub3A_750 = arith.subf %sub3A_748, %sub3A_749 : vector<256x128xf32>
    %sub3A_751 = vector.broadcast %get3A_57 : vector<256x1xf32> to vector<256x128xf32>
    %sub3A_752 = vector.broadcast %slice3A_747 : vector<1x128xf32> to vector<256x128xf32>
    %sub3A_753 = arith.subf %sub3A_751, %sub3A_752 : vector<256x128xf32>
    %mul3A_754 = arith.mulf %sub3A_750, %sub3A_750 : vector<256x128xf32>
    %mul3A_755 = arith.mulf %sub3A_753, %sub3A_753 : vector<256x128xf32>
    %add3A_756 = arith.addf %mul3A_754, %mul3A_755 : vector<256x128xf32>
    %bitcast_convert_type3A_757 = tpu.bitcast %add3A_756 : vector<256x128xf32> -> vector<256x128xi32>
    %and3A_758 = arith.constant -8192 : i32
    %and3A_759 = vector.broadcast %and3A_758 : i32 to vector<256x128xi32>
    %and3A_760 = arith.andi %bitcast_convert_type3A_757, %and3A_759 : vector<256x128xi32>
    %add3A_761 = arith.constant 4224 : i32
    %add3A_762 = vector.broadcast %add3A_761 : i32 to vector<1x128xi32>
    %add3A_763 = arith.addi %iota3A, %add3A_762 : vector<1x128xi32>
    %or3A_764 = vector.broadcast %add3A_763 : vector<1x128xi32> to vector<256x128xi32>
    %or3A_765 = arith.ori %and3A_760, %or3A_764 : vector<256x128xi32>
    %bitcast_convert_type3A_766 = tpu.bitcast %or3A_765 : vector<256x128xi32> -> vector<256x128xf32>
    %slice3A_767 = vector.extract_strided_slice %add3A_25 {offsets = [0, 4352], sizes = [1, 128], strides = [1, 1]} : vector<1x5120xf32> to vector<1x128xf32>
    %slice3A_768 = vector.extract_strided_slice %add3A_47 {offsets = [0, 4352], sizes = [1, 128], strides = [1, 1]} : vector<1x5120xf32> to vector<1x128xf32>
    %sub3A_769 = vector.broadcast %get3A_54 : vector<256x1xf32> to vector<256x128xf32>
    %sub3A_770 = vector.broadcast %slice3A_767 : vector<1x128xf32> to vector<256x128xf32>
    %sub3A_771 = arith.subf %sub3A_769, %sub3A_770 : vector<256x128xf32>
    %sub3A_772 = vector.broadcast %get3A_57 : vector<256x1xf32> to vector<256x128xf32>
    %sub3A_773 = vector.broadcast %slice3A_768 : vector<1x128xf32> to vector<256x128xf32>
    %sub3A_774 = arith.subf %sub3A_772, %sub3A_773 : vector<256x128xf32>
    %mul3A_775 = arith.mulf %sub3A_771, %sub3A_771 : vector<256x128xf32>
    %mul3A_776 = arith.mulf %sub3A_774, %sub3A_774 : vector<256x128xf32>
    %add3A_777 = arith.addf %mul3A_775, %mul3A_776 : vector<256x128xf32>
    %bitcast_convert_type3A_778 = tpu.bitcast %add3A_777 : vector<256x128xf32> -> vector<256x128xi32>
    %and3A_779 = arith.constant -8192 : i32
    %and3A_780 = vector.broadcast %and3A_779 : i32 to vector<256x128xi32>
    %and3A_781 = arith.andi %bitcast_convert_type3A_778, %and3A_780 : vector<256x128xi32>
    %add3A_782 = arith.constant 4352 : i32
    %add3A_783 = vector.broadcast %add3A_782 : i32 to vector<1x128xi32>
    %add3A_784 = arith.addi %iota3A, %add3A_783 : vector<1x128xi32>
    %or3A_785 = vector.broadcast %add3A_784 : vector<1x128xi32> to vector<256x128xi32>
    %or3A_786 = arith.ori %and3A_781, %or3A_785 : vector<256x128xi32>
    %bitcast_convert_type3A_787 = tpu.bitcast %or3A_786 : vector<256x128xi32> -> vector<256x128xf32>
    %slice3A_788 = vector.extract_strided_slice %add3A_25 {offsets = [0, 4480], sizes = [1, 128], strides = [1, 1]} : vector<1x5120xf32> to vector<1x128xf32>
    %slice3A_789 = vector.extract_strided_slice %add3A_47 {offsets = [0, 4480], sizes = [1, 128], strides = [1, 1]} : vector<1x5120xf32> to vector<1x128xf32>
    %sub3A_790 = vector.broadcast %get3A_54 : vector<256x1xf32> to vector<256x128xf32>
    %sub3A_791 = vector.broadcast %slice3A_788 : vector<1x128xf32> to vector<256x128xf32>
    %sub3A_792 = arith.subf %sub3A_790, %sub3A_791 : vector<256x128xf32>
    %sub3A_793 = vector.broadcast %get3A_57 : vector<256x1xf32> to vector<256x128xf32>
    %sub3A_794 = vector.broadcast %slice3A_789 : vector<1x128xf32> to vector<256x128xf32>
    %sub3A_795 = arith.subf %sub3A_793, %sub3A_794 : vector<256x128xf32>
    %mul3A_796 = arith.mulf %sub3A_792, %sub3A_792 : vector<256x128xf32>
    %mul3A_797 = arith.mulf %sub3A_795, %sub3A_795 : vector<256x128xf32>
    %add3A_798 = arith.addf %mul3A_796, %mul3A_797 : vector<256x128xf32>
    %bitcast_convert_type3A_799 = tpu.bitcast %add3A_798 : vector<256x128xf32> -> vector<256x128xi32>
    %and3A_800 = arith.constant -8192 : i32
    %and3A_801 = vector.broadcast %and3A_800 : i32 to vector<256x128xi32>
    %and3A_802 = arith.andi %bitcast_convert_type3A_799, %and3A_801 : vector<256x128xi32>
    %add3A_803 = arith.constant 4480 : i32
    %add3A_804 = vector.broadcast %add3A_803 : i32 to vector<1x128xi32>
    %add3A_805 = arith.addi %iota3A, %add3A_804 : vector<1x128xi32>
    %or3A_806 = vector.broadcast %add3A_805 : vector<1x128xi32> to vector<256x128xi32>
    %or3A_807 = arith.ori %and3A_802, %or3A_806 : vector<256x128xi32>
    %bitcast_convert_type3A_808 = tpu.bitcast %or3A_807 : vector<256x128xi32> -> vector<256x128xf32>
    %slice3A_809 = vector.extract_strided_slice %add3A_25 {offsets = [0, 4608], sizes = [1, 128], strides = [1, 1]} : vector<1x5120xf32> to vector<1x128xf32>
    %slice3A_810 = vector.extract_strided_slice %add3A_47 {offsets = [0, 4608], sizes = [1, 128], strides = [1, 1]} : vector<1x5120xf32> to vector<1x128xf32>
    %sub3A_811 = vector.broadcast %get3A_54 : vector<256x1xf32> to vector<256x128xf32>
    %sub3A_812 = vector.broadcast %slice3A_809 : vector<1x128xf32> to vector<256x128xf32>
    %sub3A_813 = arith.subf %sub3A_811, %sub3A_812 : vector<256x128xf32>
    %sub3A_814 = vector.broadcast %get3A_57 : vector<256x1xf32> to vector<256x128xf32>
    %sub3A_815 = vector.broadcast %slice3A_810 : vector<1x128xf32> to vector<256x128xf32>
    %sub3A_816 = arith.subf %sub3A_814, %sub3A_815 : vector<256x128xf32>
    %mul3A_817 = arith.mulf %sub3A_813, %sub3A_813 : vector<256x128xf32>
    %mul3A_818 = arith.mulf %sub3A_816, %sub3A_816 : vector<256x128xf32>
    %add3A_819 = arith.addf %mul3A_817, %mul3A_818 : vector<256x128xf32>
    %bitcast_convert_type3A_820 = tpu.bitcast %add3A_819 : vector<256x128xf32> -> vector<256x128xi32>
    %and3A_821 = arith.constant -8192 : i32
    %and3A_822 = vector.broadcast %and3A_821 : i32 to vector<256x128xi32>
    %and3A_823 = arith.andi %bitcast_convert_type3A_820, %and3A_822 : vector<256x128xi32>
    %add3A_824 = arith.constant 4608 : i32
    %add3A_825 = vector.broadcast %add3A_824 : i32 to vector<1x128xi32>
    %add3A_826 = arith.addi %iota3A, %add3A_825 : vector<1x128xi32>
    %or3A_827 = vector.broadcast %add3A_826 : vector<1x128xi32> to vector<256x128xi32>
    %or3A_828 = arith.ori %and3A_823, %or3A_827 : vector<256x128xi32>
    %bitcast_convert_type3A_829 = tpu.bitcast %or3A_828 : vector<256x128xi32> -> vector<256x128xf32>
    %slice3A_830 = vector.extract_strided_slice %add3A_25 {offsets = [0, 4736], sizes = [1, 128], strides = [1, 1]} : vector<1x5120xf32> to vector<1x128xf32>
    %slice3A_831 = vector.extract_strided_slice %add3A_47 {offsets = [0, 4736], sizes = [1, 128], strides = [1, 1]} : vector<1x5120xf32> to vector<1x128xf32>
    %sub3A_832 = vector.broadcast %get3A_54 : vector<256x1xf32> to vector<256x128xf32>
    %sub3A_833 = vector.broadcast %slice3A_830 : vector<1x128xf32> to vector<256x128xf32>
    %sub3A_834 = arith.subf %sub3A_832, %sub3A_833 : vector<256x128xf32>
    %sub3A_835 = vector.broadcast %get3A_57 : vector<256x1xf32> to vector<256x128xf32>
    %sub3A_836 = vector.broadcast %slice3A_831 : vector<1x128xf32> to vector<256x128xf32>
    %sub3A_837 = arith.subf %sub3A_835, %sub3A_836 : vector<256x128xf32>
    %mul3A_838 = arith.mulf %sub3A_834, %sub3A_834 : vector<256x128xf32>
    %mul3A_839 = arith.mulf %sub3A_837, %sub3A_837 : vector<256x128xf32>
    %add3A_840 = arith.addf %mul3A_838, %mul3A_839 : vector<256x128xf32>
    %bitcast_convert_type3A_841 = tpu.bitcast %add3A_840 : vector<256x128xf32> -> vector<256x128xi32>
    %and3A_842 = arith.constant -8192 : i32
    %and3A_843 = vector.broadcast %and3A_842 : i32 to vector<256x128xi32>
    %and3A_844 = arith.andi %bitcast_convert_type3A_841, %and3A_843 : vector<256x128xi32>
    %add3A_845 = arith.constant 4736 : i32
    %add3A_846 = vector.broadcast %add3A_845 : i32 to vector<1x128xi32>
    %add3A_847 = arith.addi %iota3A, %add3A_846 : vector<1x128xi32>
    %or3A_848 = vector.broadcast %add3A_847 : vector<1x128xi32> to vector<256x128xi32>
    %or3A_849 = arith.ori %and3A_844, %or3A_848 : vector<256x128xi32>
    %bitcast_convert_type3A_850 = tpu.bitcast %or3A_849 : vector<256x128xi32> -> vector<256x128xf32>
    %slice3A_851 = vector.extract_strided_slice %add3A_25 {offsets = [0, 4864], sizes = [1, 128], strides = [1, 1]} : vector<1x5120xf32> to vector<1x128xf32>
    %slice3A_852 = vector.extract_strided_slice %add3A_47 {offsets = [0, 4864], sizes = [1, 128], strides = [1, 1]} : vector<1x5120xf32> to vector<1x128xf32>
    %sub3A_853 = vector.broadcast %get3A_54 : vector<256x1xf32> to vector<256x128xf32>
    %sub3A_854 = vector.broadcast %slice3A_851 : vector<1x128xf32> to vector<256x128xf32>
    %sub3A_855 = arith.subf %sub3A_853, %sub3A_854 : vector<256x128xf32>
    %sub3A_856 = vector.broadcast %get3A_57 : vector<256x1xf32> to vector<256x128xf32>
    %sub3A_857 = vector.broadcast %slice3A_852 : vector<1x128xf32> to vector<256x128xf32>
    %sub3A_858 = arith.subf %sub3A_856, %sub3A_857 : vector<256x128xf32>
    %mul3A_859 = arith.mulf %sub3A_855, %sub3A_855 : vector<256x128xf32>
    %mul3A_860 = arith.mulf %sub3A_858, %sub3A_858 : vector<256x128xf32>
    %add3A_861 = arith.addf %mul3A_859, %mul3A_860 : vector<256x128xf32>
    %bitcast_convert_type3A_862 = tpu.bitcast %add3A_861 : vector<256x128xf32> -> vector<256x128xi32>
    %and3A_863 = arith.constant -8192 : i32
    %and3A_864 = vector.broadcast %and3A_863 : i32 to vector<256x128xi32>
    %and3A_865 = arith.andi %bitcast_convert_type3A_862, %and3A_864 : vector<256x128xi32>
    %add3A_866 = arith.constant 4864 : i32
    %add3A_867 = vector.broadcast %add3A_866 : i32 to vector<1x128xi32>
    %add3A_868 = arith.addi %iota3A, %add3A_867 : vector<1x128xi32>
    %or3A_869 = vector.broadcast %add3A_868 : vector<1x128xi32> to vector<256x128xi32>
    %or3A_870 = arith.ori %and3A_865, %or3A_869 : vector<256x128xi32>
    %bitcast_convert_type3A_871 = tpu.bitcast %or3A_870 : vector<256x128xi32> -> vector<256x128xf32>
    %slice3A_872 = vector.extract_strided_slice %add3A_25 {offsets = [0, 4992], sizes = [1, 128], strides = [1, 1]} : vector<1x5120xf32> to vector<1x128xf32>
    %slice3A_873 = vector.extract_strided_slice %add3A_47 {offsets = [0, 4992], sizes = [1, 128], strides = [1, 1]} : vector<1x5120xf32> to vector<1x128xf32>
    %sub3A_874 = vector.broadcast %get3A_54 : vector<256x1xf32> to vector<256x128xf32>
    %sub3A_875 = vector.broadcast %slice3A_872 : vector<1x128xf32> to vector<256x128xf32>
    %sub3A_876 = arith.subf %sub3A_874, %sub3A_875 : vector<256x128xf32>
    %sub3A_877 = vector.broadcast %get3A_57 : vector<256x1xf32> to vector<256x128xf32>
    %sub3A_878 = vector.broadcast %slice3A_873 : vector<1x128xf32> to vector<256x128xf32>
    %sub3A_879 = arith.subf %sub3A_877, %sub3A_878 : vector<256x128xf32>
    %mul3A_880 = arith.mulf %sub3A_876, %sub3A_876 : vector<256x128xf32>
    %mul3A_881 = arith.mulf %sub3A_879, %sub3A_879 : vector<256x128xf32>
    %add3A_882 = arith.addf %mul3A_880, %mul3A_881 : vector<256x128xf32>
    %bitcast_convert_type3A_883 = tpu.bitcast %add3A_882 : vector<256x128xf32> -> vector<256x128xi32>
    %and3A_884 = arith.constant -8192 : i32
    %and3A_885 = vector.broadcast %and3A_884 : i32 to vector<256x128xi32>
    %and3A_886 = arith.andi %bitcast_convert_type3A_883, %and3A_885 : vector<256x128xi32>
    %add3A_887 = arith.constant 4992 : i32
    %add3A_888 = vector.broadcast %add3A_887 : i32 to vector<1x128xi32>
    %add3A_889 = arith.addi %iota3A, %add3A_888 : vector<1x128xi32>
    %or3A_890 = vector.broadcast %add3A_889 : vector<1x128xi32> to vector<256x128xi32>
    %or3A_891 = arith.ori %and3A_886, %or3A_890 : vector<256x128xi32>
    %bitcast_convert_type3A_892 = tpu.bitcast %or3A_891 : vector<256x128xi32> -> vector<256x128xf32>
    %add3A_893 = arith.constant 4992 : i32
    %add3A_894 = vector.broadcast %add3A_893 : i32 to vector<1x128xi32>
    %add3A_895 = arith.addi %iota3A, %add3A_894 : vector<1x128xi32>
    %ge3A = arith.constant 5000 : i32
    %ge3A_896 = vector.broadcast %ge3A : i32 to vector<1x128xi32>
    %ge3A_897 = arith.cmpi sge, %add3A_895, %ge3A_896 : vector<1x128xi32>
    %jit3A = arith.constant 0x7F800000 : f32
    %broadcast_in_dim3A = vector.shape_cast %ge3A_897 : vector<1x128xi1> to vector<1x128xi1>
    %broadcast_in_dim3A_898 = vector.broadcast %broadcast_in_dim3A : vector<1x128xi1> to vector<256x128xi1>
    %broadcast_in_dim3A_899 = vector.broadcast %jit3A : f32 to vector<256x128xf32>
    %select_n3A = arith.select %broadcast_in_dim3A_898, %broadcast_in_dim3A_899, %bitcast_convert_type3A_892 : vector<256x128xi1>, vector<256x128xf32>
    %min3A = arith.minimumf %bitcast_convert_type3A_73, %bitcast_convert_type3A_94 : vector<256x128xf32>
    %max3A = arith.maximumf %bitcast_convert_type3A_73, %bitcast_convert_type3A_94 : vector<256x128xf32>
    %min3A_900 = arith.minimumf %bitcast_convert_type3A_115, %bitcast_convert_type3A_136 : vector<256x128xf32>
    %max3A_901 = arith.maximumf %bitcast_convert_type3A_115, %bitcast_convert_type3A_136 : vector<256x128xf32>
    %min3A_902 = arith.minimumf %bitcast_convert_type3A_157, %bitcast_convert_type3A_178 : vector<256x128xf32>
    %max3A_903 = arith.maximumf %bitcast_convert_type3A_157, %bitcast_convert_type3A_178 : vector<256x128xf32>
    %min3A_904 = arith.minimumf %bitcast_convert_type3A_199, %bitcast_convert_type3A_220 : vector<256x128xf32>
    %max3A_905 = arith.maximumf %bitcast_convert_type3A_199, %bitcast_convert_type3A_220 : vector<256x128xf32>
    %min3A_906 = arith.minimumf %bitcast_convert_type3A_241, %bitcast_convert_type3A_262 : vector<256x128xf32>
    %max3A_907 = arith.maximumf %bitcast_convert_type3A_241, %bitcast_convert_type3A_262 : vector<256x128xf32>
    %min3A_908 = arith.minimumf %bitcast_convert_type3A_283, %bitcast_convert_type3A_304 : vector<256x128xf32>
    %max3A_909 = arith.maximumf %bitcast_convert_type3A_283, %bitcast_convert_type3A_304 : vector<256x128xf32>
    %min3A_910 = arith.minimumf %bitcast_convert_type3A_325, %bitcast_convert_type3A_346 : vector<256x128xf32>
    %max3A_911 = arith.maximumf %bitcast_convert_type3A_325, %bitcast_convert_type3A_346 : vector<256x128xf32>
    %min3A_912 = arith.minimumf %bitcast_convert_type3A_367, %bitcast_convert_type3A_388 : vector<256x128xf32>
    %max3A_913 = arith.maximumf %bitcast_convert_type3A_367, %bitcast_convert_type3A_388 : vector<256x128xf32>
    %min3A_914 = arith.minimumf %bitcast_convert_type3A_409, %bitcast_convert_type3A_430 : vector<256x128xf32>
    %max3A_915 = arith.maximumf %bitcast_convert_type3A_409, %bitcast_convert_type3A_430 : vector<256x128xf32>
    %min3A_916 = arith.minimumf %bitcast_convert_type3A_451, %bitcast_convert_type3A_472 : vector<256x128xf32>
    %max3A_917 = arith.maximumf %bitcast_convert_type3A_451, %bitcast_convert_type3A_472 : vector<256x128xf32>
    %min3A_918 = arith.minimumf %bitcast_convert_type3A_493, %bitcast_convert_type3A_514 : vector<256x128xf32>
    %max3A_919 = arith.maximumf %bitcast_convert_type3A_493, %bitcast_convert_type3A_514 : vector<256x128xf32>
    %min3A_920 = arith.minimumf %bitcast_convert_type3A_535, %bitcast_convert_type3A_556 : vector<256x128xf32>
    %max3A_921 = arith.maximumf %bitcast_convert_type3A_535, %bitcast_convert_type3A_556 : vector<256x128xf32>
    %min3A_922 = arith.minimumf %bitcast_convert_type3A_577, %bitcast_convert_type3A_598 : vector<256x128xf32>
    %max3A_923 = arith.maximumf %bitcast_convert_type3A_577, %bitcast_convert_type3A_598 : vector<256x128xf32>
    %min3A_924 = arith.minimumf %bitcast_convert_type3A_619, %bitcast_convert_type3A_640 : vector<256x128xf32>
    %max3A_925 = arith.maximumf %bitcast_convert_type3A_619, %bitcast_convert_type3A_640 : vector<256x128xf32>
    %min3A_926 = arith.minimumf %bitcast_convert_type3A_661, %bitcast_convert_type3A_682 : vector<256x128xf32>
    %max3A_927 = arith.maximumf %bitcast_convert_type3A_661, %bitcast_convert_type3A_682 : vector<256x128xf32>
    %min3A_928 = arith.minimumf %bitcast_convert_type3A_703, %bitcast_convert_type3A_724 : vector<256x128xf32>
    %max3A_929 = arith.maximumf %bitcast_convert_type3A_703, %bitcast_convert_type3A_724 : vector<256x128xf32>
    %min3A_930 = arith.minimumf %bitcast_convert_type3A_745, %bitcast_convert_type3A_766 : vector<256x128xf32>
    %max3A_931 = arith.maximumf %bitcast_convert_type3A_745, %bitcast_convert_type3A_766 : vector<256x128xf32>
    %min3A_932 = arith.minimumf %bitcast_convert_type3A_787, %bitcast_convert_type3A_808 : vector<256x128xf32>
    %max3A_933 = arith.maximumf %bitcast_convert_type3A_787, %bitcast_convert_type3A_808 : vector<256x128xf32>
    %min3A_934 = arith.minimumf %bitcast_convert_type3A_829, %bitcast_convert_type3A_850 : vector<256x128xf32>
    %max3A_935 = arith.maximumf %bitcast_convert_type3A_829, %bitcast_convert_type3A_850 : vector<256x128xf32>
    %min3A_936 = arith.minimumf %bitcast_convert_type3A_871, %select_n3A : vector<256x128xf32>
    %max3A_937 = arith.maximumf %bitcast_convert_type3A_871, %select_n3A : vector<256x128xf32>
    %min3A_938 = arith.minimumf %min3A, %min3A_900 : vector<256x128xf32>
    %max3A_939 = arith.maximumf %min3A, %min3A_900 : vector<256x128xf32>
    %min3A_940 = arith.minimumf %max3A, %max3A_901 : vector<256x128xf32>
    %max3A_941 = arith.maximumf %max3A, %max3A_901 : vector<256x128xf32>
    %min3A_942 = arith.minimumf %min3A_940, %max3A_939 : vector<256x128xf32>
    %max3A_943 = arith.maximumf %min3A_940, %max3A_939 : vector<256x128xf32>
    %min3A_944 = arith.minimumf %min3A_902, %min3A_904 : vector<256x128xf32>
    %max3A_945 = arith.maximumf %min3A_902, %min3A_904 : vector<256x128xf32>
    %min3A_946 = arith.minimumf %max3A_903, %max3A_905 : vector<256x128xf32>
    %max3A_947 = arith.maximumf %max3A_903, %max3A_905 : vector<256x128xf32>
    %min3A_948 = arith.minimumf %min3A_946, %max3A_945 : vector<256x128xf32>
    %max3A_949 = arith.maximumf %min3A_946, %max3A_945 : vector<256x128xf32>
    %min3A_950 = arith.minimumf %min3A_906, %min3A_908 : vector<256x128xf32>
    %max3A_951 = arith.maximumf %min3A_906, %min3A_908 : vector<256x128xf32>
    %min3A_952 = arith.minimumf %max3A_907, %max3A_909 : vector<256x128xf32>
    %max3A_953 = arith.maximumf %max3A_907, %max3A_909 : vector<256x128xf32>
    %min3A_954 = arith.minimumf %min3A_952, %max3A_951 : vector<256x128xf32>
    %max3A_955 = arith.maximumf %min3A_952, %max3A_951 : vector<256x128xf32>
    %min3A_956 = arith.minimumf %min3A_910, %min3A_912 : vector<256x128xf32>
    %max3A_957 = arith.maximumf %min3A_910, %min3A_912 : vector<256x128xf32>
    %min3A_958 = arith.minimumf %max3A_911, %max3A_913 : vector<256x128xf32>
    %max3A_959 = arith.maximumf %max3A_911, %max3A_913 : vector<256x128xf32>
    %min3A_960 = arith.minimumf %min3A_958, %max3A_957 : vector<256x128xf32>
    %max3A_961 = arith.maximumf %min3A_958, %max3A_957 : vector<256x128xf32>
    %min3A_962 = arith.minimumf %min3A_914, %min3A_916 : vector<256x128xf32>
    %max3A_963 = arith.maximumf %min3A_914, %min3A_916 : vector<256x128xf32>
    %min3A_964 = arith.minimumf %max3A_915, %max3A_917 : vector<256x128xf32>
    %max3A_965 = arith.maximumf %max3A_915, %max3A_917 : vector<256x128xf32>
    %min3A_966 = arith.minimumf %min3A_964, %max3A_963 : vector<256x128xf32>
    %max3A_967 = arith.maximumf %min3A_964, %max3A_963 : vector<256x128xf32>
    %min3A_968 = arith.minimumf %min3A_918, %min3A_920 : vector<256x128xf32>
    %max3A_969 = arith.maximumf %min3A_918, %min3A_920 : vector<256x128xf32>
    %min3A_970 = arith.minimumf %max3A_919, %max3A_921 : vector<256x128xf32>
    %max3A_971 = arith.maximumf %max3A_919, %max3A_921 : vector<256x128xf32>
    %min3A_972 = arith.minimumf %min3A_970, %max3A_969 : vector<256x128xf32>
    %max3A_973 = arith.maximumf %min3A_970, %max3A_969 : vector<256x128xf32>
    %min3A_974 = arith.minimumf %min3A_922, %min3A_924 : vector<256x128xf32>
    %max3A_975 = arith.maximumf %min3A_922, %min3A_924 : vector<256x128xf32>
    %min3A_976 = arith.minimumf %max3A_923, %max3A_925 : vector<256x128xf32>
    %max3A_977 = arith.maximumf %max3A_923, %max3A_925 : vector<256x128xf32>
    %min3A_978 = arith.minimumf %min3A_976, %max3A_975 : vector<256x128xf32>
    %max3A_979 = arith.maximumf %min3A_976, %max3A_975 : vector<256x128xf32>
    %min3A_980 = arith.minimumf %min3A_926, %min3A_928 : vector<256x128xf32>
    %max3A_981 = arith.maximumf %min3A_926, %min3A_928 : vector<256x128xf32>
    %min3A_982 = arith.minimumf %max3A_927, %max3A_929 : vector<256x128xf32>
    %max3A_983 = arith.maximumf %max3A_927, %max3A_929 : vector<256x128xf32>
    %min3A_984 = arith.minimumf %min3A_982, %max3A_981 : vector<256x128xf32>
    %max3A_985 = arith.maximumf %min3A_982, %max3A_981 : vector<256x128xf32>
    %min3A_986 = arith.minimumf %min3A_930, %min3A_932 : vector<256x128xf32>
    %max3A_987 = arith.maximumf %min3A_930, %min3A_932 : vector<256x128xf32>
    %min3A_988 = arith.minimumf %max3A_931, %max3A_933 : vector<256x128xf32>
    %max3A_989 = arith.maximumf %max3A_931, %max3A_933 : vector<256x128xf32>
    %min3A_990 = arith.minimumf %min3A_988, %max3A_987 : vector<256x128xf32>
    %max3A_991 = arith.maximumf %min3A_988, %max3A_987 : vector<256x128xf32>
    %min3A_992 = arith.minimumf %min3A_934, %min3A_936 : vector<256x128xf32>
    %max3A_993 = arith.maximumf %min3A_934, %min3A_936 : vector<256x128xf32>
    %min3A_994 = arith.minimumf %max3A_935, %max3A_937 : vector<256x128xf32>
    %max3A_995 = arith.maximumf %max3A_935, %max3A_937 : vector<256x128xf32>
    %min3A_996 = arith.minimumf %min3A_994, %max3A_993 : vector<256x128xf32>
    %max3A_997 = arith.maximumf %min3A_994, %max3A_993 : vector<256x128xf32>
    %min3A_998 = arith.minimumf %min3A_938, %min3A_944 : vector<256x128xf32>
    %max3A_999 = arith.maximumf %min3A_938, %min3A_944 : vector<256x128xf32>
    %min3A_1000 = arith.minimumf %max3A_943, %max3A_949 : vector<256x128xf32>
    %max3A_1001 = arith.maximumf %max3A_943, %max3A_949 : vector<256x128xf32>
    %min3A_1002 = arith.minimumf %min3A_1000, %max3A_999 : vector<256x128xf32>
    %max3A_1003 = arith.maximumf %min3A_1000, %max3A_999 : vector<256x128xf32>
    %min3A_1004 = arith.minimumf %min3A_942, %min3A_948 : vector<256x128xf32>
    %max3A_1005 = arith.maximumf %min3A_942, %min3A_948 : vector<256x128xf32>
    %min3A_1006 = arith.minimumf %max3A_941, %max3A_947 : vector<256x128xf32>
    %max3A_1007 = arith.maximumf %max3A_941, %max3A_947 : vector<256x128xf32>
    %min3A_1008 = arith.minimumf %min3A_1006, %max3A_1005 : vector<256x128xf32>
    %max3A_1009 = arith.maximumf %min3A_1006, %max3A_1005 : vector<256x128xf32>
    %min3A_1010 = arith.minimumf %min3A_1004, %min3A_1002 : vector<256x128xf32>
    %max3A_1011 = arith.maximumf %min3A_1004, %min3A_1002 : vector<256x128xf32>
    %min3A_1012 = arith.minimumf %min3A_1008, %max3A_1003 : vector<256x128xf32>
    %max3A_1013 = arith.maximumf %min3A_1008, %max3A_1003 : vector<256x128xf32>
    %min3A_1014 = arith.minimumf %max3A_1009, %max3A_1001 : vector<256x128xf32>
    %max3A_1015 = arith.maximumf %max3A_1009, %max3A_1001 : vector<256x128xf32>
    %min3A_1016 = arith.minimumf %min3A_950, %min3A_956 : vector<256x128xf32>
    %max3A_1017 = arith.maximumf %min3A_950, %min3A_956 : vector<256x128xf32>
    %min3A_1018 = arith.minimumf %max3A_955, %max3A_961 : vector<256x128xf32>
    %max3A_1019 = arith.maximumf %max3A_955, %max3A_961 : vector<256x128xf32>
    %min3A_1020 = arith.minimumf %min3A_1018, %max3A_1017 : vector<256x128xf32>
    %max3A_1021 = arith.maximumf %min3A_1018, %max3A_1017 : vector<256x128xf32>
    %min3A_1022 = arith.minimumf %min3A_954, %min3A_960 : vector<256x128xf32>
    %max3A_1023 = arith.maximumf %min3A_954, %min3A_960 : vector<256x128xf32>
    %min3A_1024 = arith.minimumf %max3A_953, %max3A_959 : vector<256x128xf32>
    %max3A_1025 = arith.maximumf %max3A_953, %max3A_959 : vector<256x128xf32>
    %min3A_1026 = arith.minimumf %min3A_1024, %max3A_1023 : vector<256x128xf32>
    %max3A_1027 = arith.maximumf %min3A_1024, %max3A_1023 : vector<256x128xf32>
    %min3A_1028 = arith.minimumf %min3A_1022, %min3A_1020 : vector<256x128xf32>
    %max3A_1029 = arith.maximumf %min3A_1022, %min3A_1020 : vector<256x128xf32>
    %min3A_1030 = arith.minimumf %min3A_1026, %max3A_1021 : vector<256x128xf32>
    %max3A_1031 = arith.maximumf %min3A_1026, %max3A_1021 : vector<256x128xf32>
    %min3A_1032 = arith.minimumf %max3A_1027, %max3A_1019 : vector<256x128xf32>
    %max3A_1033 = arith.maximumf %max3A_1027, %max3A_1019 : vector<256x128xf32>
    %min3A_1034 = arith.minimumf %min3A_962, %min3A_968 : vector<256x128xf32>
    %max3A_1035 = arith.maximumf %min3A_962, %min3A_968 : vector<256x128xf32>
    %min3A_1036 = arith.minimumf %max3A_967, %max3A_973 : vector<256x128xf32>
    %max3A_1037 = arith.maximumf %max3A_967, %max3A_973 : vector<256x128xf32>
    %min3A_1038 = arith.minimumf %min3A_1036, %max3A_1035 : vector<256x128xf32>
    %max3A_1039 = arith.maximumf %min3A_1036, %max3A_1035 : vector<256x128xf32>
    %min3A_1040 = arith.minimumf %min3A_966, %min3A_972 : vector<256x128xf32>
    %max3A_1041 = arith.maximumf %min3A_966, %min3A_972 : vector<256x128xf32>
    %min3A_1042 = arith.minimumf %max3A_965, %max3A_971 : vector<256x128xf32>
    %max3A_1043 = arith.maximumf %max3A_965, %max3A_971 : vector<256x128xf32>
    %min3A_1044 = arith.minimumf %min3A_1042, %max3A_1041 : vector<256x128xf32>
    %max3A_1045 = arith.maximumf %min3A_1042, %max3A_1041 : vector<256x128xf32>
    %min3A_1046 = arith.minimumf %min3A_1040, %min3A_1038 : vector<256x128xf32>
    %max3A_1047 = arith.maximumf %min3A_1040, %min3A_1038 : vector<256x128xf32>
    %min3A_1048 = arith.minimumf %min3A_1044, %max3A_1039 : vector<256x128xf32>
    %max3A_1049 = arith.maximumf %min3A_1044, %max3A_1039 : vector<256x128xf32>
    %min3A_1050 = arith.minimumf %max3A_1045, %max3A_1037 : vector<256x128xf32>
    %max3A_1051 = arith.maximumf %max3A_1045, %max3A_1037 : vector<256x128xf32>
    %min3A_1052 = arith.minimumf %min3A_974, %min3A_980 : vector<256x128xf32>
    %max3A_1053 = arith.maximumf %min3A_974, %min3A_980 : vector<256x128xf32>
    %min3A_1054 = arith.minimumf %max3A_979, %max3A_985 : vector<256x128xf32>
    %max3A_1055 = arith.maximumf %max3A_979, %max3A_985 : vector<256x128xf32>
    %min3A_1056 = arith.minimumf %min3A_1054, %max3A_1053 : vector<256x128xf32>
    %max3A_1057 = arith.maximumf %min3A_1054, %max3A_1053 : vector<256x128xf32>
    %min3A_1058 = arith.minimumf %min3A_978, %min3A_984 : vector<256x128xf32>
    %max3A_1059 = arith.maximumf %min3A_978, %min3A_984 : vector<256x128xf32>
    %min3A_1060 = arith.minimumf %max3A_977, %max3A_983 : vector<256x128xf32>
    %max3A_1061 = arith.maximumf %max3A_977, %max3A_983 : vector<256x128xf32>
    %min3A_1062 = arith.minimumf %min3A_1060, %max3A_1059 : vector<256x128xf32>
    %max3A_1063 = arith.maximumf %min3A_1060, %max3A_1059 : vector<256x128xf32>
    %min3A_1064 = arith.minimumf %min3A_1058, %min3A_1056 : vector<256x128xf32>
    %max3A_1065 = arith.maximumf %min3A_1058, %min3A_1056 : vector<256x128xf32>
    %min3A_1066 = arith.minimumf %min3A_1062, %max3A_1057 : vector<256x128xf32>
    %max3A_1067 = arith.maximumf %min3A_1062, %max3A_1057 : vector<256x128xf32>
    %min3A_1068 = arith.minimumf %max3A_1063, %max3A_1055 : vector<256x128xf32>
    %max3A_1069 = arith.maximumf %max3A_1063, %max3A_1055 : vector<256x128xf32>
    %min3A_1070 = arith.minimumf %min3A_986, %min3A_992 : vector<256x128xf32>
    %max3A_1071 = arith.maximumf %min3A_986, %min3A_992 : vector<256x128xf32>
    %min3A_1072 = arith.minimumf %max3A_991, %max3A_997 : vector<256x128xf32>
    %max3A_1073 = arith.maximumf %max3A_991, %max3A_997 : vector<256x128xf32>
    %min3A_1074 = arith.minimumf %min3A_1072, %max3A_1071 : vector<256x128xf32>
    %max3A_1075 = arith.maximumf %min3A_1072, %max3A_1071 : vector<256x128xf32>
    %min3A_1076 = arith.minimumf %min3A_990, %min3A_996 : vector<256x128xf32>
    %max3A_1077 = arith.maximumf %min3A_990, %min3A_996 : vector<256x128xf32>
    %min3A_1078 = arith.minimumf %max3A_989, %max3A_995 : vector<256x128xf32>
    %max3A_1079 = arith.maximumf %max3A_989, %max3A_995 : vector<256x128xf32>
    %min3A_1080 = arith.minimumf %min3A_1078, %max3A_1077 : vector<256x128xf32>
    %max3A_1081 = arith.maximumf %min3A_1078, %max3A_1077 : vector<256x128xf32>
    %min3A_1082 = arith.minimumf %min3A_1076, %min3A_1074 : vector<256x128xf32>
    %max3A_1083 = arith.maximumf %min3A_1076, %min3A_1074 : vector<256x128xf32>
    %min3A_1084 = arith.minimumf %min3A_1080, %max3A_1075 : vector<256x128xf32>
    %max3A_1085 = arith.maximumf %min3A_1080, %max3A_1075 : vector<256x128xf32>
    %min3A_1086 = arith.minimumf %max3A_1081, %max3A_1073 : vector<256x128xf32>
    %max3A_1087 = arith.maximumf %max3A_1081, %max3A_1073 : vector<256x128xf32>
    %min3A_1088 = arith.minimumf %min3A_998, %min3A_1016 : vector<256x128xf32>
    %max3A_1089 = arith.maximumf %min3A_998, %min3A_1016 : vector<256x128xf32>
    %min3A_1090 = arith.minimumf %max3A_1013, %max3A_1031 : vector<256x128xf32>
    %max3A_1091 = arith.maximumf %max3A_1013, %max3A_1031 : vector<256x128xf32>
    %min3A_1092 = arith.minimumf %min3A_1090, %max3A_1089 : vector<256x128xf32>
    %max3A_1093 = arith.maximumf %min3A_1090, %max3A_1089 : vector<256x128xf32>
    %min3A_1094 = arith.minimumf %max3A_1011, %max3A_1029 : vector<256x128xf32>
    %max3A_1095 = arith.maximumf %max3A_1011, %max3A_1029 : vector<256x128xf32>
    %min3A_1096 = arith.minimumf %max3A_1015, %max3A_1033 : vector<256x128xf32>
    %max3A_1097 = arith.maximumf %max3A_1015, %max3A_1033 : vector<256x128xf32>
    %min3A_1098 = arith.minimumf %min3A_1096, %max3A_1095 : vector<256x128xf32>
    %max3A_1099 = arith.maximumf %min3A_1096, %max3A_1095 : vector<256x128xf32>
    %min3A_1100 = arith.minimumf %min3A_1094, %min3A_1092 : vector<256x128xf32>
    %max3A_1101 = arith.maximumf %min3A_1094, %min3A_1092 : vector<256x128xf32>
    %min3A_1102 = arith.minimumf %min3A_1098, %max3A_1093 : vector<256x128xf32>
    %max3A_1103 = arith.maximumf %min3A_1098, %max3A_1093 : vector<256x128xf32>
    %min3A_1104 = arith.minimumf %max3A_1099, %max3A_1091 : vector<256x128xf32>
    %max3A_1105 = arith.maximumf %max3A_1099, %max3A_1091 : vector<256x128xf32>
    %min3A_1106 = arith.minimumf %min3A_1010, %min3A_1028 : vector<256x128xf32>
    %max3A_1107 = arith.maximumf %min3A_1010, %min3A_1028 : vector<256x128xf32>
    %min3A_1108 = arith.minimumf %min3A_1014, %min3A_1032 : vector<256x128xf32>
    %max3A_1109 = arith.maximumf %min3A_1014, %min3A_1032 : vector<256x128xf32>
    %min3A_1110 = arith.minimumf %min3A_1108, %max3A_1107 : vector<256x128xf32>
    %max3A_1111 = arith.maximumf %min3A_1108, %max3A_1107 : vector<256x128xf32>
    %min3A_1112 = arith.minimumf %min3A_1012, %min3A_1030 : vector<256x128xf32>
    %max3A_1113 = arith.maximumf %min3A_1012, %min3A_1030 : vector<256x128xf32>
    %min3A_1114 = arith.minimumf %max3A_1007, %max3A_1025 : vector<256x128xf32>
    %max3A_1115 = arith.maximumf %max3A_1007, %max3A_1025 : vector<256x128xf32>
    %min3A_1116 = arith.minimumf %min3A_1114, %max3A_1113 : vector<256x128xf32>
    %max3A_1117 = arith.maximumf %min3A_1114, %max3A_1113 : vector<256x128xf32>
    %min3A_1118 = arith.minimumf %min3A_1112, %min3A_1110 : vector<256x128xf32>
    %max3A_1119 = arith.maximumf %min3A_1112, %min3A_1110 : vector<256x128xf32>
    %min3A_1120 = arith.minimumf %min3A_1116, %max3A_1111 : vector<256x128xf32>
    %max3A_1121 = arith.maximumf %min3A_1116, %max3A_1111 : vector<256x128xf32>
    %min3A_1122 = arith.minimumf %max3A_1117, %max3A_1109 : vector<256x128xf32>
    %max3A_1123 = arith.maximumf %max3A_1117, %max3A_1109 : vector<256x128xf32>
    %min3A_1124 = arith.minimumf %min3A_1106, %min3A_1100 : vector<256x128xf32>
    %max3A_1125 = arith.maximumf %min3A_1106, %min3A_1100 : vector<256x128xf32>
    %min3A_1126 = arith.minimumf %min3A_1118, %max3A_1101 : vector<256x128xf32>
    %max3A_1127 = arith.maximumf %min3A_1118, %max3A_1101 : vector<256x128xf32>
    %min3A_1128 = arith.minimumf %max3A_1119, %min3A_1102 : vector<256x128xf32>
    %max3A_1129 = arith.maximumf %max3A_1119, %min3A_1102 : vector<256x128xf32>
    %min3A_1130 = arith.minimumf %min3A_1120, %max3A_1103 : vector<256x128xf32>
    %max3A_1131 = arith.maximumf %min3A_1120, %max3A_1103 : vector<256x128xf32>
    %min3A_1132 = arith.minimumf %max3A_1121, %min3A_1104 : vector<256x128xf32>
    %max3A_1133 = arith.maximumf %max3A_1121, %min3A_1104 : vector<256x128xf32>
    %min3A_1134 = arith.minimumf %min3A_1122, %max3A_1105 : vector<256x128xf32>
    %max3A_1135 = arith.maximumf %min3A_1122, %max3A_1105 : vector<256x128xf32>
    %min3A_1136 = arith.minimumf %max3A_1123, %max3A_1097 : vector<256x128xf32>
    %max3A_1137 = arith.maximumf %max3A_1123, %max3A_1097 : vector<256x128xf32>
    %min3A_1138 = arith.minimumf %min3A_1034, %min3A_1052 : vector<256x128xf32>
    %max3A_1139 = arith.maximumf %min3A_1034, %min3A_1052 : vector<256x128xf32>
    %min3A_1140 = arith.minimumf %max3A_1049, %max3A_1067 : vector<256x128xf32>
    %max3A_1141 = arith.maximumf %max3A_1049, %max3A_1067 : vector<256x128xf32>
    %min3A_1142 = arith.minimumf %min3A_1140, %max3A_1139 : vector<256x128xf32>
    %max3A_1143 = arith.maximumf %min3A_1140, %max3A_1139 : vector<256x128xf32>
    %min3A_1144 = arith.minimumf %max3A_1047, %max3A_1065 : vector<256x128xf32>
    %max3A_1145 = arith.maximumf %max3A_1047, %max3A_1065 : vector<256x128xf32>
    %min3A_1146 = arith.minimumf %max3A_1051, %max3A_1069 : vector<256x128xf32>
    %max3A_1147 = arith.maximumf %max3A_1051, %max3A_1069 : vector<256x128xf32>
    %min3A_1148 = arith.minimumf %min3A_1146, %max3A_1145 : vector<256x128xf32>
    %max3A_1149 = arith.maximumf %min3A_1146, %max3A_1145 : vector<256x128xf32>
    %min3A_1150 = arith.minimumf %min3A_1144, %min3A_1142 : vector<256x128xf32>
    %max3A_1151 = arith.maximumf %min3A_1144, %min3A_1142 : vector<256x128xf32>
    %min3A_1152 = arith.minimumf %min3A_1148, %max3A_1143 : vector<256x128xf32>
    %max3A_1153 = arith.maximumf %min3A_1148, %max3A_1143 : vector<256x128xf32>
    %min3A_1154 = arith.minimumf %max3A_1149, %max3A_1141 : vector<256x128xf32>
    %max3A_1155 = arith.maximumf %max3A_1149, %max3A_1141 : vector<256x128xf32>
    %min3A_1156 = arith.minimumf %min3A_1046, %min3A_1064 : vector<256x128xf32>
    %max3A_1157 = arith.maximumf %min3A_1046, %min3A_1064 : vector<256x128xf32>
    %min3A_1158 = arith.minimumf %min3A_1050, %min3A_1068 : vector<256x128xf32>
    %max3A_1159 = arith.maximumf %min3A_1050, %min3A_1068 : vector<256x128xf32>
    %min3A_1160 = arith.minimumf %min3A_1158, %max3A_1157 : vector<256x128xf32>
    %max3A_1161 = arith.maximumf %min3A_1158, %max3A_1157 : vector<256x128xf32>
    %min3A_1162 = arith.minimumf %min3A_1048, %min3A_1066 : vector<256x128xf32>
    %max3A_1163 = arith.maximumf %min3A_1048, %min3A_1066 : vector<256x128xf32>
    %min3A_1164 = arith.minimumf %max3A_1043, %max3A_1061 : vector<256x128xf32>
    %max3A_1165 = arith.maximumf %max3A_1043, %max3A_1061 : vector<256x128xf32>
    %min3A_1166 = arith.minimumf %min3A_1164, %max3A_1163 : vector<256x128xf32>
    %max3A_1167 = arith.maximumf %min3A_1164, %max3A_1163 : vector<256x128xf32>
    %min3A_1168 = arith.minimumf %min3A_1162, %min3A_1160 : vector<256x128xf32>
    %max3A_1169 = arith.maximumf %min3A_1162, %min3A_1160 : vector<256x128xf32>
    %min3A_1170 = arith.minimumf %min3A_1166, %max3A_1161 : vector<256x128xf32>
    %max3A_1171 = arith.maximumf %min3A_1166, %max3A_1161 : vector<256x128xf32>
    %min3A_1172 = arith.minimumf %max3A_1167, %max3A_1159 : vector<256x128xf32>
    %max3A_1173 = arith.maximumf %max3A_1167, %max3A_1159 : vector<256x128xf32>
    %min3A_1174 = arith.minimumf %min3A_1156, %min3A_1150 : vector<256x128xf32>
    %max3A_1175 = arith.maximumf %min3A_1156, %min3A_1150 : vector<256x128xf32>
    %min3A_1176 = arith.minimumf %min3A_1168, %max3A_1151 : vector<256x128xf32>
    %max3A_1177 = arith.maximumf %min3A_1168, %max3A_1151 : vector<256x128xf32>
    %min3A_1178 = arith.minimumf %max3A_1169, %min3A_1152 : vector<256x128xf32>
    %max3A_1179 = arith.maximumf %max3A_1169, %min3A_1152 : vector<256x128xf32>
    %min3A_1180 = arith.minimumf %min3A_1170, %max3A_1153 : vector<256x128xf32>
    %max3A_1181 = arith.maximumf %min3A_1170, %max3A_1153 : vector<256x128xf32>
    %min3A_1182 = arith.minimumf %max3A_1171, %min3A_1154 : vector<256x128xf32>
    %max3A_1183 = arith.maximumf %max3A_1171, %min3A_1154 : vector<256x128xf32>
    %min3A_1184 = arith.minimumf %min3A_1172, %max3A_1155 : vector<256x128xf32>
    %max3A_1185 = arith.maximumf %min3A_1172, %max3A_1155 : vector<256x128xf32>
    %min3A_1186 = arith.minimumf %max3A_1173, %max3A_1147 : vector<256x128xf32>
    %max3A_1187 = arith.maximumf %max3A_1173, %max3A_1147 : vector<256x128xf32>
    %min3A_1188 = arith.minimumf %min3A_1088, %max3A_1165 : vector<256x128xf32>
    %min3A_1189 = arith.minimumf %min3A_1124, %max3A_1187 : vector<256x128xf32>
    %min3A_1190 = arith.minimumf %max3A_1125, %min3A_1186 : vector<256x128xf32>
    %min3A_1191 = arith.minimumf %min3A_1126, %max3A_1185 : vector<256x128xf32>
    %min3A_1192 = arith.minimumf %max3A_1127, %min3A_1184 : vector<256x128xf32>
    %min3A_1193 = arith.minimumf %min3A_1128, %max3A_1183 : vector<256x128xf32>
    %min3A_1194 = arith.minimumf %max3A_1129, %min3A_1182 : vector<256x128xf32>
    %min3A_1195 = arith.minimumf %min3A_1130, %max3A_1181 : vector<256x128xf32>
    %min3A_1196 = arith.minimumf %max3A_1131, %min3A_1180 : vector<256x128xf32>
    %min3A_1197 = arith.minimumf %min3A_1132, %max3A_1179 : vector<256x128xf32>
    %min3A_1198 = arith.minimumf %max3A_1133, %min3A_1178 : vector<256x128xf32>
    %min3A_1199 = arith.minimumf %min3A_1134, %max3A_1177 : vector<256x128xf32>
    %min3A_1200 = arith.minimumf %max3A_1135, %min3A_1176 : vector<256x128xf32>
    %min3A_1201 = arith.minimumf %min3A_1136, %max3A_1175 : vector<256x128xf32>
    %min3A_1202 = arith.minimumf %max3A_1137, %min3A_1174 : vector<256x128xf32>
    %min3A_1203 = arith.minimumf %max3A_1115, %min3A_1138 : vector<256x128xf32>
    %min3A_1204 = arith.minimumf %min3A_1188, %min3A_1196 : vector<256x128xf32>
    %max3A_1205 = arith.maximumf %min3A_1188, %min3A_1196 : vector<256x128xf32>
    %min3A_1206 = arith.minimumf %min3A_1189, %min3A_1197 : vector<256x128xf32>
    %max3A_1207 = arith.maximumf %min3A_1189, %min3A_1197 : vector<256x128xf32>
    %min3A_1208 = arith.minimumf %min3A_1190, %min3A_1198 : vector<256x128xf32>
    %max3A_1209 = arith.maximumf %min3A_1190, %min3A_1198 : vector<256x128xf32>
    %min3A_1210 = arith.minimumf %min3A_1191, %min3A_1199 : vector<256x128xf32>
    %max3A_1211 = arith.maximumf %min3A_1191, %min3A_1199 : vector<256x128xf32>
    %min3A_1212 = arith.minimumf %min3A_1192, %min3A_1200 : vector<256x128xf32>
    %max3A_1213 = arith.maximumf %min3A_1192, %min3A_1200 : vector<256x128xf32>
    %min3A_1214 = arith.minimumf %min3A_1193, %min3A_1201 : vector<256x128xf32>
    %max3A_1215 = arith.maximumf %min3A_1193, %min3A_1201 : vector<256x128xf32>
    %min3A_1216 = arith.minimumf %min3A_1194, %min3A_1202 : vector<256x128xf32>
    %max3A_1217 = arith.maximumf %min3A_1194, %min3A_1202 : vector<256x128xf32>
    %min3A_1218 = arith.minimumf %min3A_1195, %min3A_1203 : vector<256x128xf32>
    %max3A_1219 = arith.maximumf %min3A_1195, %min3A_1203 : vector<256x128xf32>
    %min3A_1220 = arith.minimumf %min3A_1204, %min3A_1212 : vector<256x128xf32>
    %max3A_1221 = arith.maximumf %min3A_1204, %min3A_1212 : vector<256x128xf32>
    %min3A_1222 = arith.minimumf %min3A_1206, %min3A_1214 : vector<256x128xf32>
    %max3A_1223 = arith.maximumf %min3A_1206, %min3A_1214 : vector<256x128xf32>
    %min3A_1224 = arith.minimumf %min3A_1208, %min3A_1216 : vector<256x128xf32>
    %max3A_1225 = arith.maximumf %min3A_1208, %min3A_1216 : vector<256x128xf32>
    %min3A_1226 = arith.minimumf %min3A_1210, %min3A_1218 : vector<256x128xf32>
    %max3A_1227 = arith.maximumf %min3A_1210, %min3A_1218 : vector<256x128xf32>
    %min3A_1228 = arith.minimumf %max3A_1205, %max3A_1213 : vector<256x128xf32>
    %max3A_1229 = arith.maximumf %max3A_1205, %max3A_1213 : vector<256x128xf32>
    %min3A_1230 = arith.minimumf %max3A_1207, %max3A_1215 : vector<256x128xf32>
    %max3A_1231 = arith.maximumf %max3A_1207, %max3A_1215 : vector<256x128xf32>
    %min3A_1232 = arith.minimumf %max3A_1209, %max3A_1217 : vector<256x128xf32>
    %max3A_1233 = arith.maximumf %max3A_1209, %max3A_1217 : vector<256x128xf32>
    %min3A_1234 = arith.minimumf %max3A_1211, %max3A_1219 : vector<256x128xf32>
    %max3A_1235 = arith.maximumf %max3A_1211, %max3A_1219 : vector<256x128xf32>
    %min3A_1236 = arith.minimumf %min3A_1220, %min3A_1224 : vector<256x128xf32>
    %max3A_1237 = arith.maximumf %min3A_1220, %min3A_1224 : vector<256x128xf32>
    %min3A_1238 = arith.minimumf %min3A_1222, %min3A_1226 : vector<256x128xf32>
    %max3A_1239 = arith.maximumf %min3A_1222, %min3A_1226 : vector<256x128xf32>
    %min3A_1240 = arith.minimumf %max3A_1221, %max3A_1225 : vector<256x128xf32>
    %max3A_1241 = arith.maximumf %max3A_1221, %max3A_1225 : vector<256x128xf32>
    %min3A_1242 = arith.minimumf %max3A_1223, %max3A_1227 : vector<256x128xf32>
    %max3A_1243 = arith.maximumf %max3A_1223, %max3A_1227 : vector<256x128xf32>
    %min3A_1244 = arith.minimumf %min3A_1228, %min3A_1232 : vector<256x128xf32>
    %max3A_1245 = arith.maximumf %min3A_1228, %min3A_1232 : vector<256x128xf32>
    %min3A_1246 = arith.minimumf %min3A_1230, %min3A_1234 : vector<256x128xf32>
    %max3A_1247 = arith.maximumf %min3A_1230, %min3A_1234 : vector<256x128xf32>
    %min3A_1248 = arith.minimumf %max3A_1229, %max3A_1233 : vector<256x128xf32>
    %max3A_1249 = arith.maximumf %max3A_1229, %max3A_1233 : vector<256x128xf32>
    %min3A_1250 = arith.minimumf %max3A_1231, %max3A_1235 : vector<256x128xf32>
    %max3A_1251 = arith.maximumf %max3A_1231, %max3A_1235 : vector<256x128xf32>
    %min3A_1252 = arith.minimumf %min3A_1236, %min3A_1238 : vector<256x128xf32>
    %max3A_1253 = arith.maximumf %min3A_1236, %min3A_1238 : vector<256x128xf32>
    %min3A_1254 = arith.minimumf %max3A_1237, %max3A_1239 : vector<256x128xf32>
    %max3A_1255 = arith.maximumf %max3A_1237, %max3A_1239 : vector<256x128xf32>
    %min3A_1256 = arith.minimumf %min3A_1240, %min3A_1242 : vector<256x128xf32>
    %max3A_1257 = arith.maximumf %min3A_1240, %min3A_1242 : vector<256x128xf32>
    %min3A_1258 = arith.minimumf %max3A_1241, %max3A_1243 : vector<256x128xf32>
    %max3A_1259 = arith.maximumf %max3A_1241, %max3A_1243 : vector<256x128xf32>
    %min3A_1260 = arith.minimumf %min3A_1244, %min3A_1246 : vector<256x128xf32>
    %max3A_1261 = arith.maximumf %min3A_1244, %min3A_1246 : vector<256x128xf32>
    %min3A_1262 = arith.minimumf %max3A_1245, %max3A_1247 : vector<256x128xf32>
    %max3A_1263 = arith.maximumf %max3A_1245, %max3A_1247 : vector<256x128xf32>
    %min3A_1264 = arith.minimumf %min3A_1248, %min3A_1250 : vector<256x128xf32>
    %max3A_1265 = arith.maximumf %min3A_1248, %min3A_1250 : vector<256x128xf32>
    %min3A_1266 = arith.minimumf %max3A_1249, %max3A_1251 : vector<256x128xf32>
    %max3A_1267 = arith.maximumf %max3A_1249, %max3A_1251 : vector<256x128xf32>
    %min3A_1268 = arith.minimumf %min3A_1260, %max3A_1079 : vector<256x128xf32>
    %min3A_1269 = arith.minimumf %max3A_1261, %max3A_1087 : vector<256x128xf32>
    %min3A_1270 = arith.minimumf %min3A_1262, %min3A_1086 : vector<256x128xf32>
    %min3A_1271 = arith.minimumf %max3A_1263, %max3A_1085 : vector<256x128xf32>
    %min3A_1272 = arith.minimumf %min3A_1264, %min3A_1084 : vector<256x128xf32>
    %min3A_1273 = arith.minimumf %max3A_1265, %max3A_1083 : vector<256x128xf32>
    %min3A_1274 = arith.minimumf %min3A_1266, %min3A_1082 : vector<256x128xf32>
    %min3A_1275 = arith.minimumf %max3A_1267, %min3A_1070 : vector<256x128xf32>
    %min3A_1276 = arith.minimumf %min3A_1252, %min3A_1268 : vector<256x128xf32>
    %max3A_1277 = arith.maximumf %min3A_1252, %min3A_1268 : vector<256x128xf32>
    %min3A_1278 = arith.minimumf %max3A_1253, %min3A_1269 : vector<256x128xf32>
    %max3A_1279 = arith.maximumf %max3A_1253, %min3A_1269 : vector<256x128xf32>
    %min3A_1280 = arith.minimumf %min3A_1254, %min3A_1270 : vector<256x128xf32>
    %max3A_1281 = arith.maximumf %min3A_1254, %min3A_1270 : vector<256x128xf32>
    %min3A_1282 = arith.minimumf %max3A_1255, %min3A_1271 : vector<256x128xf32>
    %max3A_1283 = arith.maximumf %max3A_1255, %min3A_1271 : vector<256x128xf32>
    %min3A_1284 = arith.minimumf %min3A_1256, %min3A_1272 : vector<256x128xf32>
    %max3A_1285 = arith.maximumf %min3A_1256, %min3A_1272 : vector<256x128xf32>
    %min3A_1286 = arith.minimumf %max3A_1257, %min3A_1273 : vector<256x128xf32>
    %max3A_1287 = arith.maximumf %max3A_1257, %min3A_1273 : vector<256x128xf32>
    %min3A_1288 = arith.minimumf %min3A_1258, %min3A_1274 : vector<256x128xf32>
    %max3A_1289 = arith.maximumf %min3A_1258, %min3A_1274 : vector<256x128xf32>
    %min3A_1290 = arith.minimumf %max3A_1259, %min3A_1275 : vector<256x128xf32>
    %max3A_1291 = arith.maximumf %max3A_1259, %min3A_1275 : vector<256x128xf32>
    %min3A_1292 = arith.minimumf %min3A_1276, %min3A_1284 : vector<256x128xf32>
    %max3A_1293 = arith.maximumf %min3A_1276, %min3A_1284 : vector<256x128xf32>
    %min3A_1294 = arith.minimumf %min3A_1278, %min3A_1286 : vector<256x128xf32>
    %max3A_1295 = arith.maximumf %min3A_1278, %min3A_1286 : vector<256x128xf32>
    %min3A_1296 = arith.minimumf %min3A_1280, %min3A_1288 : vector<256x128xf32>
    %max3A_1297 = arith.maximumf %min3A_1280, %min3A_1288 : vector<256x128xf32>
    %min3A_1298 = arith.minimumf %min3A_1282, %min3A_1290 : vector<256x128xf32>
    %max3A_1299 = arith.maximumf %min3A_1282, %min3A_1290 : vector<256x128xf32>
    %min3A_1300 = arith.minimumf %max3A_1277, %max3A_1285 : vector<256x128xf32>
    %max3A_1301 = arith.maximumf %max3A_1277, %max3A_1285 : vector<256x128xf32>
    %min3A_1302 = arith.minimumf %max3A_1279, %max3A_1287 : vector<256x128xf32>
    %max3A_1303 = arith.maximumf %max3A_1279, %max3A_1287 : vector<256x128xf32>
    %min3A_1304 = arith.minimumf %max3A_1281, %max3A_1289 : vector<256x128xf32>
    %max3A_1305 = arith.maximumf %max3A_1281, %max3A_1289 : vector<256x128xf32>
    %min3A_1306 = arith.minimumf %max3A_1283, %max3A_1291 : vector<256x128xf32>
    %max3A_1307 = arith.maximumf %max3A_1283, %max3A_1291 : vector<256x128xf32>
    %min3A_1308 = arith.minimumf %min3A_1292, %min3A_1296 : vector<256x128xf32>
    %max3A_1309 = arith.maximumf %min3A_1292, %min3A_1296 : vector<256x128xf32>
    %min3A_1310 = arith.minimumf %min3A_1294, %min3A_1298 : vector<256x128xf32>
    %max3A_1311 = arith.maximumf %min3A_1294, %min3A_1298 : vector<256x128xf32>
    %min3A_1312 = arith.minimumf %max3A_1293, %max3A_1297 : vector<256x128xf32>
    %max3A_1313 = arith.maximumf %max3A_1293, %max3A_1297 : vector<256x128xf32>
    %min3A_1314 = arith.minimumf %max3A_1295, %max3A_1299 : vector<256x128xf32>
    %max3A_1315 = arith.maximumf %max3A_1295, %max3A_1299 : vector<256x128xf32>
    %min3A_1316 = arith.minimumf %min3A_1300, %min3A_1304 : vector<256x128xf32>
    %max3A_1317 = arith.maximumf %min3A_1300, %min3A_1304 : vector<256x128xf32>
    %min3A_1318 = arith.minimumf %min3A_1302, %min3A_1306 : vector<256x128xf32>
    %max3A_1319 = arith.maximumf %min3A_1302, %min3A_1306 : vector<256x128xf32>
    %min3A_1320 = arith.minimumf %max3A_1301, %max3A_1305 : vector<256x128xf32>
    %max3A_1321 = arith.maximumf %max3A_1301, %max3A_1305 : vector<256x128xf32>
    %min3A_1322 = arith.minimumf %max3A_1303, %max3A_1307 : vector<256x128xf32>
    %max3A_1323 = arith.maximumf %max3A_1303, %max3A_1307 : vector<256x128xf32>
    %min3A_1324 = arith.minimumf %min3A_1308, %min3A_1310 : vector<256x128xf32>
    %max3A_1325 = arith.maximumf %min3A_1308, %min3A_1310 : vector<256x128xf32>
    %min3A_1326 = arith.minimumf %max3A_1309, %max3A_1311 : vector<256x128xf32>
    %max3A_1327 = arith.maximumf %max3A_1309, %max3A_1311 : vector<256x128xf32>
    %min3A_1328 = arith.minimumf %min3A_1312, %min3A_1314 : vector<256x128xf32>
    %max3A_1329 = arith.maximumf %min3A_1312, %min3A_1314 : vector<256x128xf32>
    %min3A_1330 = arith.minimumf %max3A_1313, %max3A_1315 : vector<256x128xf32>
    %max3A_1331 = arith.maximumf %max3A_1313, %max3A_1315 : vector<256x128xf32>
    %min3A_1332 = arith.minimumf %min3A_1316, %min3A_1318 : vector<256x128xf32>
    %max3A_1333 = arith.maximumf %min3A_1316, %min3A_1318 : vector<256x128xf32>
    %min3A_1334 = arith.minimumf %max3A_1317, %max3A_1319 : vector<256x128xf32>
    %max3A_1335 = arith.maximumf %max3A_1317, %max3A_1319 : vector<256x128xf32>
    %min3A_1336 = arith.minimumf %min3A_1320, %min3A_1322 : vector<256x128xf32>
    %max3A_1337 = arith.maximumf %min3A_1320, %min3A_1322 : vector<256x128xf32>
    %min3A_1338 = arith.minimumf %max3A_1321, %max3A_1323 : vector<256x128xf32>
    %max3A_1339 = arith.maximumf %max3A_1321, %max3A_1323 : vector<256x128xf32>
    %reduce_min3A = arith.constant dense<0x7F800000> : vector<256xf32>
    %reduce_min3A_1340 = vector.multi_reduction <minimumf>, %min3A_1324, %reduce_min3A [1] : vector<256x128xf32> to vector<256xf32>
    %broadcast_in_dim3A_1341 = vector.shape_cast %reduce_min3A_1340 : vector<256xf32> to vector<256x1xf32>
    %bitcast_convert_type3A_1342 = tpu.bitcast %broadcast_in_dim3A_1341 : vector<256x1xf32> -> vector<256x1xi32>
    %and3A_1343 = arith.constant 8191 : i32
    %and3A_1344 = vector.broadcast %and3A_1343 : i32 to vector<256x1xi32>
    %and3A_1345 = arith.andi %bitcast_convert_type3A_1342, %and3A_1344 : vector<256x1xi32>
    %eq3A_1346 = vector.broadcast %broadcast_in_dim3A_1341 : vector<256x1xf32> to vector<256x128xf32>
    %eq3A_1347 = arith.cmpf oeq, %min3A_1324, %eq3A_1346 : vector<256x128xf32>
    %select_n3A_1348 = arith.select %eq3A_1347, %max3A_1325, %min3A_1324 : vector<256x128xi1>, vector<256x128xf32>
    %select_n3A_1349 = arith.select %eq3A_1347, %min3A_1326, %max3A_1325 : vector<256x128xi1>, vector<256x128xf32>
    %select_n3A_1350 = arith.select %eq3A_1347, %max3A_1327, %min3A_1326 : vector<256x128xi1>, vector<256x128xf32>
    %select_n3A_1351 = arith.select %eq3A_1347, %min3A_1328, %max3A_1327 : vector<256x128xi1>, vector<256x128xf32>
    %select_n3A_1352 = arith.select %eq3A_1347, %max3A_1329, %min3A_1328 : vector<256x128xi1>, vector<256x128xf32>
    %select_n3A_1353 = arith.select %eq3A_1347, %min3A_1330, %max3A_1329 : vector<256x128xi1>, vector<256x128xf32>
    %select_n3A_1354 = arith.select %eq3A_1347, %max3A_1331, %min3A_1330 : vector<256x128xi1>, vector<256x128xf32>
    %select_n3A_1355 = arith.select %eq3A_1347, %min3A_1332, %max3A_1331 : vector<256x128xi1>, vector<256x128xf32>
    %select_n3A_1356 = arith.select %eq3A_1347, %max3A_1333, %min3A_1332 : vector<256x128xi1>, vector<256x128xf32>
    %select_n3A_1357 = arith.select %eq3A_1347, %min3A_1334, %max3A_1333 : vector<256x128xi1>, vector<256x128xf32>
    %select_n3A_1358 = arith.select %eq3A_1347, %max3A_1335, %min3A_1334 : vector<256x128xi1>, vector<256x128xf32>
    %select_n3A_1359 = arith.select %eq3A_1347, %min3A_1336, %max3A_1335 : vector<256x128xi1>, vector<256x128xf32>
    %select_n3A_1360 = arith.select %eq3A_1347, %max3A_1337, %min3A_1336 : vector<256x128xi1>, vector<256x128xf32>
    %select_n3A_1361 = arith.select %eq3A_1347, %min3A_1338, %max3A_1337 : vector<256x128xi1>, vector<256x128xf32>
    %select_n3A_1362 = arith.select %eq3A_1347, %max3A_1339, %min3A_1338 : vector<256x128xi1>, vector<256x128xf32>
    %reduce_min3A_1363 = arith.constant dense<0x7F800000> : vector<256xf32>
    %reduce_min3A_1364 = vector.multi_reduction <minimumf>, %select_n3A_1348, %reduce_min3A_1363 [1] : vector<256x128xf32> to vector<256xf32>
    %broadcast_in_dim3A_1365 = vector.shape_cast %reduce_min3A_1364 : vector<256xf32> to vector<256x1xf32>
    %bitcast_convert_type3A_1366 = tpu.bitcast %broadcast_in_dim3A_1365 : vector<256x1xf32> -> vector<256x1xi32>
    %and3A_1367 = arith.constant 8191 : i32
    %and3A_1368 = vector.broadcast %and3A_1367 : i32 to vector<256x1xi32>
    %and3A_1369 = arith.andi %bitcast_convert_type3A_1366, %and3A_1368 : vector<256x1xi32>
    %eq3A_1370 = vector.broadcast %broadcast_in_dim3A_1365 : vector<256x1xf32> to vector<256x128xf32>
    %eq3A_1371 = arith.cmpf oeq, %select_n3A_1348, %eq3A_1370 : vector<256x128xf32>
    %select_n3A_1372 = arith.select %eq3A_1371, %select_n3A_1349, %select_n3A_1348 : vector<256x128xi1>, vector<256x128xf32>
    %select_n3A_1373 = arith.select %eq3A_1371, %select_n3A_1350, %select_n3A_1349 : vector<256x128xi1>, vector<256x128xf32>
    %select_n3A_1374 = arith.select %eq3A_1371, %select_n3A_1351, %select_n3A_1350 : vector<256x128xi1>, vector<256x128xf32>
    %select_n3A_1375 = arith.select %eq3A_1371, %select_n3A_1352, %select_n3A_1351 : vector<256x128xi1>, vector<256x128xf32>
    %select_n3A_1376 = arith.select %eq3A_1371, %select_n3A_1353, %select_n3A_1352 : vector<256x128xi1>, vector<256x128xf32>
    %select_n3A_1377 = arith.select %eq3A_1371, %select_n3A_1354, %select_n3A_1353 : vector<256x128xi1>, vector<256x128xf32>
    %select_n3A_1378 = arith.select %eq3A_1371, %select_n3A_1355, %select_n3A_1354 : vector<256x128xi1>, vector<256x128xf32>
    %select_n3A_1379 = arith.select %eq3A_1371, %select_n3A_1356, %select_n3A_1355 : vector<256x128xi1>, vector<256x128xf32>
    %select_n3A_1380 = arith.select %eq3A_1371, %select_n3A_1357, %select_n3A_1356 : vector<256x128xi1>, vector<256x128xf32>
    %select_n3A_1381 = arith.select %eq3A_1371, %select_n3A_1358, %select_n3A_1357 : vector<256x128xi1>, vector<256x128xf32>
    %select_n3A_1382 = arith.select %eq3A_1371, %select_n3A_1359, %select_n3A_1358 : vector<256x128xi1>, vector<256x128xf32>
    %select_n3A_1383 = arith.select %eq3A_1371, %select_n3A_1360, %select_n3A_1359 : vector<256x128xi1>, vector<256x128xf32>
    %select_n3A_1384 = arith.select %eq3A_1371, %select_n3A_1361, %select_n3A_1360 : vector<256x128xi1>, vector<256x128xf32>
    %select_n3A_1385 = arith.select %eq3A_1371, %select_n3A_1362, %select_n3A_1361 : vector<256x128xi1>, vector<256x128xf32>
    %reduce_min3A_1386 = arith.constant dense<0x7F800000> : vector<256xf32>
    %reduce_min3A_1387 = vector.multi_reduction <minimumf>, %select_n3A_1372, %reduce_min3A_1386 [1] : vector<256x128xf32> to vector<256xf32>
    %broadcast_in_dim3A_1388 = vector.shape_cast %reduce_min3A_1387 : vector<256xf32> to vector<256x1xf32>
    %bitcast_convert_type3A_1389 = tpu.bitcast %broadcast_in_dim3A_1388 : vector<256x1xf32> -> vector<256x1xi32>
    %and3A_1390 = arith.constant 8191 : i32
    %and3A_1391 = vector.broadcast %and3A_1390 : i32 to vector<256x1xi32>
    %and3A_1392 = arith.andi %bitcast_convert_type3A_1389, %and3A_1391 : vector<256x1xi32>
    %eq3A_1393 = vector.broadcast %broadcast_in_dim3A_1388 : vector<256x1xf32> to vector<256x128xf32>
    %eq3A_1394 = arith.cmpf oeq, %select_n3A_1372, %eq3A_1393 : vector<256x128xf32>
    %select_n3A_1395 = arith.select %eq3A_1394, %select_n3A_1373, %select_n3A_1372 : vector<256x128xi1>, vector<256x128xf32>
    %select_n3A_1396 = arith.select %eq3A_1394, %select_n3A_1374, %select_n3A_1373 : vector<256x128xi1>, vector<256x128xf32>
    %select_n3A_1397 = arith.select %eq3A_1394, %select_n3A_1375, %select_n3A_1374 : vector<256x128xi1>, vector<256x128xf32>
    %select_n3A_1398 = arith.select %eq3A_1394, %select_n3A_1376, %select_n3A_1375 : vector<256x128xi1>, vector<256x128xf32>
    %select_n3A_1399 = arith.select %eq3A_1394, %select_n3A_1377, %select_n3A_1376 : vector<256x128xi1>, vector<256x128xf32>
    %select_n3A_1400 = arith.select %eq3A_1394, %select_n3A_1378, %select_n3A_1377 : vector<256x128xi1>, vector<256x128xf32>
    %select_n3A_1401 = arith.select %eq3A_1394, %select_n3A_1379, %select_n3A_1378 : vector<256x128xi1>, vector<256x128xf32>
    %select_n3A_1402 = arith.select %eq3A_1394, %select_n3A_1380, %select_n3A_1379 : vector<256x128xi1>, vector<256x128xf32>
    %select_n3A_1403 = arith.select %eq3A_1394, %select_n3A_1381, %select_n3A_1380 : vector<256x128xi1>, vector<256x128xf32>
    %select_n3A_1404 = arith.select %eq3A_1394, %select_n3A_1382, %select_n3A_1381 : vector<256x128xi1>, vector<256x128xf32>
    %select_n3A_1405 = arith.select %eq3A_1394, %select_n3A_1383, %select_n3A_1382 : vector<256x128xi1>, vector<256x128xf32>
    %select_n3A_1406 = arith.select %eq3A_1394, %select_n3A_1384, %select_n3A_1383 : vector<256x128xi1>, vector<256x128xf32>
    %select_n3A_1407 = arith.select %eq3A_1394, %select_n3A_1385, %select_n3A_1384 : vector<256x128xi1>, vector<256x128xf32>
    %reduce_min3A_1408 = arith.constant dense<0x7F800000> : vector<256xf32>
    %reduce_min3A_1409 = vector.multi_reduction <minimumf>, %select_n3A_1395, %reduce_min3A_1408 [1] : vector<256x128xf32> to vector<256xf32>
    %broadcast_in_dim3A_1410 = vector.shape_cast %reduce_min3A_1409 : vector<256xf32> to vector<256x1xf32>
    %bitcast_convert_type3A_1411 = tpu.bitcast %broadcast_in_dim3A_1410 : vector<256x1xf32> -> vector<256x1xi32>
    %and3A_1412 = arith.constant 8191 : i32
    %and3A_1413 = vector.broadcast %and3A_1412 : i32 to vector<256x1xi32>
    %and3A_1414 = arith.andi %bitcast_convert_type3A_1411, %and3A_1413 : vector<256x1xi32>
    %eq3A_1415 = vector.broadcast %broadcast_in_dim3A_1410 : vector<256x1xf32> to vector<256x128xf32>
    %eq3A_1416 = arith.cmpf oeq, %select_n3A_1395, %eq3A_1415 : vector<256x128xf32>
    %select_n3A_1417 = arith.select %eq3A_1416, %select_n3A_1396, %select_n3A_1395 : vector<256x128xi1>, vector<256x128xf32>
    %select_n3A_1418 = arith.select %eq3A_1416, %select_n3A_1397, %select_n3A_1396 : vector<256x128xi1>, vector<256x128xf32>
    %select_n3A_1419 = arith.select %eq3A_1416, %select_n3A_1398, %select_n3A_1397 : vector<256x128xi1>, vector<256x128xf32>
    %select_n3A_1420 = arith.select %eq3A_1416, %select_n3A_1399, %select_n3A_1398 : vector<256x128xi1>, vector<256x128xf32>
    %select_n3A_1421 = arith.select %eq3A_1416, %select_n3A_1400, %select_n3A_1399 : vector<256x128xi1>, vector<256x128xf32>
    %select_n3A_1422 = arith.select %eq3A_1416, %select_n3A_1401, %select_n3A_1400 : vector<256x128xi1>, vector<256x128xf32>
    %select_n3A_1423 = arith.select %eq3A_1416, %select_n3A_1402, %select_n3A_1401 : vector<256x128xi1>, vector<256x128xf32>
    %select_n3A_1424 = arith.select %eq3A_1416, %select_n3A_1403, %select_n3A_1402 : vector<256x128xi1>, vector<256x128xf32>
    %select_n3A_1425 = arith.select %eq3A_1416, %select_n3A_1404, %select_n3A_1403 : vector<256x128xi1>, vector<256x128xf32>
    %select_n3A_1426 = arith.select %eq3A_1416, %select_n3A_1405, %select_n3A_1404 : vector<256x128xi1>, vector<256x128xf32>
    %select_n3A_1427 = arith.select %eq3A_1416, %select_n3A_1406, %select_n3A_1405 : vector<256x128xi1>, vector<256x128xf32>
    %select_n3A_1428 = arith.select %eq3A_1416, %select_n3A_1407, %select_n3A_1406 : vector<256x128xi1>, vector<256x128xf32>
    %reduce_min3A_1429 = arith.constant dense<0x7F800000> : vector<256xf32>
    %reduce_min3A_1430 = vector.multi_reduction <minimumf>, %select_n3A_1417, %reduce_min3A_1429 [1] : vector<256x128xf32> to vector<256xf32>
    %broadcast_in_dim3A_1431 = vector.shape_cast %reduce_min3A_1430 : vector<256xf32> to vector<256x1xf32>
    %bitcast_convert_type3A_1432 = tpu.bitcast %broadcast_in_dim3A_1431 : vector<256x1xf32> -> vector<256x1xi32>
    %and3A_1433 = arith.constant 8191 : i32
    %and3A_1434 = vector.broadcast %and3A_1433 : i32 to vector<256x1xi32>
    %and3A_1435 = arith.andi %bitcast_convert_type3A_1432, %and3A_1434 : vector<256x1xi32>
    %eq3A_1436 = vector.broadcast %broadcast_in_dim3A_1431 : vector<256x1xf32> to vector<256x128xf32>
    %eq3A_1437 = arith.cmpf oeq, %select_n3A_1417, %eq3A_1436 : vector<256x128xf32>
    %select_n3A_1438 = arith.select %eq3A_1437, %select_n3A_1418, %select_n3A_1417 : vector<256x128xi1>, vector<256x128xf32>
    %select_n3A_1439 = arith.select %eq3A_1437, %select_n3A_1419, %select_n3A_1418 : vector<256x128xi1>, vector<256x128xf32>
    %select_n3A_1440 = arith.select %eq3A_1437, %select_n3A_1420, %select_n3A_1419 : vector<256x128xi1>, vector<256x128xf32>
    %select_n3A_1441 = arith.select %eq3A_1437, %select_n3A_1421, %select_n3A_1420 : vector<256x128xi1>, vector<256x128xf32>
    %select_n3A_1442 = arith.select %eq3A_1437, %select_n3A_1422, %select_n3A_1421 : vector<256x128xi1>, vector<256x128xf32>
    %select_n3A_1443 = arith.select %eq3A_1437, %select_n3A_1423, %select_n3A_1422 : vector<256x128xi1>, vector<256x128xf32>
    %select_n3A_1444 = arith.select %eq3A_1437, %select_n3A_1424, %select_n3A_1423 : vector<256x128xi1>, vector<256x128xf32>
    %select_n3A_1445 = arith.select %eq3A_1437, %select_n3A_1425, %select_n3A_1424 : vector<256x128xi1>, vector<256x128xf32>
    %select_n3A_1446 = arith.select %eq3A_1437, %select_n3A_1426, %select_n3A_1425 : vector<256x128xi1>, vector<256x128xf32>
    %select_n3A_1447 = arith.select %eq3A_1437, %select_n3A_1427, %select_n3A_1426 : vector<256x128xi1>, vector<256x128xf32>
    %select_n3A_1448 = arith.select %eq3A_1437, %select_n3A_1428, %select_n3A_1427 : vector<256x128xi1>, vector<256x128xf32>
    %reduce_min3A_1449 = arith.constant dense<0x7F800000> : vector<256xf32>
    %reduce_min3A_1450 = vector.multi_reduction <minimumf>, %select_n3A_1438, %reduce_min3A_1449 [1] : vector<256x128xf32> to vector<256xf32>
    %broadcast_in_dim3A_1451 = vector.shape_cast %reduce_min3A_1450 : vector<256xf32> to vector<256x1xf32>
    %bitcast_convert_type3A_1452 = tpu.bitcast %broadcast_in_dim3A_1451 : vector<256x1xf32> -> vector<256x1xi32>
    %and3A_1453 = arith.constant 8191 : i32
    %and3A_1454 = vector.broadcast %and3A_1453 : i32 to vector<256x1xi32>
    %and3A_1455 = arith.andi %bitcast_convert_type3A_1452, %and3A_1454 : vector<256x1xi32>
    %eq3A_1456 = vector.broadcast %broadcast_in_dim3A_1451 : vector<256x1xf32> to vector<256x128xf32>
    %eq3A_1457 = arith.cmpf oeq, %select_n3A_1438, %eq3A_1456 : vector<256x128xf32>
    %select_n3A_1458 = arith.select %eq3A_1457, %select_n3A_1439, %select_n3A_1438 : vector<256x128xi1>, vector<256x128xf32>
    %select_n3A_1459 = arith.select %eq3A_1457, %select_n3A_1440, %select_n3A_1439 : vector<256x128xi1>, vector<256x128xf32>
    %select_n3A_1460 = arith.select %eq3A_1457, %select_n3A_1441, %select_n3A_1440 : vector<256x128xi1>, vector<256x128xf32>
    %select_n3A_1461 = arith.select %eq3A_1457, %select_n3A_1442, %select_n3A_1441 : vector<256x128xi1>, vector<256x128xf32>
    %select_n3A_1462 = arith.select %eq3A_1457, %select_n3A_1443, %select_n3A_1442 : vector<256x128xi1>, vector<256x128xf32>
    %select_n3A_1463 = arith.select %eq3A_1457, %select_n3A_1444, %select_n3A_1443 : vector<256x128xi1>, vector<256x128xf32>
    %select_n3A_1464 = arith.select %eq3A_1457, %select_n3A_1445, %select_n3A_1444 : vector<256x128xi1>, vector<256x128xf32>
    %select_n3A_1465 = arith.select %eq3A_1457, %select_n3A_1446, %select_n3A_1445 : vector<256x128xi1>, vector<256x128xf32>
    %select_n3A_1466 = arith.select %eq3A_1457, %select_n3A_1447, %select_n3A_1446 : vector<256x128xi1>, vector<256x128xf32>
    %select_n3A_1467 = arith.select %eq3A_1457, %select_n3A_1448, %select_n3A_1447 : vector<256x128xi1>, vector<256x128xf32>
    %reduce_min3A_1468 = arith.constant dense<0x7F800000> : vector<256xf32>
    %reduce_min3A_1469 = vector.multi_reduction <minimumf>, %select_n3A_1458, %reduce_min3A_1468 [1] : vector<256x128xf32> to vector<256xf32>
    %broadcast_in_dim3A_1470 = vector.shape_cast %reduce_min3A_1469 : vector<256xf32> to vector<256x1xf32>
    %bitcast_convert_type3A_1471 = tpu.bitcast %broadcast_in_dim3A_1470 : vector<256x1xf32> -> vector<256x1xi32>
    %and3A_1472 = arith.constant 8191 : i32
    %and3A_1473 = vector.broadcast %and3A_1472 : i32 to vector<256x1xi32>
    %and3A_1474 = arith.andi %bitcast_convert_type3A_1471, %and3A_1473 : vector<256x1xi32>
    %eq3A_1475 = vector.broadcast %broadcast_in_dim3A_1470 : vector<256x1xf32> to vector<256x128xf32>
    %eq3A_1476 = arith.cmpf oeq, %select_n3A_1458, %eq3A_1475 : vector<256x128xf32>
    %select_n3A_1477 = arith.select %eq3A_1476, %select_n3A_1459, %select_n3A_1458 : vector<256x128xi1>, vector<256x128xf32>
    %select_n3A_1478 = arith.select %eq3A_1476, %select_n3A_1460, %select_n3A_1459 : vector<256x128xi1>, vector<256x128xf32>
    %select_n3A_1479 = arith.select %eq3A_1476, %select_n3A_1461, %select_n3A_1460 : vector<256x128xi1>, vector<256x128xf32>
    %select_n3A_1480 = arith.select %eq3A_1476, %select_n3A_1462, %select_n3A_1461 : vector<256x128xi1>, vector<256x128xf32>
    %select_n3A_1481 = arith.select %eq3A_1476, %select_n3A_1463, %select_n3A_1462 : vector<256x128xi1>, vector<256x128xf32>
    %select_n3A_1482 = arith.select %eq3A_1476, %select_n3A_1464, %select_n3A_1463 : vector<256x128xi1>, vector<256x128xf32>
    %select_n3A_1483 = arith.select %eq3A_1476, %select_n3A_1465, %select_n3A_1464 : vector<256x128xi1>, vector<256x128xf32>
    %select_n3A_1484 = arith.select %eq3A_1476, %select_n3A_1466, %select_n3A_1465 : vector<256x128xi1>, vector<256x128xf32>
    %select_n3A_1485 = arith.select %eq3A_1476, %select_n3A_1467, %select_n3A_1466 : vector<256x128xi1>, vector<256x128xf32>
    %reduce_min3A_1486 = arith.constant dense<0x7F800000> : vector<256xf32>
    %reduce_min3A_1487 = vector.multi_reduction <minimumf>, %select_n3A_1477, %reduce_min3A_1486 [1] : vector<256x128xf32> to vector<256xf32>
    %broadcast_in_dim3A_1488 = vector.shape_cast %reduce_min3A_1487 : vector<256xf32> to vector<256x1xf32>
    %bitcast_convert_type3A_1489 = tpu.bitcast %broadcast_in_dim3A_1488 : vector<256x1xf32> -> vector<256x1xi32>
    %and3A_1490 = arith.constant 8191 : i32
    %and3A_1491 = vector.broadcast %and3A_1490 : i32 to vector<256x1xi32>
    %and3A_1492 = arith.andi %bitcast_convert_type3A_1489, %and3A_1491 : vector<256x1xi32>
    %eq3A_1493 = vector.broadcast %broadcast_in_dim3A_1488 : vector<256x1xf32> to vector<256x128xf32>
    %eq3A_1494 = arith.cmpf oeq, %select_n3A_1477, %eq3A_1493 : vector<256x128xf32>
    %select_n3A_1495 = arith.select %eq3A_1494, %select_n3A_1478, %select_n3A_1477 : vector<256x128xi1>, vector<256x128xf32>
    %select_n3A_1496 = arith.select %eq3A_1494, %select_n3A_1479, %select_n3A_1478 : vector<256x128xi1>, vector<256x128xf32>
    %select_n3A_1497 = arith.select %eq3A_1494, %select_n3A_1480, %select_n3A_1479 : vector<256x128xi1>, vector<256x128xf32>
    %select_n3A_1498 = arith.select %eq3A_1494, %select_n3A_1481, %select_n3A_1480 : vector<256x128xi1>, vector<256x128xf32>
    %select_n3A_1499 = arith.select %eq3A_1494, %select_n3A_1482, %select_n3A_1481 : vector<256x128xi1>, vector<256x128xf32>
    %select_n3A_1500 = arith.select %eq3A_1494, %select_n3A_1483, %select_n3A_1482 : vector<256x128xi1>, vector<256x128xf32>
    %select_n3A_1501 = arith.select %eq3A_1494, %select_n3A_1484, %select_n3A_1483 : vector<256x128xi1>, vector<256x128xf32>
    %select_n3A_1502 = arith.select %eq3A_1494, %select_n3A_1485, %select_n3A_1484 : vector<256x128xi1>, vector<256x128xf32>
    %reduce_min3A_1503 = arith.constant dense<0x7F800000> : vector<256xf32>
    %reduce_min3A_1504 = vector.multi_reduction <minimumf>, %select_n3A_1495, %reduce_min3A_1503 [1] : vector<256x128xf32> to vector<256xf32>
    %broadcast_in_dim3A_1505 = vector.shape_cast %reduce_min3A_1504 : vector<256xf32> to vector<256x1xf32>
    %bitcast_convert_type3A_1506 = tpu.bitcast %broadcast_in_dim3A_1505 : vector<256x1xf32> -> vector<256x1xi32>
    %and3A_1507 = arith.constant 8191 : i32
    %and3A_1508 = vector.broadcast %and3A_1507 : i32 to vector<256x1xi32>
    %and3A_1509 = arith.andi %bitcast_convert_type3A_1506, %and3A_1508 : vector<256x1xi32>
    %eq3A_1510 = vector.broadcast %broadcast_in_dim3A_1505 : vector<256x1xf32> to vector<256x128xf32>
    %eq3A_1511 = arith.cmpf oeq, %select_n3A_1495, %eq3A_1510 : vector<256x128xf32>
    %select_n3A_1512 = arith.select %eq3A_1511, %select_n3A_1496, %select_n3A_1495 : vector<256x128xi1>, vector<256x128xf32>
    %select_n3A_1513 = arith.select %eq3A_1511, %select_n3A_1497, %select_n3A_1496 : vector<256x128xi1>, vector<256x128xf32>
    %select_n3A_1514 = arith.select %eq3A_1511, %select_n3A_1498, %select_n3A_1497 : vector<256x128xi1>, vector<256x128xf32>
    %select_n3A_1515 = arith.select %eq3A_1511, %select_n3A_1499, %select_n3A_1498 : vector<256x128xi1>, vector<256x128xf32>
    %select_n3A_1516 = arith.select %eq3A_1511, %select_n3A_1500, %select_n3A_1499 : vector<256x128xi1>, vector<256x128xf32>
    %select_n3A_1517 = arith.select %eq3A_1511, %select_n3A_1501, %select_n3A_1500 : vector<256x128xi1>, vector<256x128xf32>
    %select_n3A_1518 = arith.select %eq3A_1511, %select_n3A_1502, %select_n3A_1501 : vector<256x128xi1>, vector<256x128xf32>
    %reduce_min3A_1519 = arith.constant dense<0x7F800000> : vector<256xf32>
    %reduce_min3A_1520 = vector.multi_reduction <minimumf>, %select_n3A_1512, %reduce_min3A_1519 [1] : vector<256x128xf32> to vector<256xf32>
    %broadcast_in_dim3A_1521 = vector.shape_cast %reduce_min3A_1520 : vector<256xf32> to vector<256x1xf32>
    %bitcast_convert_type3A_1522 = tpu.bitcast %broadcast_in_dim3A_1521 : vector<256x1xf32> -> vector<256x1xi32>
    %and3A_1523 = arith.constant 8191 : i32
    %and3A_1524 = vector.broadcast %and3A_1523 : i32 to vector<256x1xi32>
    %and3A_1525 = arith.andi %bitcast_convert_type3A_1522, %and3A_1524 : vector<256x1xi32>
    %eq3A_1526 = vector.broadcast %broadcast_in_dim3A_1521 : vector<256x1xf32> to vector<256x128xf32>
    %eq3A_1527 = arith.cmpf oeq, %select_n3A_1512, %eq3A_1526 : vector<256x128xf32>
    %select_n3A_1528 = arith.select %eq3A_1527, %select_n3A_1513, %select_n3A_1512 : vector<256x128xi1>, vector<256x128xf32>
    %select_n3A_1529 = arith.select %eq3A_1527, %select_n3A_1514, %select_n3A_1513 : vector<256x128xi1>, vector<256x128xf32>
    %select_n3A_1530 = arith.select %eq3A_1527, %select_n3A_1515, %select_n3A_1514 : vector<256x128xi1>, vector<256x128xf32>
    %select_n3A_1531 = arith.select %eq3A_1527, %select_n3A_1516, %select_n3A_1515 : vector<256x128xi1>, vector<256x128xf32>
    %select_n3A_1532 = arith.select %eq3A_1527, %select_n3A_1517, %select_n3A_1516 : vector<256x128xi1>, vector<256x128xf32>
    %select_n3A_1533 = arith.select %eq3A_1527, %select_n3A_1518, %select_n3A_1517 : vector<256x128xi1>, vector<256x128xf32>
    %reduce_min3A_1534 = arith.constant dense<0x7F800000> : vector<256xf32>
    %reduce_min3A_1535 = vector.multi_reduction <minimumf>, %select_n3A_1528, %reduce_min3A_1534 [1] : vector<256x128xf32> to vector<256xf32>
    %broadcast_in_dim3A_1536 = vector.shape_cast %reduce_min3A_1535 : vector<256xf32> to vector<256x1xf32>
    %bitcast_convert_type3A_1537 = tpu.bitcast %broadcast_in_dim3A_1536 : vector<256x1xf32> -> vector<256x1xi32>
    %and3A_1538 = arith.constant 8191 : i32
    %and3A_1539 = vector.broadcast %and3A_1538 : i32 to vector<256x1xi32>
    %and3A_1540 = arith.andi %bitcast_convert_type3A_1537, %and3A_1539 : vector<256x1xi32>
    %eq3A_1541 = vector.broadcast %broadcast_in_dim3A_1536 : vector<256x1xf32> to vector<256x128xf32>
    %eq3A_1542 = arith.cmpf oeq, %select_n3A_1528, %eq3A_1541 : vector<256x128xf32>
    %select_n3A_1543 = arith.select %eq3A_1542, %select_n3A_1529, %select_n3A_1528 : vector<256x128xi1>, vector<256x128xf32>
    %select_n3A_1544 = arith.select %eq3A_1542, %select_n3A_1530, %select_n3A_1529 : vector<256x128xi1>, vector<256x128xf32>
    %select_n3A_1545 = arith.select %eq3A_1542, %select_n3A_1531, %select_n3A_1530 : vector<256x128xi1>, vector<256x128xf32>
    %select_n3A_1546 = arith.select %eq3A_1542, %select_n3A_1532, %select_n3A_1531 : vector<256x128xi1>, vector<256x128xf32>
    %select_n3A_1547 = arith.select %eq3A_1542, %select_n3A_1533, %select_n3A_1532 : vector<256x128xi1>, vector<256x128xf32>
    %reduce_min3A_1548 = arith.constant dense<0x7F800000> : vector<256xf32>
    %reduce_min3A_1549 = vector.multi_reduction <minimumf>, %select_n3A_1543, %reduce_min3A_1548 [1] : vector<256x128xf32> to vector<256xf32>
    %broadcast_in_dim3A_1550 = vector.shape_cast %reduce_min3A_1549 : vector<256xf32> to vector<256x1xf32>
    %bitcast_convert_type3A_1551 = tpu.bitcast %broadcast_in_dim3A_1550 : vector<256x1xf32> -> vector<256x1xi32>
    %and3A_1552 = arith.constant 8191 : i32
    %and3A_1553 = vector.broadcast %and3A_1552 : i32 to vector<256x1xi32>
    %and3A_1554 = arith.andi %bitcast_convert_type3A_1551, %and3A_1553 : vector<256x1xi32>
    %eq3A_1555 = vector.broadcast %broadcast_in_dim3A_1550 : vector<256x1xf32> to vector<256x128xf32>
    %eq3A_1556 = arith.cmpf oeq, %select_n3A_1543, %eq3A_1555 : vector<256x128xf32>
    %select_n3A_1557 = arith.select %eq3A_1556, %select_n3A_1544, %select_n3A_1543 : vector<256x128xi1>, vector<256x128xf32>
    %select_n3A_1558 = arith.select %eq3A_1556, %select_n3A_1545, %select_n3A_1544 : vector<256x128xi1>, vector<256x128xf32>
    %select_n3A_1559 = arith.select %eq3A_1556, %select_n3A_1546, %select_n3A_1545 : vector<256x128xi1>, vector<256x128xf32>
    %select_n3A_1560 = arith.select %eq3A_1556, %select_n3A_1547, %select_n3A_1546 : vector<256x128xi1>, vector<256x128xf32>
    %reduce_min3A_1561 = arith.constant dense<0x7F800000> : vector<256xf32>
    %reduce_min3A_1562 = vector.multi_reduction <minimumf>, %select_n3A_1557, %reduce_min3A_1561 [1] : vector<256x128xf32> to vector<256xf32>
    %broadcast_in_dim3A_1563 = vector.shape_cast %reduce_min3A_1562 : vector<256xf32> to vector<256x1xf32>
    %bitcast_convert_type3A_1564 = tpu.bitcast %broadcast_in_dim3A_1563 : vector<256x1xf32> -> vector<256x1xi32>
    %and3A_1565 = arith.constant 8191 : i32
    %and3A_1566 = vector.broadcast %and3A_1565 : i32 to vector<256x1xi32>
    %and3A_1567 = arith.andi %bitcast_convert_type3A_1564, %and3A_1566 : vector<256x1xi32>
    %eq3A_1568 = vector.broadcast %broadcast_in_dim3A_1563 : vector<256x1xf32> to vector<256x128xf32>
    %eq3A_1569 = arith.cmpf oeq, %select_n3A_1557, %eq3A_1568 : vector<256x128xf32>
    %select_n3A_1570 = arith.select %eq3A_1569, %select_n3A_1558, %select_n3A_1557 : vector<256x128xi1>, vector<256x128xf32>
    %select_n3A_1571 = arith.select %eq3A_1569, %select_n3A_1559, %select_n3A_1558 : vector<256x128xi1>, vector<256x128xf32>
    %select_n3A_1572 = arith.select %eq3A_1569, %select_n3A_1560, %select_n3A_1559 : vector<256x128xi1>, vector<256x128xf32>
    %reduce_min3A_1573 = arith.constant dense<0x7F800000> : vector<256xf32>
    %reduce_min3A_1574 = vector.multi_reduction <minimumf>, %select_n3A_1570, %reduce_min3A_1573 [1] : vector<256x128xf32> to vector<256xf32>
    %broadcast_in_dim3A_1575 = vector.shape_cast %reduce_min3A_1574 : vector<256xf32> to vector<256x1xf32>
    %bitcast_convert_type3A_1576 = tpu.bitcast %broadcast_in_dim3A_1575 : vector<256x1xf32> -> vector<256x1xi32>
    %and3A_1577 = arith.constant 8191 : i32
    %and3A_1578 = vector.broadcast %and3A_1577 : i32 to vector<256x1xi32>
    %and3A_1579 = arith.andi %bitcast_convert_type3A_1576, %and3A_1578 : vector<256x1xi32>
    %eq3A_1580 = vector.broadcast %broadcast_in_dim3A_1575 : vector<256x1xf32> to vector<256x128xf32>
    %eq3A_1581 = arith.cmpf oeq, %select_n3A_1570, %eq3A_1580 : vector<256x128xf32>
    %select_n3A_1582 = arith.select %eq3A_1581, %select_n3A_1571, %select_n3A_1570 : vector<256x128xi1>, vector<256x128xf32>
    %select_n3A_1583 = arith.select %eq3A_1581, %select_n3A_1572, %select_n3A_1571 : vector<256x128xi1>, vector<256x128xf32>
    %reduce_min3A_1584 = arith.constant dense<0x7F800000> : vector<256xf32>
    %reduce_min3A_1585 = vector.multi_reduction <minimumf>, %select_n3A_1582, %reduce_min3A_1584 [1] : vector<256x128xf32> to vector<256xf32>
    %broadcast_in_dim3A_1586 = vector.shape_cast %reduce_min3A_1585 : vector<256xf32> to vector<256x1xf32>
    %bitcast_convert_type3A_1587 = tpu.bitcast %broadcast_in_dim3A_1586 : vector<256x1xf32> -> vector<256x1xi32>
    %and3A_1588 = arith.constant 8191 : i32
    %and3A_1589 = vector.broadcast %and3A_1588 : i32 to vector<256x1xi32>
    %and3A_1590 = arith.andi %bitcast_convert_type3A_1587, %and3A_1589 : vector<256x1xi32>
    %eq3A_1591 = vector.broadcast %broadcast_in_dim3A_1586 : vector<256x1xf32> to vector<256x128xf32>
    %eq3A_1592 = arith.cmpf oeq, %select_n3A_1582, %eq3A_1591 : vector<256x128xf32>
    %select_n3A_1593 = arith.select %eq3A_1592, %select_n3A_1583, %select_n3A_1582 : vector<256x128xi1>, vector<256x128xf32>
    %reduce_min3A_1594 = arith.constant dense<0x7F800000> : vector<256xf32>
    %reduce_min3A_1595 = vector.multi_reduction <minimumf>, %select_n3A_1593, %reduce_min3A_1594 [1] : vector<256x128xf32> to vector<256xf32>
    %broadcast_in_dim3A_1596 = vector.shape_cast %reduce_min3A_1595 : vector<256xf32> to vector<256x1xf32>
    %bitcast_convert_type3A_1597 = tpu.bitcast %broadcast_in_dim3A_1596 : vector<256x1xf32> -> vector<256x1xi32>
    %and3A_1598 = arith.constant 8191 : i32
    %and3A_1599 = vector.broadcast %and3A_1598 : i32 to vector<256x1xi32>
    %and3A_1600 = arith.andi %bitcast_convert_type3A_1597, %and3A_1599 : vector<256x1xi32>
    %concatenate3A = tpu.concatenate %and3A_1345, %and3A_1369, %and3A_1392, %and3A_1414, %and3A_1435, %and3A_1455, %and3A_1474, %and3A_1492, %and3A_1509, %and3A_1525, %and3A_1540, %and3A_1554, %and3A_1567, %and3A_1579, %and3A_1590, %and3A_1600 in 1 : vector<256x1xi32>, vector<256x1xi32>, vector<256x1xi32>, vector<256x1xi32>, vector<256x1xi32>, vector<256x1xi32>, vector<256x1xi32>, vector<256x1xi32>, vector<256x1xi32>, vector<256x1xi32>, vector<256x1xi32>, vector<256x1xi32>, vector<256x1xi32>, vector<256x1xi32>, vector<256x1xi32>, vector<256x1xi32> -> vector<256x16xi32>
    %swap3A = arith.index_cast %mul3A_51 : i32 to index
    %swap3A_1601 = arith.constant 0 : index
    %swap3A_1602 = vector.load %arg5[%swap3A, %swap3A_1601] : memref<256x16xi32, #tpu.memory_space<vmem>>, vector<256x16xi32>
    tpu.vector_store %arg5[%swap3A, %swap3A_1601], %concatenate3A {strides = array<i32>} : memref<256x16xi32, #tpu.memory_space<vmem>>, vector<256x16xi32>,
    %scan3A_1603 = arith.constant 1 : i32
    return
  }
  func.func @transform_0(%arg0: i32) -> (i32, i32) {
    %c0_i32 = arith.constant 0 : i32
    %c0_i32_0 = arith.constant 0 : i32
    %c0_i32_1 = arith.constant 0 : i32
    return %c0_i32, %c0_i32_0 : i32, i32
  }
  func.func @transform_1(%arg0: i32) -> (i32, i32) {
    %c0_i32 = arith.constant 0 : i32
    %c0_i32_0 = arith.constant 0 : i32
    %c0_i32_1 = arith.constant 0 : i32
    return %c0_i32, %c0_i32_0 : i32, i32
  }
  func.func @transform_2(%arg0: i32) -> (i32, i32) {
    %c0_i32 = arith.constant 0 : i32
    %c0_i32_0 = arith.constant 0 : i32
    return %arg0, %c0_i32 : i32, i32
  }
  func.func @transform_3(%arg0: i32) -> (i32, i32) {
    %c0_i32 = arith.constant 0 : i32
    %c0_i32_0 = arith.constant 0 : i32
    %c0_i32_1 = arith.constant 0 : i32
    return %c0_i32, %c0_i32_0 : i32, i32
  }
  func.func @transform_4(%arg0: i32) -> (i32, i32) {
    %c0_i32 = arith.constant 0 : i32
    %c0_i32_0 = arith.constant 0 : i32
    return %arg0, %c0_i32 : i32, i32
  }
  func.func @transform_5(%arg0: i32) -> (i32, i32) {
    %c0_i32 = arith.constant 0 : i32
    %c0_i32_0 = arith.constant 0 : i32
    %c0_i32_1 = arith.constant 0 : i32
    return %c0_i32, %c0_i32_0 : i32, i32
  }
}

module attributes {stable_mosaic.version = 14 : i64} {
  func.func @_logsum_body(%arg0: memref<1x5120xf32, #tpu.memory_space<vmem>>, %arg1: memref<1x1xf32, #tpu.memory_space<smem>>) attributes {dimension_semantics = [], scalar_prefetch = 0 : i64, scratch_operands = 0 : i64, tpu.core_type = #tpu.core_type<tc>} {
    %get3A = arith.constant 0 : index
    %get3A_0 = arith.constant 0 : index
    %get3A_1 = vector.load %arg0[%get3A, %get3A_0] : memref<1x5120xf32, #tpu.memory_space<vmem>>, vector<1x5120xf32>
    %iota3A = tpu.iota {dimensions = array<i32: 1>} : vector<1x5120xi32>
    %lt3A = arith.constant 5000 : i32
    %lt3A_2 = vector.broadcast %lt3A : i32 to vector<1x5120xi32>
    %lt3A_3 = arith.cmpi slt, %iota3A, %lt3A_2 : vector<1x5120xi32>
    %ne3A = arith.constant 0.000000e+00 : f32
    %ne3A_4 = vector.broadcast %ne3A : f32 to vector<1x5120xf32>
    %ne3A_5 = arith.cmpf one, %get3A_1, %ne3A_4 : vector<1x5120xf32>
    %and3A = arith.andi %lt3A_3, %ne3A_5 : vector<1x5120xi1>
    %jit3A = arith.constant 1.000000e+00 : f32
    %broadcast_in_dim3A = vector.broadcast %jit3A : f32 to vector<1x5120xf32>
    %select_n3A = arith.select %and3A, %get3A_1, %broadcast_in_dim3A : vector<1x5120xi1>, vector<1x5120xf32>
    %log3A = math.log %select_n3A : vector<1x5120xf32>
    %jit3A_6 = arith.constant 0.000000e+00 : f32
    %broadcast_in_dim3A_7 = vector.broadcast %jit3A_6 : f32 to vector<1x5120xf32>
    %select_n3A_8 = arith.select %and3A, %log3A, %broadcast_in_dim3A_7 : vector<1x5120xi1>, vector<1x5120xf32>
    %reduce_sum3A = vector.shape_cast %select_n3A_8 : vector<1x5120xf32> to vector<1x1x5120xf32>
    %reduce_sum3A_9 = arith.constant dense<0.000000e+00> : vector<1xf32>
    %reduce_sum3A_10 = vector.multi_reduction <add>, %reduce_sum3A, %reduce_sum3A_9 [1, 2] : vector<1x1x5120xf32> to vector<1xf32>
    %reduce_sum3A_11 = vector.shape_cast %reduce_sum3A_10 : vector<1xf32> to vector<1x1x1xf32>
    %reduce_sum3A_12 = vector.extract %reduce_sum3A_11[0, 0, 0] : f32 from vector<1x1x1xf32>
    %neg3A = arith.constant 0.000000e+00 : f32
    %neg3A_13 = arith.subf %neg3A, %reduce_sum3A_12 : f32
    %swap3A = arith.constant 0 : index
    %swap3A_14 = arith.constant 0 : index
    %swap3A_15 = memref.load %arg1[%swap3A, %swap3A_14] : memref<1x1xf32, #tpu.memory_space<smem>>
    memref.store %neg3A_13, %arg1[%swap3A, %swap3A_14] : memref<1x1xf32, #tpu.memory_space<smem>>
    return
  }
}

</mosaic_0001>

<sc_bundles>
// kernel: kernel.5.cloned.1.call-start
scs
__scs_entry_jumppad:
0x0: {  	(pc) =	sbr.rel $0x88, $3  }
0x1: {  	(tag) =	ssettag $0x0;
	lr =	simm.s32 $0x1  }
0x2: {  	[smem:$0x3F9D] =	sst lr;
	_ =	strace $0xD0000000  }
0x3: {  	_ = 	snop  }
0x4: {  	_ = 	snop  }
0x5: {  	_ = 	snop  }
0x6: {  	_ = 	snop  }
0x7: {  	_ = 	snop  }
__scs_overlays_trampoline_lowered:
0x8: {  	[smem:$0x3FAC] =	sst s0  }
0x9: {  	[smem:$0x3FAD] =	sst s1  }
0xa: {  	[smem:$0x3FAE] =	sst s2  }
0xb: {  	[smem:$0x3FAF] =	sst s3  }
0xc: {  	[smem:$0x3FB0] =	sst s4  }
0xd: {  	[smem:$0x3FB1] =	sst s5  }
0xe: {  	[smem:$0x3FB2] =	sst s6  }
0xf: {  	[smem:$0x3FB3] =	sst s7  }
0x10: {  	[smem:$0x3FB4] =	sst s8  }
0x11: {  	[smem:$0x3FB5] =	sst s9;
	s0 =	simm.s32 @!p0 $0x0  }
0x12: {  	s1 =	sld [smem:$0x3F9B];
	s0 =	simm.s32 @p0 $0x1  }
0x13: {  	[smem:$0x3FB6] =	sst s0;
	s0 =	simm.s32 @!p1 $0x0  }
0x14: {  	s2 =	sld [smem:$0x3F9A];
	s0 =	simm.s32 @p1 $0x1  }
0x15: {  	[smem:$0x3FB7] =	sst s0;
	s0 =	simm.s32 @!p2 $0x0  }
0x16: {  	s3 =	sld [smem:$0x3FDB];
	s0 =	simm.s32 @p2 $0x1  }
0x17: {  	s4 =	simm.s32 $0x1BF5;
	[smem:$0x3FB9] =	sst s0  }
0x18: {  	s0 =	sld [smem:$0x3F9C];
	_ =	swait.ge [sflag:s4], $0x0  }
0x19: {  	s7 =	sld [smem:$0x3F9D]  }
0x1a: {  	s8 =	sadd.s32 $0xFFFFE003, lr  }
0x1b: {  	s9 =	sadd.s32 $0xFFFFFEF7, lr;
	s5 =	simm.s32 $0xFFFFFFFF;
	p2 =	slt.u32 s8, $0xFFFFF086  }
0x1c: {  	p1 =	slt.u32 s9, $0xF7A;
	s5 =	simm.s32 @!p2 $0x0  }
0x1d: {  	s5 =	simm.s32 @p1 $0x1;
	p0 =	seq.s32 s7, s2  }
0x1e: {  	s7 =	smul.u32 @!p0 $0xF7A, s2;
	p2 =	seq.s32 @!p0 s5, $0x0  }
0x1f: {  	s9 =	smul.u32 $0xF7A, s1;
	s8 =	simm.s32 @!p0 $0x1BF5;
	p2 =	por !p2, p0  }
0x20: {  	[sflag:s8] =	ssyncset.s32 @!p0 $0xFFFFF086;
	s6 =	sadd.s32 @!p0 s3, s7;
	s7 =	simm.s32 @!p0 $0x108  }
0x21: {  	s3 =	sadd.s32 s3, s9;
	s6 =	sadd.s32 @!p0 $0x88, s6;
	s7 =	simm.s32 @p2 $0x1082  }
0x22: {  	[simem:s7], [sflag:s8] =	dma.local @!p0 [hbm:s6], $0xF7A  }
0x23: {  	s9 =	sor.u32 $0xD0000000, s2;
	s6 =	simm.s32 $0x108;
	_ =	swait.ge @!p0 [sflag:s8], $0x0  }
0x24: {  	s3 =	sadd.s32 $0x88, s3;
	s6 =	simm.s32 @!p1 $0x1082;
	[sflag:s4] =	ssyncset.s32 $0xFFFFF086  }
0x25: {  	[simem:s6], [sflag:s4] =	dma.local [hbm:s3], $0xF7A  }
0x26: {  	[smem:$0x3F9D] =	sst s1;
	(tag) =	ssettag s2;
	_ =	strace s9  }
0x27: {  	s1 =	sld [smem:$0x3FAD]  }
0x28: {  	s2 =	sld [smem:$0x3FAE]  }
0x29: {  	s4 =	sld [smem:$0x3FB0]  }
0x2a: {  	p0 =	seq.s32 s5, $0x0;
	s5 =	sld [smem:$0x3FB1]  }
0x2b: {  	s6 =	sld [smem:$0x3FB2]  }
0x2c: {  	s7 =	sld [smem:$0x3FB3]  }
0x2d: {  	s3 =	simm.s32 $0x108;
	s8 =	sld [smem:$0x3FB4]  }
0x2e: {  	s3 =	simm.s32 @!p0 $0x1082;
	s9 =	sld [smem:$0x3FB5]  }
0x2f: {  	lr =	sadd.s32 s0, s3;
	s0 =	sld [smem:$0x3FAC]  }
0x30: {  	s3 =	sld [smem:$0x3FAF]  }
0x31: {  	[smem:$0x3FB8] =	sst s10  }
0x32: {  	s10 =	sld [smem:$0x3FB6];
	_ =	sdelay $0x3  }
0x33: {  	p0 =	seq.s32 s10, $0x1;
	s10 =	sld [smem:$0x3FB8];
	_ =	sdelay $0x3  }
0x34: {  	[smem:$0x3FB8] =	sst s10  }
0x35: {  	s10 =	sld [smem:$0x3FB7];
	_ =	sdelay $0x3  }
0x36: {  	p1 =	seq.s32 s10, $0x1;
	s10 =	sld [smem:$0x3FB8];
	_ =	sdelay $0x3  }
0x37: {  	[smem:$0x3FB8] =	sst s10  }
0x38: {  	s10 =	sld [smem:$0x3FB9]  }
0x39: {  	_ = 	snop;
	(pc) =	sbr.ind lr, $3  }
0x3a: {  	_ = 	snop  }
0x3b: {  	_ = 	snop  }
0x3c: {  	p2 =	seq.s32 s10, $0x1;
	s10 =	sld [smem:$0x3FB8]  }
0x3d: {  	_ =	shalt  }
0x3e: {  	_ =	shalt  }
0x3f: {  	_ =	shalt  }
0x40: {  	_ =	shalt  }
0x41: {  	_ =	shalt  }
0x42: {  	_ =	shalt  }
0x43: {  	_ =	shalt  }
0x44: {  	_ =	shalt  }
0x45: {  	_ =	shalt  }
0x46: {  	_ =	shalt  }
0x47: {  	_ =	shalt  }
0x48: {  	_ =	shalt  }
0x49: {  	_ =	shalt  }
0x4a: {  	_ =	shalt  }
0x4b: {  	_ =	shalt  }
0x4c: {  	_ =	shalt  }
0x4d: {  	_ =	shalt  }
0x4e: {  	_ =	shalt  }
0x4f: {  	_ =	shalt  }
0x50: {  	_ =	shalt  }
0x51: {  	_ =	shalt  }
0x52: {  	_ =	shalt  }
0x53: {  	_ =	shalt  }
0x54: {  	_ =	shalt  }
0x55: {  	_ =	shalt  }
0x56: {  	_ =	shalt  }
0x57: {  	_ =	shalt  }
0x58: {  	_ =	shalt  }
0x59: {  	_ =	shalt  }
0x5a: {  	_ =	shalt  }
0x5b: {  	_ =	shalt  }
0x5c: {  	_ =	shalt  }
0x5d: {  	_ =	shalt  }
0x5e: {  	_ =	shalt  }
0x5f: {  	_ =	shalt  }
0x60: {  	_ =	shalt  }
0x61: {  	_ =	shalt  }
0x62: {  	_ =	shalt  }
0x63: {  	_ =	shalt  }
0x64: {  	_ =	shalt  }
0x65: {  	_ =	shalt  }
0x66: {  	_ =	shalt  }
0x67: {  	_ =	shalt  }
0x68: {  	_ =	shalt  }
0x69: {  	_ =	shalt  }
0x6a: {  	_ =	shalt  }
0x6b: {  	_ =	shalt  }
0x6c: {  	_ =	shalt  }
0x6d: {  	_ =	shalt  }
0x6e: {  	_ =	shalt  }
0x6f: {  	_ =	shalt  }
0x70: {  	_ =	shalt  }
0x71: {  	_ =	shalt  }
0x72: {  	_ =	shalt  }
0x73: {  	_ =	shalt  }
0x74: {  	_ =	shalt  }
0x75: {  	_ =	shalt  }
0x76: {  	_ =	shalt  }
0x77: {  	_ =	shalt  }
0x78: {  	_ =	shalt  }
0x79: {  	_ =	shalt  }
0x7a: {  	_ =	shalt  }
0x7b: {  	_ =	shalt  }
0x7c: {  	_ =	shalt  }
0x7d: {  	_ =	shalt  }
0x7e: {  	_ =	shalt  }
0x7f: {  	_ =	shalt  }
0x80: {  	_ =	shalt  }
0x81: {  	_ =	shalt  }
0x82: {  	_ =	shalt  }
0x83: {  	_ =	shalt  }
0x84: {  	_ =	shalt  }
0x85: {  	_ =	shalt  }
0x86: {  	_ =	shalt  }
0x87: {  	_ =	shalt  }
.Lfunc_end0:
.L_simem_size_0:
called_computation_lowered:
.L_overlay_start_0:
0x88: {  	s2 =	sld [smem:$0x3FD9]  }
0x89: {  	s3 =	sld [smem:$0x3FFE];
	_ =	sdelay $0x1  }
0x8a: {  	s1 =	srdreg.scid  }
0x8b: {  	s0 =	sand.u32 $0x1, s1  }
0x8c: {  	s16 =	sshll.u32 s0, $0xA;
	s2 =	sadd.s32 s3, s2  }
0x8d: {  	s2 =	sadd.s32 s2, s16  }
0x8e: {  	[smem:$0x3FC4] =	sst s2  }
0x8f: {  	_ = 	snop  }
0x90: {  	(tm) =	ssettm $0x1  }
0x91: {  	s17 =	sld [smem:$0x3FFB];
	_ =	sdelay $0x3  }
0x92: {  	_ =	strace s17  }
0x93: {  	s2 =	sld [smem:$0x3FFC];
	_ =	sdelay $0x3  }
0x94: {  	_ =	strace s2  }
0x95: {  	s2 =	sld [smem:$0x3FFD];
	_ =	sdelay $0x3  }
0x96: {  	_ =	strace s2  }
0x97: {  	_ =	strace $0x8FFFFFFF  }
0x98: {  	s18 =	sld [smem:$0x3FDB];
	_ =	sdelay $0x1  }
0x99: {  	s19 =	simm.s32 $_scs_section_size  }
0x9a: {  	s4 =	simm.s32 $_size__tile_overlayer_lowered;
	s5 =	simm.s32 $_tile_overlayer_lowered  }
0x9b: {  	s22 =	simm.s32 $0x1BFF;
	s21 =	sshll.u32 s5, $0x1;
	s2 =	sadd.s32 s19, s18  }
0x9c: {  	s6 =	simm.s32 $0x0;
	s20 =	sshll.u32 s4, $0x1;
	s4 =	sadd.s32 s21, s2  }
0x9d: {  	[timem:s6], [sflag:s22] =	dma.local [hbm:s4], s20  }
0x9e: {  	_ =	swait.ge [sflag:s22], s20  }
0x9f: {  	s3 =	ssub.s32 $0x0, s20;
	[sflag:s22] =	ssyncset.done $0x0  }
0xa0: {  	[sflag:s22] =	ssyncadd.s32 s3;
	_ =	sdelay $0x1  }
0xa1: {  	s23 =	simm.s32 $0x1B8B  }
0xa2: {  	_ =	swait.ge [sflag:s23], $0x1  }
0xa3: {  	[sflag:s23] =	ssyncset.done $0x0  }
0xa4: {  	s25 =	simm.s32 $0x1B8E;
	s24 =	sld [smem:$0x3FFE];
	[sflag:s23] =	ssyncadd.s32 $0xFFFFFFFF  }
0xa5: {  	s26 =	simm.s32 $execute0_lowered;
	[smem:$0x3FD2] =	sst s25  }
0xa6: {  	s4 =	sshll.u32 s26, $0x1;
	_ =	strace $0x80000046;
	[dreg:$0x1] =	wrdreg $0xFFFFFFFF  }
0xa7: {  	s28 =	simm.s32 $_size_execute0_lowered;
	s2 =	sadd.s32 s2, s4;
	[dreg:$0x0] =	wrdreg $0x0  }
0xa8: {  	s4 =	sshll.u32 s28, $0x1;
	[dreg:$0x2] =	wrdreg s2  }
0xa9: {  	[dreg:$0x3] =	wrdreg s4  }
0xaa: {  	[dreg:$0x4] =	wrdreg $0xC0  }
0xab: {  	_ =	task [dreg:s6], $0x5FFFF  }
0xac: {  	[dreg:$0x1] =	wrdreg $0xFFFFFFFF  }
0xad: {  	[dreg:$0x0] =	wrdreg $0x60  }
0xae: {  	[dreg:$0x2] =	wrdreg s24  }
0xaf: {  	[dreg:$0x3] =	wrdreg $0x9  }
0xb0: {  	_ =	task.clear_ibuf [dreg:s6], $0x4FFFF;
	_ =	strace $0x90000046  }
0xb1: {  	s29 =	simm.s32 $0x9;
	_ =	strace $0x80000048  }
0xb2: {  	_ =	swait.ge [sflag:s29], $0x1  }
0xb3: {  	[sflag:s29] =	ssyncadd.s32 $0xFFFFFFFF  }
0xb4: {  	_ =	strace $0x90000048  }
0xb5: {  	_ =	sfence  }
0xb6: {  	s30 =	sld [smem:$0x0];
	_ =	sdelay $0x2  }
0xb7: {  	s31 =	sshll.u32 s1, $0xD;
	s1 =	sshrl.u32 s1, $0x2  }
0xb8: {  	s3 =	sand.u32 $0x4000, s31;
	s1 =	sadd.s32 s1, s30  }
0xb9: {  	s0 =	sor.u32 s3, s0;
	s1 =	sshll.u32 s1, $0x11  }
0xba: {  	s0 =	sor.u32 s1, s0  }
0xbb: {  	s0 =	sadd.s32 $0x8F2B, s0  }
0xbc: {  	[sflag:s0] =	ssyncadd.remote.s32 $0x1  }
0xbd: {  	_ =	sfence.sel $0xFFFF  }
0xbe: {  	[dreg:$0x0] =	wrdreg $0xFFFFFFFF;
	(pc) =	sbr.abs _section_cstart, $3  }
0xbf: {  	[dreg:$0x1] =	wrdreg $0xFFFFFFFF  }
0xc0: {  	_ =	task.clear_ibuf [dreg:s6], $0x2FFFF;
	_ =	strace $0x9FFFFFFF  }
0xc1: {  	(tm) =	ssettm $0x7FFFFFFF  }
tec
execute0_lowered:
.L_overlay_start_1:
0x0: {  	(tag) =	ssettag $0x1  }
0x1: {  	s0 =	srdreg.scid  }
0x2: {  	s2 =	stileid.u32;
	s1 =	rddreg [dreg:$0x0]  }
0x3: {  	s24 =	simm.s32 $0x1400;
	s25 =	simm.s32 $0x3200;
	s28 =	simm.s32 $0x1  }
0x4: {  	s30 =	simm.s32 $0x2;
	s0 =	sand.u32 $0x1, s0;
	s3 =	sshll.u32 s2, $0x1  }
0x5: {  	s31 =	simm.s32 $0x0;
	s2 =	simm.s32 $0x0;
	s3 =	sor.u32 s0, s3  }
0x6: {  	s5 =	sadd.s32 $0x1A00, s1;
	s26 =	sadd.s32 $0x1600, s1;
	s4 =	smul.u32 $0x28, s3  }
0x7: {  	[smem:$0x7FF] =	sst s2;
	s0 =	ssub.s32 $0x2, s0;
	s3 =	smul.u32 $0xA0, s3  }
0x8: {  	_ =	strace $0x80000047;
	[dreg:$0x2] =	wrdreg s5;
	s29 =	sshrl.u32 s0, $0x1  }
0x9: {  	[dreg:$0x3] =	wrdreg s26;
	s0 =	ssub.s32 s0, s29;
	s3 =	sshrl.u32 s3, $0x3  }
0xa: {  	s4 =	sadd.s32 s4, s1;
	s23 =	smax.u32 s0, $0x1;
	s1 =	sadd.s32 s3, s1  }
0xb: {  	s5 =	sadd.s32 $0x1000, s4;
	s6 =	sadd.s32 $0x1E00, s1;
	s7 =	sadd.s32 $0x2080, s1  }
0xc: {  	s8 =	sadd.s32 $0x2300, s1;
	s9 =	sadd.s32 $0x2580, s1;
	s10 =	sadd.s32 $0x2800, s1  }
0xd: {  	s11 =	sadd.s32 $0x2A80, s1;
	s12 =	sadd.s32 $0x2D00, s1;
	s13 =	sadd.s32 $0x2F80, s1  }
0xe: {  	s14 =	sadd.s32 $0x3200, s1;
	s15 =	sadd.s32 $0x3480, s1;
	s16 =	sadd.s32 $0x3700, s1  }
0xf: {  	v0 =	vlaneseq.u32;
	s17 =	sadd.s32 $0x3980, s1;
	s18 =	sadd.s32 $0x3C00, s1;
	s19 =	sadd.s32 $0x3E80, s1  }
0x10: {  	v0 =	vmul.u32 $0x2, v0;
	s20 =	sadd.s32 $0x4100, s1;
	s21 =	sadd.s32 $0x4380, s1;
	s22 =	sadd.s32 $0x4600, s1  }
.LBB2_1:
0x11: {  	s0 =	rddreg [dreg:$0x2]  }
0x12: {  	[tilespmem:s2], [sflag:$0x1] =	stream.linear.gather [hbm4b:s0+s2], $0x1400, $0x38;
	[tilespmem:$0x3480] =	vst v63  }
0x13: {  	s3 =	rddreg [dreg:$0x3]  }
0x14: {  	[tilespmem:s24], [sflag:$0x1] =	stream.linear.gather [hbm4b:s3+s2], $0x1400, $0x38;
	[tilespmem:$0x3480] =	vst v63  }
0x15: {  	_ = 	snop  }
0x16: {  	[tilespmem:s25], [sflag:$0x1] =	stream.linear.gather [hbm4b:s5+s2], $0x140, $0x38;
	[tilespmem:$0x3480] =	vst v63  }
0x17: {  	s4 =	simm.s32 $0x2800  }
0x18: {  	[tilespmem:s4], [sflag:$0x1] =	stream.linear.gather [hbm4b:s6+s2], $0xA0, $0x38;
	[tilespmem:$0x3480] =	vst v63  }
0x19: {  	s26 =	simm.s32 $0x28A0  }
0x1a: {  	[tilespmem:s26], [sflag:$0x1] =	stream.linear.gather [hbm4b:s7+s2], $0xA0, $0x38;
	[tilespmem:$0x3480] =	vst v63  }
0x1b: {  	s1 =	simm.s32 $0x2940  }
0x1c: {  	[tilespmem:s1], [sflag:$0x1] =	stream.linear.gather [hbm4b:s8+s2], $0xA0, $0x38;
	[tilespmem:$0x3480] =	vst v63  }
0x1d: {  	s3 =	simm.s32 $0x29E0  }
0x1e: {  	[tilespmem:s3], [sflag:$0x1] =	stream.linear.gather [hbm4b:s9+s2], $0xA0, $0x38;
	[tilespmem:$0x3480] =	vst v63  }
0x1f: {  	s4 =	simm.s32 $0x2A80  }
0x20: {  	[tilespmem:s4], [sflag:$0x1] =	stream.linear.gather [hbm4b:s10+s2], $0xA0, $0x38;
	[tilespmem:$0x3480] =	vst v63  }
0x21: {  	s26 =	simm.s32 $0x2B20  }
0x22: {  	[tilespmem:s26], [sflag:$0x1] =	stream.linear.gather [hbm4b:s11+s2], $0xA0, $0x38;
	[tilespmem:$0x3480] =	vst v63  }
0x23: {  	s1 =	simm.s32 $0x2BC0  }
0x24: {  	[tilespmem:s1], [sflag:$0x1] =	stream.linear.gather [hbm4b:s12+s2], $0xA0, $0x38;
	[tilespmem:$0x3480] =	vst v63  }
0x25: {  	s3 =	simm.s32 $0x2C60  }
0x26: {  	[tilespmem:s3], [sflag:$0x1] =	stream.linear.gather [hbm4b:s13+s2], $0xA0, $0x38;
	[tilespmem:$0x3480] =	vst v63  }
0x27: {  	s4 =	simm.s32 $0x2D00  }
0x28: {  	[tilespmem:s4], [sflag:$0x1] =	stream.linear.gather [hbm4b:s14+s2], $0xA0, $0x38;
	[tilespmem:$0x3480] =	vst v63  }
0x29: {  	s1 =	simm.s32 $0x2DA0  }
0x2a: {  	[tilespmem:s1], [sflag:$0x1] =	stream.linear.gather [hbm4b:s15+s2], $0xA0, $0x38;
	[tilespmem:$0x3480] =	vst v63  }
0x2b: {  	s26 =	simm.s32 $0x2E40  }
0x2c: {  	[tilespmem:s26], [sflag:$0x1] =	stream.linear.gather [hbm4b:s16+s2], $0xA0, $0x38;
	[tilespmem:$0x3480] =	vst v63  }
0x2d: {  	s3 =	simm.s32 $0x2EE0  }
0x2e: {  	[tilespmem:s3], [sflag:$0x1] =	stream.linear.gather [hbm4b:s17+s2], $0xA0, $0x38;
	[tilespmem:$0x3480] =	vst v63  }
0x2f: {  	s4 =	simm.s32 $0x2F80  }
0x30: {  	[tilespmem:s4], [sflag:$0x1] =	stream.linear.gather [hbm4b:s18+s2], $0xA0, $0x38;
	[tilespmem:$0x3480] =	vst v63  }
0x31: {  	s26 =	simm.s32 $0x3020  }
0x32: {  	[tilespmem:s26], [sflag:$0x1] =	stream.linear.gather [hbm4b:s19+s2], $0xA0, $0x38;
	[tilespmem:$0x3480] =	vst v63  }
0x33: {  	s3 =	simm.s32 $0x30C0  }
0x34: {  	[tilespmem:s3], [sflag:$0x1] =	stream.linear.gather [hbm4b:s20+s2], $0xA0, $0x38;
	[tilespmem:$0x3480] =	vst v63  }
0x35: {  	s4 =	simm.s32 $0x3160  }
0x36: {  	[tilespmem:s4], [sflag:$0x1] =	stream.linear.gather [hbm4b:s21+s2], $0xA0, $0x38;
	[tilespmem:$0x3480] =	vst v63  }
0x37: {  	_ =	swait.ge [sflag:s28], $0x1400  }
0x38: {  	[sflag:s28] =	ssyncset.done $0x0  }
0x39: {  	[sflag:s28] =	ssyncadd.s32 $0xFFFFEC00  }
0x3a: {  	_ =	swait.ge [sflag:s28], $0x1400  }
0x3b: {  	[sflag:s28] =	ssyncset.done $0x0  }
0x3c: {  	[sflag:s28] =	ssyncadd.s32 $0xFFFFEC00  }
0x3d: {  	_ =	swait.ge [sflag:s28], $0x140  }
0x3e: {  	[sflag:s28] =	ssyncset.done $0x0  }
0x3f: {  	[sflag:s28] =	ssyncadd.s32 $0xFFFFFEC0  }
0x40: {  	_ =	swait.ge [sflag:s28], $0xA0  }
0x41: {  	[sflag:s28] =	ssyncset.done $0x0  }
0x42: {  	[sflag:s28] =	ssyncadd.s32 $0xFFFFFF60  }
0x43: {  	_ =	swait.ge [sflag:s28], $0xA0  }
0x44: {  	[sflag:s28] =	ssyncset.done $0x0  }
0x45: {  	[sflag:s28] =	ssyncadd.s32 $0xFFFFFF60  }
0x46: {  	_ =	swait.ge [sflag:s28], $0xA0  }
0x47: {  	[sflag:s28] =	ssyncset.done $0x0  }
0x48: {  	[sflag:s28] =	ssyncadd.s32 $0xFFFFFF60  }
0x49: {  	_ =	swait.ge [sflag:s28], $0xA0  }
0x4a: {  	[sflag:s28] =	ssyncset.done $0x0  }
0x4b: {  	[sflag:s28] =	ssyncadd.s32 $0xFFFFFF60  }
0x4c: {  	_ =	swait.ge [sflag:s28], $0xA0  }
0x4d: {  	[sflag:s28] =	ssyncset.done $0x0  }
0x4e: {  	[sflag:s28] =	ssyncadd.s32 $0xFFFFFF60  }
0x4f: {  	_ =	swait.ge [sflag:s28], $0xA0  }
0x50: {  	[sflag:s28] =	ssyncset.done $0x0  }
0x51: {  	[sflag:s28] =	ssyncadd.s32 $0xFFFFFF60  }
0x52: {  	_ =	swait.ge [sflag:s28], $0xA0  }
0x53: {  	[sflag:s28] =	ssyncset.done $0x0  }
0x54: {  	[sflag:s28] =	ssyncadd.s32 $0xFFFFFF60  }
0x55: {  	_ =	swait.ge [sflag:s28], $0xA0  }
0x56: {  	[sflag:s28] =	ssyncset.done $0x0  }
0x57: {  	[sflag:s28] =	ssyncadd.s32 $0xFFFFFF60  }
0x58: {  	_ =	swait.ge [sflag:s28], $0xA0  }
0x59: {  	[sflag:s28] =	ssyncset.done $0x0  }
0x5a: {  	[sflag:s28] =	ssyncadd.s32 $0xFFFFFF60  }
0x5b: {  	_ =	swait.ge [sflag:s28], $0xA0  }
0x5c: {  	[sflag:s28] =	ssyncset.done $0x0  }
0x5d: {  	[sflag:s28] =	ssyncadd.s32 $0xFFFFFF60  }
0x5e: {  	_ =	swait.ge [sflag:s28], $0xA0  }
0x5f: {  	[sflag:s28] =	ssyncset.done $0x0  }
0x60: {  	[sflag:s28] =	ssyncadd.s32 $0xFFFFFF60  }
0x61: {  	_ =	swait.ge [sflag:s28], $0xA0  }
0x62: {  	[sflag:s28] =	ssyncset.done $0x0  }
0x63: {  	[sflag:s28] =	ssyncadd.s32 $0xFFFFFF60  }
0x64: {  	_ =	swait.ge [sflag:s28], $0xA0  }
0x65: {  	[sflag:s28] =	ssyncset.done $0x0  }
0x66: {  	[sflag:s28] =	ssyncadd.s32 $0xFFFFFF60  }
0x67: {  	_ =	swait.ge [sflag:s28], $0xA0  }
0x68: {  	[sflag:s28] =	ssyncset.done $0x0  }
0x69: {  	[sflag:s28] =	ssyncadd.s32 $0xFFFFFF60  }
0x6a: {  	_ =	swait.ge [sflag:s28], $0xA0  }
0x6b: {  	[sflag:s28] =	ssyncset.done $0x0  }
0x6c: {  	v1 =	vmov s2;
	[sflag:s28] =	ssyncadd.s32 $0xFFFFFF60  }
0x6d: {  	v1 =	vshll.u32 v1, $0x1;
	_ =	swait.ge [sflag:s28], $0xA0  }
0x6e: {  	v1 =	vor.u32 v0, v1;
	[sflag:s28] =	ssyncset.done $0x0  }
0x6f: {  	[sflag:s28] =	ssyncadd.s32 $0xFFFFFF60  }
0x70: {  	v4 =	vld [tilespmem:s1+$0xFFFFFD80]  }
0x71: {  	v2 =	vor.u32 $0x1, v1;
	v3 =	vld [tilespmem:s1+$0x320]  }
0x72: {  	v5 =	vld [tilespmem:s1+$0xA0]  }
0x73: {  	v1 =	vld.idx.msk [tilespmem:v1+s25+$0x0], $0xffff  }
0x74: {  	v6 =	vld [tilespmem:s1+$0xFFFFFC40]  }
0x75: {  	v7 =	vld [tilespmem:s1+$0xFFFFFBA0]  }
0x76: {  	v2 =	vld.idx.msk [tilespmem:v2+s25+$0x0], $0xffff  }
0x77: {  	v8 =	vld [tilespmem:s1+$0xFFFFFA60]  }
0x78: {  	s26 =	sand.u32 $0xF0, s2;
	v9 =	vld [tilespmem:s1+$0xFFFFFB00]  }
0x79: {  	v11 =	vld [tilespmem:s26+$0x2F80]  }
0x7a: {  	v12 =	vld [tilespmem:s26+$0x2A80]  }
0x7b: {  	v13 =	vld [tilespmem:s1+$0x140]  }
0x7c: {  	v10 =	vld.idx.msk [tilespmem:v3+s2+$0x0], $0xffff  }
0x7d: {  	v3 =	vld.idx.msk [tilespmem:v3+s24+$0x0], $0xffff  }
0x7e: {  	v14 =	vld.idx.msk [tilespmem:v5+s24+$0x0], $0xffff  }
0x7f: {  	v15 =	vld.idx.msk [tilespmem:v8+s24+$0x0], $0xffff  }
0x80: {  	v16 =	vld.idx.msk [tilespmem:v9+s2+$0x0], $0xffff  }
0x81: {  	v9 =	vld.idx.msk [tilespmem:v9+s24+$0x0], $0xffff  }
0x82: {  	v8 =	vld.idx.msk [tilespmem:v8+s2+$0x0], $0xffff  }
0x83: {  	v17 =	vld.idx.msk [tilespmem:v6+s24+$0x0], $0xffff  }
0x84: {  	v5 =	vld.idx.msk [tilespmem:v5+s2+$0x0], $0xffff  }
0x85: {  	v6 =	vld.idx.msk [tilespmem:v6+s2+$0x0], $0xffff  }
0x86: {  	v18 =	vld.idx.msk [tilespmem:v11+s24+$0x0], $0xffff  }
0x87: {  	v11 =	vld.idx.msk [tilespmem:v11+s2+$0x0], $0xffff;
	v10 =	vsub.f32 v1, v10  }
0x88: {  	v3 =	vsub.f32 v2, v3;
	v16 =	vsub.f32 v1, v16  }
0x89: {  	v9 =	vsub.f32 v2, v9;
	v8 =	vsub.f32 v1, v8  }
0x8a: {  	v19 =	vld.idx.msk [tilespmem:v7+s24+$0x0], $0xffff;
	v17 =	vsub.f32 v2, v17;
	v5 =	vsub.f32 v1, v5;
	v10 =	vmul.f32 v10, v10  }
0x8b: {  	v20 =	vld [tilespmem:s1+$0xFFFFFE20];
	v6 =	vsub.f32 v1, v6;
	v3 =	vmul.f32 v3, v3;
	v9 =	vmul.f32 v9, v9  }
0x8c: {  	v21 =	vld.idx.msk [tilespmem:v12+s24+$0x0], $0xffff;
	v11 =	vsub.f32 v1, v11;
	v16 =	vmul.f32 v16, v16;
	v17 =	vmul.f32 v17, v17  }
0x8d: {  	v6 =	vmul.f32 v6, v6;
	v3 =	vadd.f32 v3, v10;
	v10 =	vsub.f32 v2, v15;
	v15 =	vld.idx.msk [tilespmem:v13+s2+$0x0], $0xffff  }
0x8e: {  	v8 =	vmul.f32 v8, v8;
	v13 =	vld.idx.msk [tilespmem:v13+s24+$0x0], $0xffff;
	v9 =	vadd.f32 v9, v16;
	v16 =	vsub.f32 v2, v18  }
0x8f: {  	v18 =	vsub.f32 v2, v19;
	v19 =	vld.idx.msk [tilespmem:v4+s24+$0x0], $0xffff;
	v6 =	vadd.f32 v17, v6;
	v10 =	vmul.f32 v10, v10  }
0x90: {  	v14 =	vsub.f32 v2, v14;
	v5 =	vmul.f32 v5, v5;
	v11 =	vmul.f32 v11, v11;
	v4 =	vld.idx.msk [tilespmem:v4+s2+$0x0], $0xffff  }
0x91: {  	v3 =	vmul.f32 $-2.222222240e-01, v3;
	v6 =	vmul.f32 $-2.222222240e-01, v6;
	v8 =	vadd.f32 v10, v8;
	v10 =	vld.idx.msk [tilespmem:v12+s2+$0x0], $0xffff  }
0x92: {  	v9 =	vmul.f32 $-2.222222240e-01, v9;
	v12 =	vmul.f32 v14, v14;
	v14 =	vld [tilespmem:s1+$0xFFFFFEC0]  }
0x93: {  	v7 =	vld.idx.msk [tilespmem:v7+s2+$0x0], $0xffff;
	v3 =	vmul.f32 $1.442695020e+00, v3;
	v15 =	vsub.f32 v1, v15;
	v13 =	vsub.f32 v2, v13  }
0x94: {  	v8 =	vmul.f32 $-2.222222240e-01, v8;
	v5 =	vadd.f32 v12, v5;
	v12 =	vmul.f32 v16, v16  }
0x95: {  	v15 =	vmul.f32 v15, v15;
	v13 =	vmul.f32 v13, v13  }
0x96: {  	v17 =	vld [tilespmem:s26+$0x2D00];
	v4 =	vsub.f32 v1, v4;
	v16 =	vsub.f32 v2, v21;
	v8 =	vmul.f32 $1.442695020e+00, v8  }
0x97: {  	v60 =	vmul.f32 $-2.222222240e-01, v5;
	v5 =	vadd.f32 v12, v11;
	v11 =	vld.idx.msk [tilespmem:v20+s2+$0x0], $0xffff;
	v13 =	vadd.f32 v13, v15  }
0x98: {  	v12 =	vmul.f32 v18, v18;
	v18 =	vmul.f32 $1.442695020e+00, v6;
	v6 =	vsub.f32 v1, v7;
	v15 =	vld.idx.msk [tilespmem:v20+s24+$0x0], $0xffff  }
0x99: {  	(erf) = vpow2.f32 v8;
	v8 =	vmul.f32 $-2.222222240e-01, v13;
	v13 =	vsub.f32 v2, v19;
	v19 =	vld [tilespmem:s1+$0x0]  }
0x9a: {  	v9 =	vmul.f32 $1.442695020e+00, v9;
	v61 =	vmul.f32 v4, v4;
	v10 =	vsub.f32 v1, v10;
	v7 =	vld.idx.msk [tilespmem:v14+s2+$0x0], $0xffff  }
0x9b: {  	v16 =	vmul.f32 v16, v16;
	v6 =	vmul.f32 v6, v6;
	v14 =	vld.idx.msk [tilespmem:v14+s24+$0x0], $0xffff  }
0x9c: {  	v5 =	vmul.f32 $-2.222222240e-01, v5;
	v10 =	vmul.f32 v10, v10  }
0x9d: {  	(erf) = vpow2.f32 v9;
	v12 =	vadd.f32 v12, v6;
	v11 =	vsub.f32 v1, v11  }
0x9e: {  	v4 =	vmul.f32 $1.442695020e+00, v8;
	v8 =	vadd.f32 v16, v10;
	v10 =	vmul.f32 v13, v13  }
0x9f: {  	v62 =	vld.idx.msk [tilespmem:v17+s24+$0x0], $0xffff;
	v6 =	vmul.f32 $1.442695020e+00, v60;
	v15 =	vsub.f32 v2, v15;
	v12 =	vmul.f32 $-2.222222240e-01, v12  }
0xa0: {  	v22 =	vld.idx.msk [tilespmem:v17+s2+$0x0], $0xffff;
	v10 =	vadd.f32 v10, v61;
	v11 =	vmul.f32 v11, v11;
	v9 =	vsub.f32 v2, v14  }
0xa1: {  	v15 =	vmul.f32 v15, v15;
	v12 =	vmul.f32 $1.442695020e+00, v12;
	v7 =	vsub.f32 v1, v7  }
0xa2: {  	v14 =	vmul.f32 $-2.222222240e-01, v8;
	v63 =	vmul.f32 v9, v9;
	v9 =	vld [tilespmem:s1+$0x280]  }
0xa3: {  	v23 =	vmul.f32 $-2.222222240e-01, v10;
	v17 =	vmul.f32 v7, v7;
	v10 =	vld.idx.msk [tilespmem:v19+s24+$0x0], $0xffff  }
0xa4: {  	v13 =	vsub.f32 v2, v62;
	v16 =	vadd.f32 v15, v11;
	v8 =	vpop (erf);
	(erf) = vpow2.f32 v12;
	v11 =	vld.idx.msk [tilespmem:v19+s2+$0x0], $0xffff  }
0xa5: {  	v15 =	vsub.f32 v1, v22;
	v14 =	vmul.f32 $1.442695020e+00, v14;
	v17 =	vadd.f32 v63, v17  }
0xa6: {  	s29 =	simm.s32 $0x3380;
	s0 =	simm.s32 $0x3380;
	s26 =	simm.s32 $0x10;
	v7 =	vld [tilespmem:s1+$0x3C0];
	v12 =	vmul.f32 $1.442695020e+00, v23;
	v8 =	vadd.f32 $0.0e+00, v8;
	(erf) = vpow2.f32 v18  }
.LBB2_2:
0xa7: {  	p0 =	sne.s32 s26, $0x90;
	v18 =	vmul.f32 $-2.222222240e-01, v16;
	v17 =	vmul.f32 $-2.222222240e-01, v17;
	s29 =	sadd.s32 $0x10, s29;
	s1 =	sadd.s32 $0x10, s1  }
0xa8: {  	v13 =	vmul.f32 v13, v13;
	v10 =	vsub.f32 v2, v10;
	s4 =	smov.u32 s26;
	s26 =	sadd.s32 $0x10, s26;
	(erf) = vpow2.f32 v14  }
0xa9: {  	v15 =	vmul.f32 v15, v15;
	v11 =	vsub.f32 v1, v11;
	v14 =	vmul.f32 $1.442695020e+00, v18;
	v16 =	vpop (erf)  }
0xaa: {  	v10 =	vmul.f32 v10, v10;
	v18 =	vld.idx.msk [tilespmem:v9+s24+$0x0], $0xffff;
	(erf) = vpow2.f32 v12  }
0xab: {  	v12 =	vmul.f32 $1.442695020e+00, v17;
	v13 =	vadd.f32 v13, v15;
	v15 =	vmul.f32 v11, v11;
	v9 =	vld.idx.msk [tilespmem:v9+s2+$0x0], $0xffff  }
0xac: {  	v5 =	vmul.f32 $1.442695020e+00, v5;
	v8 =	vadd.f32 v16, v8;
	(erf) = vpow2.f32 v14  }
0xad: {  	v14 =	vmul.f32 $-2.222222240e-01, v13;
	v10 =	vadd.f32 v10, v15;
	v11 =	vpop (erf)  }
0xae: {  	v8 =	vadd.f32 v11, v8;
	v11 =	vld.idx.msk [tilespmem:v7+s24+$0x0], $0xffff;
	(erf) = vpow2.f32 v12  }
0xaf: {  	v12 =	vmul.f32 $1.442695020e+00, v14;
	v10 =	vmul.f32 $-2.222222240e-01, v10;
	v7 =	vld.idx.msk [tilespmem:v7+s2+$0x0], $0xffff;
	v13 =	vpop (erf)  }
0xb0: {  	v15 =	vsub.f32 v2, v18;
	v8 =	vadd.f32 v13, v8  }
0xb1: {  	v10 =	vmul.f32 $1.442695020e+00, v10;
	v9 =	vsub.f32 v1, v9;
	v14 =	vpop (erf);
	(erf) = vpow2.f32 v12  }
0xb2: {  	v12 =	vmul.f32 v15, v15;
	v8 =	vadd.f32 v14, v8  }
0xb3: {  	v9 =	vmul.f32 v9, v9;
	v13 =	vpop (erf);
	(erf) = vpow2.f32 v10  }
0xb4: {  	v2 =	vsub.f32 v2, v11;
	v8 =	vadd.f32 v13, v8  }
0xb5: {  	v9 =	vadd.f32 v12, v9;
	v1 =	vsub.f32 v1, v7;
	v7 =	vpop (erf);
	(erf) = vpow2.f32 v6  }
0xb6: {  	v2 =	vmul.f32 v2, v2;
	v6 =	vadd.f32 v7, v8;
	(erf) = vpow2.f32 v4  }
0xb7: {  	v4 =	vmul.f32 $-2.222222240e-01, v9;
	v1 =	vmul.f32 v1, v1;
	v7 =	vpop (erf)  }
0xb8: {  	(erf) = vpow2.f32 v5  }
0xb9: {  	v5 =	vadd.f32 v7, v6;
	v6 =	vmul.f32 $1.442695020e+00, v4;
	v1 =	vadd.f32 v2, v1  }
0xba: {  	v2 =	vpop (erf)  }
0xbb: {  	s3 =	sand.u32 $0xF0, s4;
	v1 =	vmul.f32 $-2.222222240e-01, v1;
	v2 =	vadd.f32 v2, v5;
	(erf) = vpow2.f32 v6  }
0xbc: {  	v4 =	vpop (erf)  }
0xbd: {  	v1 =	vmul.f32 $1.442695020e+00, v1;
	v2 =	vadd.f32 v4, v2;
	(erf) = vpow2.f32 v3  }
0xbe: {  	v3 =	vmov s4;
	v4 =	vpop (erf)  }
0xbf: {  	v3 =	vshll.u32 v3, $0x1;
	v2 =	vadd.f32 v4, v2;
	v4 =	vpop (erf);
	(erf) = vpow2.f32 v1  }
0xc0: {  	v1 =	vor.u32 v0, v3  }
0xc1: {  	v3 =	vor.u32 $0x1, v1;
	v2 =	vadd.f32 v4, v2;
	v4 =	vpop (erf);
	_ =	sdelay $0x1  }
0xc2: {  	v2 =	vadd.f32 v4, v2  }
0xc3: {  	v4 =	vpop (erf)  }
0xc4: {  	v2 =	vadd.f32 v4, v2  }
0xc5: {  	v4 =	vpop (erf)  }
0xc6: {  	v2 =	vadd.f32 v4, v2  }
0xc7: {  	v4 =	vpop (erf)  }
0xc8: {  	v2 =	vadd.f32 v4, v2;
	_ =	sdelay $0x1  }
0xc9: {  	v2 =	vmul.f32 $1.999999950e-04, v2;
	_ =	sdelay $0x1  }
0xca: {  	[tilespmem:s0+$0x0] =	vst v2;
	s0 =	smov.u32 s29  }
0xcb: {  	v4 =	vld [tilespmem:s1+$0xFFFFFD80]  }
0xcc: {  	v5 =	vld [tilespmem:s1+$0x320]  }
0xcd: {  	v6 =	vld [tilespmem:s1+$0xA0]  }
0xce: {  	v1 =	vld.idx.msk [tilespmem:v1+s25+$0x0], $0xffff  }
0xcf: {  	v7 =	vld [tilespmem:s1+$0xFFFFFC40]  }
0xd0: {  	v8 =	vld [tilespmem:s1+$0xFFFFFBA0]  }
0xd1: {  	v2 =	vld.idx.msk [tilespmem:v3+s25+$0x0], $0xffff  }
0xd2: {  	v3 =	vld [tilespmem:s1+$0xFFFFFA60]  }
0xd3: {  	v9 =	vld [tilespmem:s1+$0xFFFFFB00]  }
0xd4: {  	v10 =	vld.idx.msk [tilespmem:v5+s2+$0x0], $0xffff  }
0xd5: {  	v5 =	vld.idx.msk [tilespmem:v5+s24+$0x0], $0xffff  }
0xd6: {  	v11 =	vld [tilespmem:s3+$0x2F80]  }
0xd7: {  	v12 =	vld [tilespmem:s3+$0x2A80]  }
0xd8: {  	v13 =	vld [tilespmem:s1+$0x140]  }
0xd9: {  	v14 =	vld.idx.msk [tilespmem:v6+s24+$0x0], $0xffff  }
0xda: {  	v10 =	vsub.f32 v1, v10;
	v15 =	vld.idx.msk [tilespmem:v3+s24+$0x0], $0xffff  }
0xdb: {  	v5 =	vsub.f32 v2, v5;
	v16 =	vld.idx.msk [tilespmem:v9+s2+$0x0], $0xffff  }
0xdc: {  	v9 =	vld.idx.msk [tilespmem:v9+s24+$0x0], $0xffff  }
0xdd: {  	v10 =	vmul.f32 v10, v10;
	v5 =	vmul.f32 v5, v5;
	v3 =	vld.idx.msk [tilespmem:v3+s2+$0x0], $0xffff  }
0xde: {  	v17 =	vld.idx.msk [tilespmem:v7+s24+$0x0], $0xffff  }
0xdf: {  	v5 =	vadd.f32 v5, v10;
	v6 =	vld.idx.msk [tilespmem:v6+s2+$0x0], $0xffff  }
0xe0: {  	v7 =	vld.idx.msk [tilespmem:v7+s2+$0x0], $0xffff  }
0xe1: {  	v10 =	vsub.f32 v2, v15;
	v15 =	vsub.f32 v1, v16;
	v5 =	vmul.f32 $-2.222222240e-01, v5;
	v16 =	vld.idx.msk [tilespmem:v13+s2+$0x0], $0xffff  }
0xe2: {  	v14 =	vsub.f32 v2, v14;
	v9 =	vsub.f32 v2, v9;
	v18 =	vld.idx.msk [tilespmem:v11+s24+$0x0], $0xffff  }
0xe3: {  	v19 =	vsub.f32 v1, v3;
	v3 =	vmul.f32 $1.442695020e+00, v5;
	v13 =	vld.idx.msk [tilespmem:v13+s24+$0x0], $0xffff  }
0xe4: {  	v5 =	vmul.f32 v9, v9;
	v9 =	vsub.f32 v2, v17;
	v11 =	vld.idx.msk [tilespmem:v11+s2+$0x0], $0xffff  }
0xe5: {  	v15 =	vmul.f32 v15, v15;
	v6 =	vsub.f32 v1, v6;
	v17 =	vld.idx.msk [tilespmem:v8+s24+$0x0], $0xffff  }
0xe6: {  	v10 =	vmul.f32 v10, v10;
	v19 =	vmul.f32 v19, v19;
	v7 =	vsub.f32 v1, v7;
	v20 =	vld [tilespmem:s1+$0xFFFFFE20]  }
0xe7: {  	v9 =	vmul.f32 v9, v9;
	v6 =	vmul.f32 v6, v6;
	v16 =	vsub.f32 v1, v16;
	v21 =	vld.idx.msk [tilespmem:v12+s24+$0x0], $0xffff  }
0xe8: {  	v15 =	vadd.f32 v5, v15;
	v10 =	vadd.f32 v10, v19;
	v5 =	vld.idx.msk [tilespmem:v12+s2+$0x0], $0xffff;
	v12 =	vmul.f32 v14, v14  }
0xe9: {  	v18 =	vsub.f32 v2, v18;
	v13 =	vsub.f32 v2, v13;
	v14 =	vld [tilespmem:s1+$0xFFFFFEC0]  }
0xea: {  	v7 =	vmul.f32 v7, v7;
	v10 =	vmul.f32 $-2.222222240e-01, v10;
	v11 =	vsub.f32 v1, v11;
	v8 =	vld.idx.msk [tilespmem:v8+s2+$0x0], $0xffff  }
0xeb: {  	v17 =	vsub.f32 v2, v17;
	v6 =	vadd.f32 v12, v6;
	v12 =	vmul.f32 v16, v16;
	v19 =	vld.idx.msk [tilespmem:v4+s24+$0x0], $0xffff  }
0xec: {  	v16 =	vmul.f32 v18, v18;
	v11 =	vmul.f32 v11, v11;
	v4 =	vld.idx.msk [tilespmem:v4+s2+$0x0], $0xffff  }
0xed: {  	v7 =	vadd.f32 v9, v7;
	v13 =	vmul.f32 v13, v13;
	v9 =	vsub.f32 v2, v21;
	v18 =	vld [tilespmem:s3+$0x2D00]  }
0xee: {  	v10 =	vmul.f32 $1.442695020e+00, v10;
	v6 =	vmul.f32 $-2.222222240e-01, v6;
	v11 =	vadd.f32 v16, v11;
	v21 =	vld.idx.msk [tilespmem:v20+s2+$0x0], $0xffff  }
0xef: {  	v7 =	vmul.f32 $-2.222222240e-01, v7;
	v12 =	vadd.f32 v13, v12;
	v16 =	vmul.f32 v17, v17;
	v17 =	vld.idx.msk [tilespmem:v20+s24+$0x0], $0xffff  }
0xf0: {  	v13 =	vsub.f32 v1, v5;
	v5 =	vmul.f32 $-2.222222240e-01, v11;
	v20 =	vld [tilespmem:s1+$0x0];
	(erf) = vpow2.f32 v10  }
0xf1: {  	v22 =	vmul.f32 $1.442695020e+00, v7;
	v12 =	vmul.f32 $-2.222222240e-01, v12;
	v10 =	vsub.f32 v2, v19;
	v11 =	vld.idx.msk [tilespmem:v14+s2+$0x0], $0xffff  }
0xf2: {  	v8 =	vsub.f32 v1, v8;
	v13 =	vmul.f32 v13, v13;
	v4 =	vsub.f32 v1, v4;
	v14 =	vld.idx.msk [tilespmem:v14+s24+$0x0], $0xffff  }
0xf3: {  	v15 =	vmul.f32 $-2.222222240e-01, v15;
	v9 =	vmul.f32 v9, v9;
	v7 =	vld [tilespmem:s1+$0x3C0]  }
0xf4: {  	v8 =	vmul.f32 v8, v8;
	v19 =	vmul.f32 v4, v4  }
0xf5: {  	v15 =	vmul.f32 $1.442695020e+00, v15;
	v21 =	vsub.f32 v1, v21;
	v17 =	vsub.f32 v2, v17  }
0xf6: {  	v6 =	vmul.f32 $1.442695020e+00, v6;
	v23 =	vadd.f32 v16, v8;
	v4 =	vmul.f32 $1.442695020e+00, v12;
	v16 =	vld.idx.msk [tilespmem:v18+s24+$0x0], $0xffff  }
0xf7: {  	v9 =	vadd.f32 v9, v13;
	v10 =	vmul.f32 v10, v10;
	v11 =	vsub.f32 v1, v11;
	v18 =	vld.idx.msk [tilespmem:v18+s2+$0x0], $0xffff  }
0xf8: {  	v12 =	vmul.f32 $-2.222222240e-01, v23;
	v13 =	vsub.f32 v2, v14;
	(erf) = vpow2.f32 v15  }
0xf9: {  	v17 =	vmul.f32 v17, v17;
	v14 =	vmul.f32 $-2.222222240e-01, v9;
	v15 =	vadd.f32 v10, v19;
	v9 =	vld [tilespmem:s1+$0x280];
	v8 =	vpop (erf)  }
.Ltmp0:
0xfa: {  	v12 =	vmul.f32 $1.442695020e+00, v12;
	v19 =	vmul.f32 v11, v11;
	v8 =	vadd.f32 $0.0e+00, v8;
	v10 =	vld.idx.msk [tilespmem:v20+s24+$0x0], $0xffff;
	(pc) =	sbr.rel @p0 .LBB2_2-.Ltmp0, $4  }
0xfb: {  	v21 =	vmul.f32 v21, v21;
	v23 =	vmul.f32 v13, v13;
	v11 =	vld.idx.msk [tilespmem:v20+s2+$0x0], $0xffff  }
0xfc: {  	v15 =	vmul.f32 $-2.222222240e-01, v15;
	v13 =	vsub.f32 v2, v16;
	(erf) = vpow2.f32 v12  }
0xfd: {  	v14 =	vmul.f32 $1.442695020e+00, v14;
	v16 =	vadd.f32 v17, v21;
	v17 =	vadd.f32 v23, v19  }
0xfe: {  	v12 =	vmul.f32 $1.442695020e+00, v15;
	v15 =	vsub.f32 v1, v18;
	(erf) = vpow2.f32 v22  }
0xff: {  	v16 =	vmul.f32 $-2.222222240e-01, v16;
	v17 =	vmul.f32 $-2.222222240e-01, v17  }
0x100: {  	v13 =	vmul.f32 v13, v13;
	(erf) = vpow2.f32 v14  }
0x101: {  	v10 =	vsub.f32 v2, v10;
	v43 =	vmul.f32 v15, v15;
	v11 =	vsub.f32 v1, v11  }
0x102: {  	(erf) = vpow2.f32 v12;
	v44 =	vmul.f32 $1.442695020e+00, v16  }
0x103: {  	v45 =	vpop (erf);
	v10 =	vmul.f32 v10, v10;
	v13 =	vadd.f32 v13, v43;
	v11 =	vmul.f32 v11, v11  }
0x104: {  	v46 =	vld.idx.msk [tilespmem:v9+s24+$0x0], $0xffff;
	v47 =	vmul.f32 $1.442695020e+00, v17;
	v8 =	vadd.f32 v45, v8  }
0x105: {  	v48 =	vld.idx.msk [tilespmem:v9+s2+$0x0], $0xffff;
	(erf) = vpow2.f32 v44;
	v49 =	vmul.f32 $-2.222222240e-01, v13;
	v10 =	vadd.f32 v10, v11  }
0x106: {  	v50 =	vpop (erf);
	(erf) = vpow2.f32 v47  }
0x107: {  	v51 =	vld.idx.msk [tilespmem:v7+s24+$0x0], $0xffff;
	v8 =	vadd.f32 v50, v8;
	v12 =	vmul.f32 $1.442695020e+00, v49;
	v10 =	vmul.f32 $-2.222222240e-01, v10  }
0x108: {  	v53 =	vld.idx.msk [tilespmem:v7+s2+$0x0], $0xffff;
	v52 =	vpop (erf)  }
0x109: {  	v8 =	vadd.f32 v52, v8;
	v10 =	vmul.f32 $1.442695020e+00, v10;
	(erf) = vpow2.f32 v12  }
0x10a: {  	v54 =	vsub.f32 v2, v46;
	v9 =	vsub.f32 v1, v48;
	v55 =	vpop (erf)  }
0x10b: {  	v8 =	vadd.f32 v55, v8;
	(erf) = vpow2.f32 v10  }
0x10c: {  	v2 =	vsub.f32 v2, v51;
	v56 =	vmul.f32 v54, v54;
	v9 =	vmul.f32 v9, v9;
	v57 =	vpop (erf)  }
0x10d: {  	v1 =	vsub.f32 v1, v53;
	(erf) = vpow2.f32 v6;
	v8 =	vadd.f32 v57, v8  }
0x10e: {  	v2 =	vmul.f32 v2, v2;
	v9 =	vadd.f32 v56, v9;
	v58 =	vpop (erf)  }
0x10f: {  	v5 =	vmul.f32 $1.442695020e+00, v5;
	v1 =	vmul.f32 v1, v1;
	v59 =	vadd.f32 v58, v8  }
0x110: {  	v60 =	vmul.f32 $-2.222222240e-01, v9;
	(erf) = vpow2.f32 v4;
	v61 =	vpop (erf)  }
0x111: {  	v1 =	vadd.f32 v2, v1;
	v4 =	vadd.f32 v61, v59  }
0x112: {  	v62 =	vmul.f32 $1.442695020e+00, v60;
	(erf) = vpow2.f32 v5;
	v2 =	vpop (erf)  }
0x113: {  	v1 =	vmul.f32 $-2.222222240e-01, v1;
	v2 =	vadd.f32 v2, v4  }
0x114: {  	(erf) = vpow2.f32 v62;
	v63 =	vpop (erf)  }
0x115: {  	v1 =	vmul.f32 $1.442695020e+00, v1;
	v2 =	vadd.f32 v63, v2  }
0x116: {  	(erf) = vpow2.f32 v3;
	v3 =	vpop (erf)  }
0x117: {  	v2 =	vadd.f32 v3, v2  }
0x118: {  	(erf) = vpow2.f32 v1  }
0x119: {  	v1 =	vpop (erf)  }
0x11a: {  	v1 =	vadd.f32 v1, v2  }
0x11b: {  	v2 =	vpop (erf)  }
0x11c: {  	v1 =	vadd.f32 v2, v1  }
0x11d: {  	v2 =	vpop (erf)  }
0x11e: {  	v1 =	vadd.f32 v2, v1  }
0x11f: {  	v2 =	vpop (erf)  }
0x120: {  	v1 =	vadd.f32 v2, v1  }
0x121: {  	v2 =	vpop (erf)  }
0x122: {  	v1 =	vadd.f32 v2, v1;
	_ =	sdelay $0x1  }
0x123: {  	s31 =	sadd.s32 $0x1, s31;
	v1 =	vmul.f32 $1.999999950e-04, v1  }
0x124: {  	p0 =	sne.s32 s31, s23  }
.Ltmp1:
0x125: {  	s29 =	simm.s32 $0x3380;
	[tilespmem:s0+$0x0] =	vst v1;
	(pc) =	sbr.rel @p0 .LBB2_1-.Ltmp1, $4  }
0x126: {  	[hbm4b:s22+s2] =	stream.linear.scatter [tilespmem:s29], [sflag:$0x2], $0xA0, $0x38;
	[tilespmem:$0x3480] =	vst v63  }
0x127: {  	_ =	swait.ge [sflag:s30], $0xA0  }
0x128: {  	[sflag:s30] =	ssyncset.done $0x0  }
0x129: {  	[sflag:s30] =	ssyncadd.s32 $0xFFFFFF60  }
0x12a: {  	_ =	sfence.sel $0x180000  }
0x12b: {  	[bflag:$0x0] =	sbarrier.arrive $0xFFFF  }
0x12c: {  	_ =	strace $0x90000047  }
0x12d: {  	s0 =	stileid.u32;
	[bflag:$0x2] =	sbarrier.arrive $0xFFFF  }
0x12e: {  	p0 =	sne.s32 s0, $0x0;
	s0 =	rddreg [dreg:$0x1]  }
0x12f: {  	s0 =	sadd.s32 @!p0 $0x100000, s0  }
0x130: {  	[sflag:s0] =	ssyncadd.tile.s32 @!p0 $0x1;
	_ =	shalt  }
.Lfunc_end2:
_tile_overlayer_lowered:
.L_overlay_start_2:
0x131: {  	(tag) =	ssettag $0x2  }
0x132: {  	s0 =	rddreg [dreg:$0x0];
	s2 =	stileid.u32  }
0x133: {  	s1 =	rddreg [dreg:$0x1];
	p0 =	sne.s32 s2, $0x0  }
0x134: {  	s3 =	rddreg [dreg:$0x2];
	[bflag:$0x3] =	sbarrier.arrive $0xFFFF;
	s2 =	simm.s32 @!p0 $0x1C02  }
0x135: {  	[timem:s3], [sflag:s2] =	dma.local @!p0 [hbm:s0], s1  }
0x136: {  	s0 =	simm.s32 @!p0 $0x2  }
0x137: {  	_ =	swait.ge @!p0 [sflag:s0], s1  }
0x138: {  	s1 =	ssub.s32 @!p0 $0x0, s1;
	[sflag:s0] =	ssyncset.done @!p0 $0x0  }
0x139: {  	[sflag:s0] =	ssyncadd.s32 @!p0 s1  }
0x13a: {  	[bflag:$0x3] =	sbarrier.arrive $0xFFFF  }
0x13b: {  	_ =	shalt  }

</sc_bundles>
